<compile_context>
chip_gen: v7x
topology: tpu7x:2x2x1
jax: 0.10.2.dev20260603
libtpu: 0.0.44.dev20260713+nightly
codegen_flags: <defaults>
</compile_context>

<pallas_src>
import functools

import jax
import jax.numpy as jnp
from jax import lax
from jax.experimental import pallas as pl
from jax.experimental.pallas import tpu as pltpu
from jax.experimental.pallas import tpu_sc as plsc

V = 10000
F = 128
H = 128
C = 16
E = 320000

NC, NS, L = 2, 16, 16
NW = NC * NS
CHUNK = 128
CH = -(-E // (NW * CHUNK))
EP = NW * CH * CHUNK
VP = 10240
RPT = VP // NS

_mesh = plsc.VectorSubcoreMesh(core_axis_name="c", subcore_axis_name="s")
_sc_params = pltpu.CompilerParams(use_tc_tiling_on_sc=False)


def _fill_rows(ref, n, d, val):
    v = jnp.full((L,), val, jnp.float32)

    def body(i, _):
        for j in range(d // L):
            ref[i, pl.ds(j * L, L)] = v
        return 0

    lax.fori_loop(0, n, body, 0)


def _make_deg_kernel():
    @functools.partial(
        pl.kernel,
        mesh=_mesh,
        compiler_params=_sc_params,
        out_type=jax.ShapeDtypeStruct((NC, VP, L), jnp.float32),
        scratch_types=[
            pltpu.VMEM((CH, CHUNK), jnp.int32),
            pltpu.VMEM((128, L), jnp.float32),
            pltpu.VMEM((128, L), jnp.float32),
            pltpu.VMEM_SHARED((VP, L), jnp.float32),
        ],
    )
    def deg_kernel(dst_hbm, out_hbm, dstv, onesb, zb, acc):
        c = lax.axis_index("c")
        s = lax.axis_index("s")
        pltpu.sync_copy(dst_hbm.at[c, s], dstv)
        _fill_rows(onesb, 128, L, 1.0)
        _fill_rows(zb, 128, L, 0.0)
        for k in range(RPT // 128):
            pltpu.sync_copy(zb, acc.at[pl.ds(s * RPT + k * 128, 128)])
        plsc.subcore_barrier()

        def body(j, _):
            pltpu.sync_copy(onesb, acc.at[dstv.at[j]], add=True)
            return 0

        lax.fori_loop(0, CH, body, 0)
        plsc.subcore_barrier()
        for k in range(RPT // 128):
            pltpu.sync_copy(acc.at[pl.ds(s * RPT + k * 128, 128)], zb)
            pltpu.sync_copy(zb, out_hbm.at[c, pl.ds(s * RPT + k * 128, 128)])

    return deg_kernel


def _make_edge_kernel(d):

    @functools.partial(
        pl.kernel,
        mesh=_mesh,
        compiler_params=_sc_params,
        out_type=jax.ShapeDtypeStruct((NC, VP, d), jnp.float32),
        scratch_types=[
            pltpu.VMEM((CH, CHUNK), jnp.int32),
            pltpu.VMEM((CH, CHUNK), jnp.int32),
            pltpu.VMEM((CHUNK, d), jnp.float32),
            pltpu.VMEM_SHARED((VP, d), jnp.float32),
            pltpu.SemaphoreType.DMA,
        ],
    )
    def edge_kernel(src_hbm, dst_hbm, g_hbm, out_hbm, srcv, dstv, rows,
                    acc, sem):
        c = lax.axis_index("c")
        s = lax.axis_index("s")
        pltpu.sync_copy(src_hbm.at[c, s], srcv)
        pltpu.sync_copy(dst_hbm.at[c, s], dstv)
        _fill_rows(rows, CHUNK, d, 0.0)
        for k in range(RPT // 128):
            pltpu.sync_copy(rows, acc.at[pl.ds(s * RPT + k * 128, 128)])
        plsc.subcore_barrier()

        def body(j, _):
            pltpu.async_copy(g_hbm.at[srcv.at[j]], rows, sem).wait()
            pltpu.sync_copy(rows, acc.at[dstv.at[j]], add=True)
            return 0

        lax.fori_loop(0, CH, body, 0)
        plsc.subcore_barrier()
        for k in range(RPT // 128):
            pltpu.sync_copy(acc.at[pl.ds(s * RPT + k * 128, 128)], rows)
            pltpu.sync_copy(rows, out_hbm.at[c, pl.ds(s * RPT + k * 128, 128)])

    return edge_kernel


_deg_kernel = _make_deg_kernel()
_edge_kernel_h = _make_edge_kernel(H)
_edge_kernel_c = _make_edge_kernel(C)



_BLK = 512
_GRID = VP // _BLK


def _dinv_block(degp):
    deg = 1.0 + degp[0] + degp[1]
    return lax.rsqrt(deg)


def _tc_b0_body(x, w1, h1):
    h1[...] = jnp.dot(x[...], w1[...], preferred_element_type=jnp.float32)


def _tc_b_body(degp, h, g1):
    dinv = _dinv_block(degp[...])
    g1[...] = h[...] * jnp.broadcast_to(dinv[:, 0:1], h.shape)


def _tc_d_body(degp, s1, g1, b1, w2, g2):
    dinv = _dinv_block(degp[...])
    blk = g1.shape[0]
    dinvb = jnp.broadcast_to(dinv[:, 0:1], (blk, H))
    pre = dinvb * (s1[0] + s1[1] + g1[...]) + b1[...]
    o = jnp.maximum(pre, 0.0)
    h2 = jnp.dot(o, w2[...], preferred_element_type=jnp.float32)
    g2[...] = h2 * dinv


def _tc_f_body(degp, s2, g2, b2, out):
    dinv = _dinv_block(degp[...])
    out[...] = dinv * (s2[0] + s2[1] + g2[...]) + b2[...]


def _tc_b0(x, w1):
    return pl.pallas_call(
        _tc_b0_body,
        grid=(_GRID,),
        in_specs=[
            pl.BlockSpec((_BLK, F), lambda i: (i, 0)),
            pl.BlockSpec((F, H), lambda i: (0, 0)),
        ],
        out_specs=pl.BlockSpec((_BLK, H), lambda i: (i, 0)),
        out_shape=jax.ShapeDtypeStruct((VP, H), jnp.float32),
    )(x, w1)


def _tc_b(degp, h):
    return pl.pallas_call(
        _tc_b_body,
        grid=(_GRID,),
        in_specs=[
            pl.BlockSpec((NC, _BLK, L), lambda i: (0, i, 0)),
            pl.BlockSpec((_BLK, H), lambda i: (i, 0)),
        ],
        out_specs=pl.BlockSpec((_BLK, H), lambda i: (i, 0)),
        out_shape=jax.ShapeDtypeStruct((VP, H), jnp.float32),
    )(degp, h)


def _tc_d(degp, s1, g1, b1, w2):
    return pl.pallas_call(
        _tc_d_body,
        grid=(_GRID,),
        in_specs=[
            pl.BlockSpec((NC, _BLK, L), lambda i: (0, i, 0)),
            pl.BlockSpec((NC, _BLK, H), lambda i: (0, i, 0)),
            pl.BlockSpec((_BLK, H), lambda i: (i, 0)),
            pl.BlockSpec((1, H), lambda i: (0, 0)),
            pl.BlockSpec((H, C), lambda i: (0, 0)),
        ],
        out_specs=pl.BlockSpec((_BLK, C), lambda i: (i, 0)),
        out_shape=jax.ShapeDtypeStruct((VP, C), jnp.float32),
    )(degp, s1, g1, b1, w2)


def _tc_f(degp, s2, g2, b2):
    return pl.pallas_call(
        _tc_f_body,
        grid=(_GRID,),
        in_specs=[
            pl.BlockSpec((NC, _BLK, L), lambda i: (0, i, 0)),
            pl.BlockSpec((NC, _BLK, C), lambda i: (0, i, 0)),
            pl.BlockSpec((_BLK, C), lambda i: (i, 0)),
            pl.BlockSpec((1, C), lambda i: (0, 0)),
        ],
        out_specs=pl.BlockSpec((_BLK, C), lambda i: (i, 0)),
        out_shape=jax.ShapeDtypeStruct((VP, C), jnp.float32),
    )(degp, s2, g2, b2)


def kernel(x, edge_index, W1, b1, W2, b2):
    src = edge_index[0].astype(jnp.int32)
    dst = edge_index[1].astype(jnp.int32)
    pad = EP - E

    def slab(a, fill):
        a = jnp.concatenate([a, fill])
        return a.reshape(NC, NS, CH, CHUNK)

    src_r = slab(src, jnp.full((pad,), V, jnp.int32))
    dst_r = slab(dst, V + (jnp.arange(pad, dtype=jnp.int32) % (VP - V)))
    x_p = jnp.zeros((VP, F), jnp.float32).at[:V].set(x)

    h1 = _tc_b0(x_p, W1)
    degp = _deg_kernel(dst_r)
    g1 = _tc_b(degp, h1)
    s1 = _edge_kernel_h(src_r, dst_r, g1)
    g2 = _tc_d(degp, s1, g1, b1.reshape(1, H), W2)
    s2 = _edge_kernel_c(src_r, dst_r, g2)
    out = _tc_f(degp, s2, g2, b2.reshape(1, C))
    return out[:V]

# --- scband reference (transcript-rebuilt; emitter-appended) ---
"""Pipeline reference for scband-gcn-1821066134056 (READ-ONLY COPY).

The authoritative reference and input builder live on the scoring server;
editing this copy changes nothing except your own understanding.
"""

import jax, jax.numpy as jnp
import numpy as np

NUM_NODES = 10000
NUM_FEATURES = 128
HIDDEN_CHANNELS = 128
NUM_CLASSES = 16
NUM_EDGES = 320000


def setup_inputs(seed: int = 0) -> dict:
    key = jax.random.key(seed)
    k1, k2, k3, k4, k5, k6 = jax.random.split(key, 6)
    x = jax.random.normal(k1, (NUM_NODES, NUM_FEATURES), dtype=jnp.float32)
    edge_index = jax.random.randint(k2, (2, NUM_EDGES), 0, NUM_NODES, dtype=jnp.int64)
    # GCNConv layer 1 params (glorot-style scale)
    W1 = jax.random.normal(k3, (NUM_FEATURES, HIDDEN_CHANNELS), dtype=jnp.float32) * (1.0 / np.sqrt(NUM_FEATURES))
    b1 = jnp.zeros((HIDDEN_CHANNELS,), dtype=jnp.float32)
    # GCNConv layer 2 params
    W2 = jax.random.normal(k4, (HIDDEN_CHANNELS, NUM_CLASSES), dtype=jnp.float32) * (1.0 / np.sqrt(HIDDEN_CHANNELS))
    b2 = jnp.zeros((NUM_CLASSES,), dtype=jnp.float32)
    return {"x": x, "edge_index": edge_index, "W1": W1, "b1": b1, "W2": W2, "b2": b2}


def _gcn_conv(x, edge_index, W, b):
    # PyG GCNConv: out = D^{-1/2} (A + I) D^{-1/2} X W + b
    num_nodes = x.shape[0]
    src = edge_index[0]
    dst = edge_index[1]
    loop = jnp.arange(num_nodes, dtype=src.dtype)
    src = jnp.concatenate([src, loop])
    dst = jnp.concatenate([dst, loop])
    # symmetric normalization
    deg = jnp.zeros((num_nodes,), dtype=x.dtype).at[dst].add(1.0)
    deg_inv_sqrt = jnp.where(deg > 0, jax.lax.rsqrt(jnp.maximum(deg, 1e-12)), 0.0)
    norm = deg_inv_sqrt[src] * deg_inv_sqrt[dst]
    # linear transform first (as in PyG), then propagate
    h = x @ W
    msg = h[src] * norm[:, None]
    out = jnp.zeros((num_nodes, h.shape[1]), dtype=h.dtype).at[dst].add(msg)
    return out + b


def reference(x, edge_index, W1, b1, W2, b2):
    h = _gcn_conv(x, edge_index, W1, b1)
    h = jax.nn.relu(h)
    # dropout is identity in eval mode (training=False)
    out = _gcn_conv(h, edge_index, W2, b2)
    return out

if __name__ == "__main__":
    import jax
    _d = setup_inputs()
    print(jax.jit(kernel)(*tuple(_d.values())))

</pallas_src>

<mosaic_0001>
#map = affine_map<(d0, d1) -> (0, 0, 0, 0)>
#map1 = affine_map<(d0, d1) -> (0, 0, 0)>
module attributes {stable_mosaic.version = 14 : i64} {
  func.func @deg_kernel(%arg0: i32, %arg1: i32, %arg2: memref<2x16x79x128xi32, #tpu.memory_space<hbm>>, %arg3: memref<2x10240x16xf32, #tpu.memory_space<hbm>>, %arg4: memref<79x128xi32, #tpu.memory_space<vmem>>, %arg5: memref<128x16xf32, #tpu.memory_space<vmem>>, %arg6: memref<128x16xf32, #tpu.memory_space<vmem>>, %arg7: memref<10240x16xf32, #tpu.memory_space<vmem_shared>>) attributes {dimension_semantics = [#tpu.dimension_semantics<core_parallel>, #tpu.dimension_semantics<subcore_parallel>], iteration_bounds = array<i64: 2, 16>, scalar_prefetch = 0 : i64, scratch_operands = 4 : i64, tpu.core_type = #tpu.core_type<sc_vector_subcore>, window_params = [{transform_indices = #map}, {transform_indices = #map1}]} {
    "tpu.region"() ({
      %run_scoped3A = tpu.sem_alloc : memref<!tpu.dma_semaphore, #tpu.memory_space<semaphore_mem>>
      %dma_start3A = arith.constant 0 : i32
      %dma_start3A_82 = arith.constant 0 : i32
      %dma_start3A_83 = tpu.memref_slice %arg2[%arg0, %arg1, %dma_start3A, %dma_start3A_82] : memref<2x16x79x128xi32, #tpu.memory_space<hbm>> -> memref<1x1x79x128xi32, #tpu.memory_space<hbm>>
      %dma_start3A_84 = tpu.memref_squeeze %dma_start3A_83 : memref<1x1x79x128xi32, #tpu.memory_space<hbm>> -> memref<79x128xi32, #tpu.memory_space<hbm>>
      %dma_start3A_85 = arith.constant 0 : i32
      %dma_start3A_86 = arith.constant 0 : i32
      %dma_start3A_87 = tpu.memref_slice %arg2[%arg0, %arg1, %dma_start3A_85, %dma_start3A_86] : memref<2x16x79x128xi32, #tpu.memory_space<hbm>> -> memref<1x1x79x128xi32, #tpu.memory_space<hbm>>
      %dma_start3A_88 = tpu.memref_squeeze %dma_start3A_87 : memref<1x1x79x128xi32, #tpu.memory_space<hbm>> -> memref<79x128xi32, #tpu.memory_space<hbm>>
      tpu.enqueue_dma source(%dma_start3A_88 : memref<79x128xi32, #tpu.memory_space<hbm>>) target(%arg4 : memref<79x128xi32, #tpu.memory_space<vmem>>) target_semaphore(%run_scoped3A : memref<!tpu.dma_semaphore, #tpu.memory_space<semaphore_mem>>)
      %dma_wait3A = arith.constant 0 : i32
      %dma_wait3A_89 = arith.constant 0 : i32
      %dma_wait3A_90 = tpu.memref_slice %arg2[%arg0, %arg1, %dma_wait3A, %dma_wait3A_89] : memref<2x16x79x128xi32, #tpu.memory_space<hbm>> -> memref<1x1x79x128xi32, #tpu.memory_space<hbm>>
      %dma_wait3A_91 = tpu.memref_squeeze %dma_wait3A_90 : memref<1x1x79x128xi32, #tpu.memory_space<hbm>> -> memref<79x128xi32, #tpu.memory_space<hbm>>
      %dma_wait3A_92 = arith.constant 0 : i32
      %dma_wait3A_93 = arith.constant 0 : i32
      %dma_wait3A_94 = tpu.memref_slice %arg2[%arg0, %arg1, %dma_wait3A_92, %dma_wait3A_93] : memref<2x16x79x128xi32, #tpu.memory_space<hbm>> -> memref<1x1x79x128xi32, #tpu.memory_space<hbm>>
      %dma_wait3A_95 = tpu.memref_squeeze %dma_wait3A_94 : memref<1x1x79x128xi32, #tpu.memory_space<hbm>> -> memref<79x128xi32, #tpu.memory_space<hbm>>
      tpu.wait_dma2 semaphore(%run_scoped3A : memref<!tpu.dma_semaphore, #tpu.memory_space<semaphore_mem>>) src(%dma_wait3A_95 : memref<79x128xi32, #tpu.memory_space<hbm>>) dst(%arg4 : memref<79x128xi32, #tpu.memory_space<vmem>>)
      tpu.yield
    }) : () -> ()
    %broadcast_in_dim3A = arith.constant 1.000000e+00 : f32
    %broadcast_in_dim3A_0 = vector.broadcast %broadcast_in_dim3A : f32 to vector<16xf32>
    %scan3A = arith.constant 0 : i32
    %scan3A_1 = arith.constant 0 : i32
    %scan3A_2 = arith.constant 128 : i32
    %scan3A_3 = arith.addi %scan3A_1, %scan3A_2 : i32
    %scan3A_4 = arith.constant 1 : i32
    %scan3A_5 = scf.for %scan3A_82 = %scan3A_1 to %scan3A_3 step %scan3A_4 iter_args(%scan3A_83 = %scan3A) -> (i32)  : i32 {
      %swap3A = arith.index_cast %scan3A_82 : i32 to index
      %swap3A_84 = arith.constant 0 : index
      %swap3A_85 = tpu.vector_load %arg5[%swap3A, %swap3A_84] {strides = array<i32>} : memref<128x16xf32, #tpu.memory_space<vmem>>, vector<1x16xf32>,
      %swap3A_86 = vector.shape_cast %swap3A_85 : vector<1x16xf32> to vector<16xf32>
      %swap3A_87 = vector.shape_cast %broadcast_in_dim3A_0 : vector<16xf32> to vector<1x16xf32>
      tpu.vector_store %arg5[%swap3A, %swap3A_84], %swap3A_87 {strides = array<i32>} : memref<128x16xf32, #tpu.memory_space<vmem>>, vector<1x16xf32>,
      %scan3A_88 = arith.constant 0 : i32
      scf.yield %scan3A_88 : i32
    }
    %scan3A_6 = arith.constant 128 : i32
    %broadcast_in_dim3A_7 = arith.constant 0.000000e+00 : f32
    %broadcast_in_dim3A_8 = vector.broadcast %broadcast_in_dim3A_7 : f32 to vector<16xf32>
    %scan3A_9 = arith.constant 0 : i32
    %scan3A_10 = arith.constant 0 : i32
    %scan3A_11 = arith.constant 128 : i32
    %scan3A_12 = arith.addi %scan3A_10, %scan3A_11 : i32
    %scan3A_13 = arith.constant 1 : i32
    %scan3A_14 = scf.for %scan3A_82 = %scan3A_10 to %scan3A_12 step %scan3A_13 iter_args(%scan3A_83 = %scan3A_9) -> (i32)  : i32 {
      %swap3A = arith.index_cast %scan3A_82 : i32 to index
      %swap3A_84 = arith.constant 0 : index
      %swap3A_85 = tpu.vector_load %arg6[%swap3A, %swap3A_84] {strides = array<i32>} : memref<128x16xf32, #tpu.memory_space<vmem>>, vector<1x16xf32>,
      %swap3A_86 = vector.shape_cast %swap3A_85 : vector<1x16xf32> to vector<16xf32>
      %swap3A_87 = vector.shape_cast %broadcast_in_dim3A_8 : vector<16xf32> to vector<1x16xf32>
      tpu.vector_store %arg6[%swap3A, %swap3A_84], %swap3A_87 {strides = array<i32>} : memref<128x16xf32, #tpu.memory_space<vmem>>, vector<1x16xf32>,
      %scan3A_88 = arith.constant 0 : i32
      scf.yield %scan3A_88 : i32
    }
    %scan3A_15 = arith.constant 128 : i32
    %mul3A = arith.constant 640 : i32
    %mul3A_16 = arith.muli %arg1, %mul3A : i32
    %add3A = arith.constant 0 : i32
    %add3A_17 = arith.addi %mul3A_16, %add3A : i32
    "tpu.region"() ({
      %run_scoped3A = tpu.sem_alloc : memref<!tpu.dma_semaphore, #tpu.memory_space<semaphore_mem>>
      %dma_start3A = arith.constant 0 : i32
      %dma_start3A_82 = tpu.memref_slice %arg7[%add3A_17, %dma_start3A] : memref<10240x16xf32, #tpu.memory_space<vmem_shared>> -> memref<128x16xf32, #tpu.memory_space<vmem_shared>>
      %dma_start3A_83 = arith.constant 0 : i32
      %dma_start3A_84 = tpu.memref_slice %arg7[%add3A_17, %dma_start3A_83] : memref<10240x16xf32, #tpu.memory_space<vmem_shared>> -> memref<128x16xf32, #tpu.memory_space<vmem_shared>>
      tpu.enqueue_dma source(%arg6 : memref<128x16xf32, #tpu.memory_space<vmem>>) target(%dma_start3A_84 : memref<128x16xf32, #tpu.memory_space<vmem_shared>>) target_semaphore(%run_scoped3A : memref<!tpu.dma_semaphore, #tpu.memory_space<semaphore_mem>>)
      %dma_wait3A = arith.constant 0 : i32
      %dma_wait3A_85 = tpu.memref_slice %arg7[%add3A_17, %dma_wait3A] : memref<10240x16xf32, #tpu.memory_space<vmem_shared>> -> memref<128x16xf32, #tpu.memory_space<vmem_shared>>
      %dma_wait3A_86 = arith.constant 0 : i32
      %dma_wait3A_87 = tpu.memref_slice %arg7[%add3A_17, %dma_wait3A_86] : memref<10240x16xf32, #tpu.memory_space<vmem_shared>> -> memref<128x16xf32, #tpu.memory_space<vmem_shared>>
      tpu.wait_dma2 semaphore(%run_scoped3A : memref<!tpu.dma_semaphore, #tpu.memory_space<semaphore_mem>>) src(%arg6 : memref<128x16xf32, #tpu.memory_space<vmem>>) dst(%dma_wait3A_87 : memref<128x16xf32, #tpu.memory_space<vmem_shared>>)
      tpu.yield
    }) : () -> ()
    %mul3A_18 = arith.constant 640 : i32
    %mul3A_19 = arith.muli %arg1, %mul3A_18 : i32
    %add3A_20 = arith.constant 128 : i32
    %add3A_21 = arith.addi %mul3A_19, %add3A_20 : i32
    "tpu.region"() ({
      %run_scoped3A = tpu.sem_alloc : memref<!tpu.dma_semaphore, #tpu.memory_space<semaphore_mem>>
      %dma_start3A = arith.constant 0 : i32
      %dma_start3A_82 = tpu.memref_slice %arg7[%add3A_21, %dma_start3A] : memref<10240x16xf32, #tpu.memory_space<vmem_shared>> -> memref<128x16xf32, #tpu.memory_space<vmem_shared>>
      %dma_start3A_83 = arith.constant 0 : i32
      %dma_start3A_84 = tpu.memref_slice %arg7[%add3A_21, %dma_start3A_83] : memref<10240x16xf32, #tpu.memory_space<vmem_shared>> -> memref<128x16xf32, #tpu.memory_space<vmem_shared>>
      tpu.enqueue_dma source(%arg6 : memref<128x16xf32, #tpu.memory_space<vmem>>) target(%dma_start3A_84 : memref<128x16xf32, #tpu.memory_space<vmem_shared>>) target_semaphore(%run_scoped3A : memref<!tpu.dma_semaphore, #tpu.memory_space<semaphore_mem>>)
      %dma_wait3A = arith.constant 0 : i32
      %dma_wait3A_85 = tpu.memref_slice %arg7[%add3A_21, %dma_wait3A] : memref<10240x16xf32, #tpu.memory_space<vmem_shared>> -> memref<128x16xf32, #tpu.memory_space<vmem_shared>>
      %dma_wait3A_86 = arith.constant 0 : i32
      %dma_wait3A_87 = tpu.memref_slice %arg7[%add3A_21, %dma_wait3A_86] : memref<10240x16xf32, #tpu.memory_space<vmem_shared>> -> memref<128x16xf32, #tpu.memory_space<vmem_shared>>
      tpu.wait_dma2 semaphore(%run_scoped3A : memref<!tpu.dma_semaphore, #tpu.memory_space<semaphore_mem>>) src(%arg6 : memref<128x16xf32, #tpu.memory_space<vmem>>) dst(%dma_wait3A_87 : memref<128x16xf32, #tpu.memory_space<vmem_shared>>)
      tpu.yield
    }) : () -> ()
    %mul3A_22 = arith.constant 640 : i32
    %mul3A_23 = arith.muli %arg1, %mul3A_22 : i32
    %add3A_24 = arith.constant 256 : i32
    %add3A_25 = arith.addi %mul3A_23, %add3A_24 : i32
    "tpu.region"() ({
      %run_scoped3A = tpu.sem_alloc : memref<!tpu.dma_semaphore, #tpu.memory_space<semaphore_mem>>
      %dma_start3A = arith.constant 0 : i32
      %dma_start3A_82 = tpu.memref_slice %arg7[%add3A_25, %dma_start3A] : memref<10240x16xf32, #tpu.memory_space<vmem_shared>> -> memref<128x16xf32, #tpu.memory_space<vmem_shared>>
      %dma_start3A_83 = arith.constant 0 : i32
      %dma_start3A_84 = tpu.memref_slice %arg7[%add3A_25, %dma_start3A_83] : memref<10240x16xf32, #tpu.memory_space<vmem_shared>> -> memref<128x16xf32, #tpu.memory_space<vmem_shared>>
      tpu.enqueue_dma source(%arg6 : memref<128x16xf32, #tpu.memory_space<vmem>>) target(%dma_start3A_84 : memref<128x16xf32, #tpu.memory_space<vmem_shared>>) target_semaphore(%run_scoped3A : memref<!tpu.dma_semaphore, #tpu.memory_space<semaphore_mem>>)
      %dma_wait3A = arith.constant 0 : i32
      %dma_wait3A_85 = tpu.memref_slice %arg7[%add3A_25, %dma_wait3A] : memref<10240x16xf32, #tpu.memory_space<vmem_shared>> -> memref<128x16xf32, #tpu.memory_space<vmem_shared>>
      %dma_wait3A_86 = arith.constant 0 : i32
      %dma_wait3A_87 = tpu.memref_slice %arg7[%add3A_25, %dma_wait3A_86] : memref<10240x16xf32, #tpu.memory_space<vmem_shared>> -> memref<128x16xf32, #tpu.memory_space<vmem_shared>>
      tpu.wait_dma2 semaphore(%run_scoped3A : memref<!tpu.dma_semaphore, #tpu.memory_space<semaphore_mem>>) src(%arg6 : memref<128x16xf32, #tpu.memory_space<vmem>>) dst(%dma_wait3A_87 : memref<128x16xf32, #tpu.memory_space<vmem_shared>>)
      tpu.yield
    }) : () -> ()
    %mul3A_26 = arith.constant 640 : i32
    %mul3A_27 = arith.muli %arg1, %mul3A_26 : i32
    %add3A_28 = arith.constant 384 : i32
    %add3A_29 = arith.addi %mul3A_27, %add3A_28 : i32
    "tpu.region"() ({
      %run_scoped3A = tpu.sem_alloc : memref<!tpu.dma_semaphore, #tpu.memory_space<semaphore_mem>>
      %dma_start3A = arith.constant 0 : i32
      %dma_start3A_82 = tpu.memref_slice %arg7[%add3A_29, %dma_start3A] : memref<10240x16xf32, #tpu.memory_space<vmem_shared>> -> memref<128x16xf32, #tpu.memory_space<vmem_shared>>
      %dma_start3A_83 = arith.constant 0 : i32
      %dma_start3A_84 = tpu.memref_slice %arg7[%add3A_29, %dma_start3A_83] : memref<10240x16xf32, #tpu.memory_space<vmem_shared>> -> memref<128x16xf32, #tpu.memory_space<vmem_shared>>
      tpu.enqueue_dma source(%arg6 : memref<128x16xf32, #tpu.memory_space<vmem>>) target(%dma_start3A_84 : memref<128x16xf32, #tpu.memory_space<vmem_shared>>) target_semaphore(%run_scoped3A : memref<!tpu.dma_semaphore, #tpu.memory_space<semaphore_mem>>)
      %dma_wait3A = arith.constant 0 : i32
      %dma_wait3A_85 = tpu.memref_slice %arg7[%add3A_29, %dma_wait3A] : memref<10240x16xf32, #tpu.memory_space<vmem_shared>> -> memref<128x16xf32, #tpu.memory_space<vmem_shared>>
      %dma_wait3A_86 = arith.constant 0 : i32
      %dma_wait3A_87 = tpu.memref_slice %arg7[%add3A_29, %dma_wait3A_86] : memref<10240x16xf32, #tpu.memory_space<vmem_shared>> -> memref<128x16xf32, #tpu.memory_space<vmem_shared>>
      tpu.wait_dma2 semaphore(%run_scoped3A : memref<!tpu.dma_semaphore, #tpu.memory_space<semaphore_mem>>) src(%arg6 : memref<128x16xf32, #tpu.memory_space<vmem>>) dst(%dma_wait3A_87 : memref<128x16xf32, #tpu.memory_space<vmem_shared>>)
      tpu.yield
    }) : () -> ()
    %mul3A_30 = arith.constant 640 : i32
    %mul3A_31 = arith.muli %arg1, %mul3A_30 : i32
    %add3A_32 = arith.constant 512 : i32
    %add3A_33 = arith.addi %mul3A_31, %add3A_32 : i32
    "tpu.region"() ({
      %run_scoped3A = tpu.sem_alloc : memref<!tpu.dma_semaphore, #tpu.memory_space<semaphore_mem>>
      %dma_start3A = arith.constant 0 : i32
      %dma_start3A_82 = tpu.memref_slice %arg7[%add3A_33, %dma_start3A] : memref<10240x16xf32, #tpu.memory_space<vmem_shared>> -> memref<128x16xf32, #tpu.memory_space<vmem_shared>>
      %dma_start3A_83 = arith.constant 0 : i32
      %dma_start3A_84 = tpu.memref_slice %arg7[%add3A_33, %dma_start3A_83] : memref<10240x16xf32, #tpu.memory_space<vmem_shared>> -> memref<128x16xf32, #tpu.memory_space<vmem_shared>>
      tpu.enqueue_dma source(%arg6 : memref<128x16xf32, #tpu.memory_space<vmem>>) target(%dma_start3A_84 : memref<128x16xf32, #tpu.memory_space<vmem_shared>>) target_semaphore(%run_scoped3A : memref<!tpu.dma_semaphore, #tpu.memory_space<semaphore_mem>>)
      %dma_wait3A = arith.constant 0 : i32
      %dma_wait3A_85 = tpu.memref_slice %arg7[%add3A_33, %dma_wait3A] : memref<10240x16xf32, #tpu.memory_space<vmem_shared>> -> memref<128x16xf32, #tpu.memory_space<vmem_shared>>
      %dma_wait3A_86 = arith.constant 0 : i32
      %dma_wait3A_87 = tpu.memref_slice %arg7[%add3A_33, %dma_wait3A_86] : memref<10240x16xf32, #tpu.memory_space<vmem_shared>> -> memref<128x16xf32, #tpu.memory_space<vmem_shared>>
      tpu.wait_dma2 semaphore(%run_scoped3A : memref<!tpu.dma_semaphore, #tpu.memory_space<semaphore_mem>>) src(%arg6 : memref<128x16xf32, #tpu.memory_space<vmem>>) dst(%dma_wait3A_87 : memref<128x16xf32, #tpu.memory_space<vmem_shared>>)
      tpu.yield
    }) : () -> ()
    %barrier3A = arith.constant 0 : index
    tpu.barrier barrier_id(%barrier3A)
    %scan3A_34 = arith.constant 0 : i32
    %scan3A_35 = arith.constant 0 : i32
    %scan3A_36 = arith.constant 79 : i32
    %scan3A_37 = arith.addi %scan3A_35, %scan3A_36 : i32
    %scan3A_38 = arith.constant 1 : i32
    %scan3A_39 = scf.for %scan3A_82 = %scan3A_35 to %scan3A_37 step %scan3A_38 iter_args(%scan3A_83 = %scan3A_34) -> (i32)  : i32 {
      "tpu.region"() ({
        %run_scoped3A = tpu.sem_alloc : memref<!tpu.dma_semaphore, #tpu.memory_space<semaphore_mem>>
        %dma_start3A = arith.constant 0 : i32
        %dma_start3A_85 = tpu.memref_slice %arg4[%scan3A_82, %dma_start3A] : memref<79x128xi32, #tpu.memory_space<vmem>> -> memref<1x128xi32, #tpu.memory_space<vmem>>
        %dma_start3A_86 = tpu.memref_squeeze %dma_start3A_85 : memref<1x128xi32, #tpu.memory_space<vmem>> -> memref<128xi32, #tpu.memory_space<vmem>>
        %dma_start3A_87 = arith.constant 0 : i32
        %dma_start3A_88 = arith.constant 0 : i32
        %dma_start3A_89 = tpu.memref_slice %arg7[%dma_start3A_87, %dma_start3A_88] : memref<10240x16xf32, #tpu.memory_space<vmem_shared>> -> memref<10240x16xf32, #tpu.memory_space<vmem_shared>>
        tpu.enqueue_indirect_dma source(%arg5 : memref<128x16xf32, #tpu.memory_space<vmem>>) target(%dma_start3A_89 : memref<10240x16xf32, #tpu.memory_space<vmem_shared>>) offsets(%dma_start3A_86 : memref<128xi32, #tpu.memory_space<vmem>>) semaphore(%run_scoped3A : memref<!tpu.dma_semaphore, #tpu.memory_space<semaphore_mem>>) {add = true}
        %dma_wait3A = arith.constant 0 : i32
        %dma_wait3A_90 = tpu.memref_slice %arg4[%scan3A_82, %dma_wait3A] : memref<79x128xi32, #tpu.memory_space<vmem>> -> memref<1x128xi32, #tpu.memory_space<vmem>>
        %dma_wait3A_91 = tpu.memref_squeeze %dma_wait3A_90 : memref<1x128xi32, #tpu.memory_space<vmem>> -> memref<128xi32, #tpu.memory_space<vmem>>
        %dma_wait3A_92 = arith.constant 0 : i32
        %dma_wait3A_93 = arith.constant 0 : i32
        %dma_wait3A_94 = tpu.memref_slice %arg7[%dma_wait3A_92, %dma_wait3A_93] : memref<10240x16xf32, #tpu.memory_space<vmem_shared>> -> memref<10240x16xf32, #tpu.memory_space<vmem_shared>>
        tpu.wait_indirect_dma semaphore(%run_scoped3A : memref<!tpu.dma_semaphore, #tpu.memory_space<semaphore_mem>>) src(%arg5 : memref<128x16xf32, #tpu.memory_space<vmem>>) dst(%dma_wait3A_94 : memref<10240x16xf32, #tpu.memory_space<vmem_shared>>)
        tpu.yield
      }) : () -> ()
      %scan3A_84 = arith.constant 0 : i32
      scf.yield %scan3A_84 : i32
    }
    %scan3A_40 = arith.constant 79 : i32
    %barrier3A_41 = arith.constant 0 : index
    tpu.barrier barrier_id(%barrier3A_41)
    %mul3A_42 = arith.constant 640 : i32
    %mul3A_43 = arith.muli %arg1, %mul3A_42 : i32
    %add3A_44 = arith.constant 0 : i32
    %add3A_45 = arith.addi %mul3A_43, %add3A_44 : i32
    "tpu.region"() ({
      %run_scoped3A = tpu.sem_alloc : memref<!tpu.dma_semaphore, #tpu.memory_space<semaphore_mem>>
      %dma_start3A = arith.constant 0 : i32
      %dma_start3A_82 = tpu.memref_slice %arg7[%add3A_45, %dma_start3A] : memref<10240x16xf32, #tpu.memory_space<vmem_shared>> -> memref<128x16xf32, #tpu.memory_space<vmem_shared>>
      %dma_start3A_83 = arith.constant 0 : i32
      %dma_start3A_84 = tpu.memref_slice %arg7[%add3A_45, %dma_start3A_83] : memref<10240x16xf32, #tpu.memory_space<vmem_shared>> -> memref<128x16xf32, #tpu.memory_space<vmem_shared>>
      tpu.enqueue_dma source(%dma_start3A_84 : memref<128x16xf32, #tpu.memory_space<vmem_shared>>) target(%arg6 : memref<128x16xf32, #tpu.memory_space<vmem>>) target_semaphore(%run_scoped3A : memref<!tpu.dma_semaphore, #tpu.memory_space<semaphore_mem>>)
      %dma_wait3A = arith.constant 0 : i32
      %dma_wait3A_85 = tpu.memref_slice %arg7[%add3A_45, %dma_wait3A] : memref<10240x16xf32, #tpu.memory_space<vmem_shared>> -> memref<128x16xf32, #tpu.memory_space<vmem_shared>>
      %dma_wait3A_86 = arith.constant 0 : i32
      %dma_wait3A_87 = tpu.memref_slice %arg7[%add3A_45, %dma_wait3A_86] : memref<10240x16xf32, #tpu.memory_space<vmem_shared>> -> memref<128x16xf32, #tpu.memory_space<vmem_shared>>
      tpu.wait_dma2 semaphore(%run_scoped3A : memref<!tpu.dma_semaphore, #tpu.memory_space<semaphore_mem>>) src(%dma_wait3A_87 : memref<128x16xf32, #tpu.memory_space<vmem_shared>>) dst(%arg6 : memref<128x16xf32, #tpu.memory_space<vmem>>)
      tpu.yield
    }) : () -> ()
    %mul3A_46 = arith.constant 640 : i32
    %mul3A_47 = arith.muli %arg1, %mul3A_46 : i32
    %add3A_48 = arith.constant 0 : i32
    %add3A_49 = arith.addi %mul3A_47, %add3A_48 : i32
    "tpu.region"() ({
      %run_scoped3A = tpu.sem_alloc : memref<!tpu.dma_semaphore, #tpu.memory_space<semaphore_mem>>
      %dma_start3A = arith.constant 0 : i32
      %dma_start3A_82 = tpu.memref_slice %arg3[%arg0, %add3A_49, %dma_start3A] : memref<2x10240x16xf32, #tpu.memory_space<hbm>> -> memref<1x128x16xf32, #tpu.memory_space<hbm>>
      %dma_start3A_83 = tpu.memref_squeeze %dma_start3A_82 : memref<1x128x16xf32, #tpu.memory_space<hbm>> -> memref<128x16xf32, #tpu.memory_space<hbm>>
      %dma_start3A_84 = arith.constant 0 : i32
      %dma_start3A_85 = tpu.memref_slice %arg3[%arg0, %add3A_49, %dma_start3A_84] : memref<2x10240x16xf32, #tpu.memory_space<hbm>> -> memref<1x128x16xf32, #tpu.memory_space<hbm>>
      %dma_start3A_86 = tpu.memref_squeeze %dma_start3A_85 : memref<1x128x16xf32, #tpu.memory_space<hbm>> -> memref<128x16xf32, #tpu.memory_space<hbm>>
      tpu.enqueue_dma source(%arg6 : memref<128x16xf32, #tpu.memory_space<vmem>>) target(%dma_start3A_86 : memref<128x16xf32, #tpu.memory_space<hbm>>) target_semaphore(%run_scoped3A : memref<!tpu.dma_semaphore, #tpu.memory_space<semaphore_mem>>)
      %dma_wait3A = arith.constant 0 : i32
      %dma_wait3A_87 = tpu.memref_slice %arg3[%arg0, %add3A_49, %dma_wait3A] : memref<2x10240x16xf32, #tpu.memory_space<hbm>> -> memref<1x128x16xf32, #tpu.memory_space<hbm>>
      %dma_wait3A_88 = tpu.memref_squeeze %dma_wait3A_87 : memref<1x128x16xf32, #tpu.memory_space<hbm>> -> memref<128x16xf32, #tpu.memory_space<hbm>>
      %dma_wait3A_89 = arith.constant 0 : i32
      %dma_wait3A_90 = tpu.memref_slice %arg3[%arg0, %add3A_49, %dma_wait3A_89] : memref<2x10240x16xf32, #tpu.memory_space<hbm>> -> memref<1x128x16xf32, #tpu.memory_space<hbm>>
      %dma_wait3A_91 = tpu.memref_squeeze %dma_wait3A_90 : memref<1x128x16xf32, #tpu.memory_space<hbm>> -> memref<128x16xf32, #tpu.memory_space<hbm>>
      tpu.wait_dma2 semaphore(%run_scoped3A : memref<!tpu.dma_semaphore, #tpu.memory_space<semaphore_mem>>) src(%arg6 : memref<128x16xf32, #tpu.memory_space<vmem>>) dst(%dma_wait3A_91 : memref<128x16xf32, #tpu.memory_space<hbm>>)
      tpu.yield
    }) : () -> ()
    %mul3A_50 = arith.constant 640 : i32
    %mul3A_51 = arith.muli %arg1, %mul3A_50 : i32
    %add3A_52 = arith.constant 128 : i32
    %add3A_53 = arith.addi %mul3A_51, %add3A_52 : i32
    "tpu.region"() ({
      %run_scoped3A = tpu.sem_alloc : memref<!tpu.dma_semaphore, #tpu.memory_space<semaphore_mem>>
      %dma_start3A = arith.constant 0 : i32
      %dma_start3A_82 = tpu.memref_slice %arg7[%add3A_53, %dma_start3A] : memref<10240x16xf32, #tpu.memory_space<vmem_shared>> -> memref<128x16xf32, #tpu.memory_space<vmem_shared>>
      %dma_start3A_83 = arith.constant 0 : i32
      %dma_start3A_84 = tpu.memref_slice %arg7[%add3A_53, %dma_start3A_83] : memref<10240x16xf32, #tpu.memory_space<vmem_shared>> -> memref<128x16xf32, #tpu.memory_space<vmem_shared>>
      tpu.enqueue_dma source(%dma_start3A_84 : memref<128x16xf32, #tpu.memory_space<vmem_shared>>) target(%arg6 : memref<128x16xf32, #tpu.memory_space<vmem>>) target_semaphore(%run_scoped3A : memref<!tpu.dma_semaphore, #tpu.memory_space<semaphore_mem>>)
      %dma_wait3A = arith.constant 0 : i32
      %dma_wait3A_85 = tpu.memref_slice %arg7[%add3A_53, %dma_wait3A] : memref<10240x16xf32, #tpu.memory_space<vmem_shared>> -> memref<128x16xf32, #tpu.memory_space<vmem_shared>>
      %dma_wait3A_86 = arith.constant 0 : i32
      %dma_wait3A_87 = tpu.memref_slice %arg7[%add3A_53, %dma_wait3A_86] : memref<10240x16xf32, #tpu.memory_space<vmem_shared>> -> memref<128x16xf32, #tpu.memory_space<vmem_shared>>
      tpu.wait_dma2 semaphore(%run_scoped3A : memref<!tpu.dma_semaphore, #tpu.memory_space<semaphore_mem>>) src(%dma_wait3A_87 : memref<128x16xf32, #tpu.memory_space<vmem_shared>>) dst(%arg6 : memref<128x16xf32, #tpu.memory_space<vmem>>)
      tpu.yield
    }) : () -> ()
    %mul3A_54 = arith.constant 640 : i32
    %mul3A_55 = arith.muli %arg1, %mul3A_54 : i32
    %add3A_56 = arith.constant 128 : i32
    %add3A_57 = arith.addi %mul3A_55, %add3A_56 : i32
    "tpu.region"() ({
      %run_scoped3A = tpu.sem_alloc : memref<!tpu.dma_semaphore, #tpu.memory_space<semaphore_mem>>
      %dma_start3A = arith.constant 0 : i32
      %dma_start3A_82 = tpu.memref_slice %arg3[%arg0, %add3A_57, %dma_start3A] : memref<2x10240x16xf32, #tpu.memory_space<hbm>> -> memref<1x128x16xf32, #tpu.memory_space<hbm>>
      %dma_start3A_83 = tpu.memref_squeeze %dma_start3A_82 : memref<1x128x16xf32, #tpu.memory_space<hbm>> -> memref<128x16xf32, #tpu.memory_space<hbm>>
      %dma_start3A_84 = arith.constant 0 : i32
      %dma_start3A_85 = tpu.memref_slice %arg3[%arg0, %add3A_57, %dma_start3A_84] : memref<2x10240x16xf32, #tpu.memory_space<hbm>> -> memref<1x128x16xf32, #tpu.memory_space<hbm>>
      %dma_start3A_86 = tpu.memref_squeeze %dma_start3A_85 : memref<1x128x16xf32, #tpu.memory_space<hbm>> -> memref<128x16xf32, #tpu.memory_space<hbm>>
      tpu.enqueue_dma source(%arg6 : memref<128x16xf32, #tpu.memory_space<vmem>>) target(%dma_start3A_86 : memref<128x16xf32, #tpu.memory_space<hbm>>) target_semaphore(%run_scoped3A : memref<!tpu.dma_semaphore, #tpu.memory_space<semaphore_mem>>)
      %dma_wait3A = arith.constant 0 : i32
      %dma_wait3A_87 = tpu.memref_slice %arg3[%arg0, %add3A_57, %dma_wait3A] : memref<2x10240x16xf32, #tpu.memory_space<hbm>> -> memref<1x128x16xf32, #tpu.memory_space<hbm>>
      %dma_wait3A_88 = tpu.memref_squeeze %dma_wait3A_87 : memref<1x128x16xf32, #tpu.memory_space<hbm>> -> memref<128x16xf32, #tpu.memory_space<hbm>>
      %dma_wait3A_89 = arith.constant 0 : i32
      %dma_wait3A_90 = tpu.memref_slice %arg3[%arg0, %add3A_57, %dma_wait3A_89] : memref<2x10240x16xf32, #tpu.memory_space<hbm>> -> memref<1x128x16xf32, #tpu.memory_space<hbm>>
      %dma_wait3A_91 = tpu.memref_squeeze %dma_wait3A_90 : memref<1x128x16xf32, #tpu.memory_space<hbm>> -> memref<128x16xf32, #tpu.memory_space<hbm>>
      tpu.wait_dma2 semaphore(%run_scoped3A : memref<!tpu.dma_semaphore, #tpu.memory_space<semaphore_mem>>) src(%arg6 : memref<128x16xf32, #tpu.memory_space<vmem>>) dst(%dma_wait3A_91 : memref<128x16xf32, #tpu.memory_space<hbm>>)
      tpu.yield
    }) : () -> ()
    %mul3A_58 = arith.constant 640 : i32
    %mul3A_59 = arith.muli %arg1, %mul3A_58 : i32
    %add3A_60 = arith.constant 256 : i32
    %add3A_61 = arith.addi %mul3A_59, %add3A_60 : i32
    "tpu.region"() ({
      %run_scoped3A = tpu.sem_alloc : memref<!tpu.dma_semaphore, #tpu.memory_space<semaphore_mem>>
      %dma_start3A = arith.constant 0 : i32
      %dma_start3A_82 = tpu.memref_slice %arg7[%add3A_61, %dma_start3A] : memref<10240x16xf32, #tpu.memory_space<vmem_shared>> -> memref<128x16xf32, #tpu.memory_space<vmem_shared>>
      %dma_start3A_83 = arith.constant 0 : i32
      %dma_start3A_84 = tpu.memref_slice %arg7[%add3A_61, %dma_start3A_83] : memref<10240x16xf32, #tpu.memory_space<vmem_shared>> -> memref<128x16xf32, #tpu.memory_space<vmem_shared>>
      tpu.enqueue_dma source(%dma_start3A_84 : memref<128x16xf32, #tpu.memory_space<vmem_shared>>) target(%arg6 : memref<128x16xf32, #tpu.memory_space<vmem>>) target_semaphore(%run_scoped3A : memref<!tpu.dma_semaphore, #tpu.memory_space<semaphore_mem>>)
      %dma_wait3A = arith.constant 0 : i32
      %dma_wait3A_85 = tpu.memref_slice %arg7[%add3A_61, %dma_wait3A] : memref<10240x16xf32, #tpu.memory_space<vmem_shared>> -> memref<128x16xf32, #tpu.memory_space<vmem_shared>>
      %dma_wait3A_86 = arith.constant 0 : i32
      %dma_wait3A_87 = tpu.memref_slice %arg7[%add3A_61, %dma_wait3A_86] : memref<10240x16xf32, #tpu.memory_space<vmem_shared>> -> memref<128x16xf32, #tpu.memory_space<vmem_shared>>
      tpu.wait_dma2 semaphore(%run_scoped3A : memref<!tpu.dma_semaphore, #tpu.memory_space<semaphore_mem>>) src(%dma_wait3A_87 : memref<128x16xf32, #tpu.memory_space<vmem_shared>>) dst(%arg6 : memref<128x16xf32, #tpu.memory_space<vmem>>)
      tpu.yield
    }) : () -> ()
    %mul3A_62 = arith.constant 640 : i32
    %mul3A_63 = arith.muli %arg1, %mul3A_62 : i32
    %add3A_64 = arith.constant 256 : i32
    %add3A_65 = arith.addi %mul3A_63, %add3A_64 : i32
    "tpu.region"() ({
      %run_scoped3A = tpu.sem_alloc : memref<!tpu.dma_semaphore, #tpu.memory_space<semaphore_mem>>
      %dma_start3A = arith.constant 0 : i32
      %dma_start3A_82 = tpu.memref_slice %arg3[%arg0, %add3A_65, %dma_start3A] : memref<2x10240x16xf32, #tpu.memory_space<hbm>> -> memref<1x128x16xf32, #tpu.memory_space<hbm>>
      %dma_start3A_83 = tpu.memref_squeeze %dma_start3A_82 : memref<1x128x16xf32, #tpu.memory_space<hbm>> -> memref<128x16xf32, #tpu.memory_space<hbm>>
      %dma_start3A_84 = arith.constant 0 : i32
      %dma_start3A_85 = tpu.memref_slice %arg3[%arg0, %add3A_65, %dma_start3A_84] : memref<2x10240x16xf32, #tpu.memory_space<hbm>> -> memref<1x128x16xf32, #tpu.memory_space<hbm>>
      %dma_start3A_86 = tpu.memref_squeeze %dma_start3A_85 : memref<1x128x16xf32, #tpu.memory_space<hbm>> -> memref<128x16xf32, #tpu.memory_space<hbm>>
      tpu.enqueue_dma source(%arg6 : memref<128x16xf32, #tpu.memory_space<vmem>>) target(%dma_start3A_86 : memref<128x16xf32, #tpu.memory_space<hbm>>) target_semaphore(%run_scoped3A : memref<!tpu.dma_semaphore, #tpu.memory_space<semaphore_mem>>)
      %dma_wait3A = arith.constant 0 : i32
      %dma_wait3A_87 = tpu.memref_slice %arg3[%arg0, %add3A_65, %dma_wait3A] : memref<2x10240x16xf32, #tpu.memory_space<hbm>> -> memref<1x128x16xf32, #tpu.memory_space<hbm>>
      %dma_wait3A_88 = tpu.memref_squeeze %dma_wait3A_87 : memref<1x128x16xf32, #tpu.memory_space<hbm>> -> memref<128x16xf32, #tpu.memory_space<hbm>>
      %dma_wait3A_89 = arith.constant 0 : i32
      %dma_wait3A_90 = tpu.memref_slice %arg3[%arg0, %add3A_65, %dma_wait3A_89] : memref<2x10240x16xf32, #tpu.memory_space<hbm>> -> memref<1x128x16xf32, #tpu.memory_space<hbm>>
      %dma_wait3A_91 = tpu.memref_squeeze %dma_wait3A_90 : memref<1x128x16xf32, #tpu.memory_space<hbm>> -> memref<128x16xf32, #tpu.memory_space<hbm>>
      tpu.wait_dma2 semaphore(%run_scoped3A : memref<!tpu.dma_semaphore, #tpu.memory_space<semaphore_mem>>) src(%arg6 : memref<128x16xf32, #tpu.memory_space<vmem>>) dst(%dma_wait3A_91 : memref<128x16xf32, #tpu.memory_space<hbm>>)
      tpu.yield
    }) : () -> ()
    %mul3A_66 = arith.constant 640 : i32
    %mul3A_67 = arith.muli %arg1, %mul3A_66 : i32
    %add3A_68 = arith.constant 384 : i32
    %add3A_69 = arith.addi %mul3A_67, %add3A_68 : i32
    "tpu.region"() ({
      %run_scoped3A = tpu.sem_alloc : memref<!tpu.dma_semaphore, #tpu.memory_space<semaphore_mem>>
      %dma_start3A = arith.constant 0 : i32
      %dma_start3A_82 = tpu.memref_slice %arg7[%add3A_69, %dma_start3A] : memref<10240x16xf32, #tpu.memory_space<vmem_shared>> -> memref<128x16xf32, #tpu.memory_space<vmem_shared>>
      %dma_start3A_83 = arith.constant 0 : i32
      %dma_start3A_84 = tpu.memref_slice %arg7[%add3A_69, %dma_start3A_83] : memref<10240x16xf32, #tpu.memory_space<vmem_shared>> -> memref<128x16xf32, #tpu.memory_space<vmem_shared>>
      tpu.enqueue_dma source(%dma_start3A_84 : memref<128x16xf32, #tpu.memory_space<vmem_shared>>) target(%arg6 : memref<128x16xf32, #tpu.memory_space<vmem>>) target_semaphore(%run_scoped3A : memref<!tpu.dma_semaphore, #tpu.memory_space<semaphore_mem>>)
      %dma_wait3A = arith.constant 0 : i32
      %dma_wait3A_85 = tpu.memref_slice %arg7[%add3A_69, %dma_wait3A] : memref<10240x16xf32, #tpu.memory_space<vmem_shared>> -> memref<128x16xf32, #tpu.memory_space<vmem_shared>>
      %dma_wait3A_86 = arith.constant 0 : i32
      %dma_wait3A_87 = tpu.memref_slice %arg7[%add3A_69, %dma_wait3A_86] : memref<10240x16xf32, #tpu.memory_space<vmem_shared>> -> memref<128x16xf32, #tpu.memory_space<vmem_shared>>
      tpu.wait_dma2 semaphore(%run_scoped3A : memref<!tpu.dma_semaphore, #tpu.memory_space<semaphore_mem>>) src(%dma_wait3A_87 : memref<128x16xf32, #tpu.memory_space<vmem_shared>>) dst(%arg6 : memref<128x16xf32, #tpu.memory_space<vmem>>)
      tpu.yield
    }) : () -> ()
    %mul3A_70 = arith.constant 640 : i32
    %mul3A_71 = arith.muli %arg1, %mul3A_70 : i32
    %add3A_72 = arith.constant 384 : i32
    %add3A_73 = arith.addi %mul3A_71, %add3A_72 : i32
    "tpu.region"() ({
      %run_scoped3A = tpu.sem_alloc : memref<!tpu.dma_semaphore, #tpu.memory_space<semaphore_mem>>
      %dma_start3A = arith.constant 0 : i32
      %dma_start3A_82 = tpu.memref_slice %arg3[%arg0, %add3A_73, %dma_start3A] : memref<2x10240x16xf32, #tpu.memory_space<hbm>> -> memref<1x128x16xf32, #tpu.memory_space<hbm>>
      %dma_start3A_83 = tpu.memref_squeeze %dma_start3A_82 : memref<1x128x16xf32, #tpu.memory_space<hbm>> -> memref<128x16xf32, #tpu.memory_space<hbm>>
      %dma_start3A_84 = arith.constant 0 : i32
      %dma_start3A_85 = tpu.memref_slice %arg3[%arg0, %add3A_73, %dma_start3A_84] : memref<2x10240x16xf32, #tpu.memory_space<hbm>> -> memref<1x128x16xf32, #tpu.memory_space<hbm>>
      %dma_start3A_86 = tpu.memref_squeeze %dma_start3A_85 : memref<1x128x16xf32, #tpu.memory_space<hbm>> -> memref<128x16xf32, #tpu.memory_space<hbm>>
      tpu.enqueue_dma source(%arg6 : memref<128x16xf32, #tpu.memory_space<vmem>>) target(%dma_start3A_86 : memref<128x16xf32, #tpu.memory_space<hbm>>) target_semaphore(%run_scoped3A : memref<!tpu.dma_semaphore, #tpu.memory_space<semaphore_mem>>)
      %dma_wait3A = arith.constant 0 : i32
      %dma_wait3A_87 = tpu.memref_slice %arg3[%arg0, %add3A_73, %dma_wait3A] : memref<2x10240x16xf32, #tpu.memory_space<hbm>> -> memref<1x128x16xf32, #tpu.memory_space<hbm>>
      %dma_wait3A_88 = tpu.memref_squeeze %dma_wait3A_87 : memref<1x128x16xf32, #tpu.memory_space<hbm>> -> memref<128x16xf32, #tpu.memory_space<hbm>>
      %dma_wait3A_89 = arith.constant 0 : i32
      %dma_wait3A_90 = tpu.memref_slice %arg3[%arg0, %add3A_73, %dma_wait3A_89] : memref<2x10240x16xf32, #tpu.memory_space<hbm>> -> memref<1x128x16xf32, #tpu.memory_space<hbm>>
      %dma_wait3A_91 = tpu.memref_squeeze %dma_wait3A_90 : memref<1x128x16xf32, #tpu.memory_space<hbm>> -> memref<128x16xf32, #tpu.memory_space<hbm>>
      tpu.wait_dma2 semaphore(%run_scoped3A : memref<!tpu.dma_semaphore, #tpu.memory_space<semaphore_mem>>) src(%arg6 : memref<128x16xf32, #tpu.memory_space<vmem>>) dst(%dma_wait3A_91 : memref<128x16xf32, #tpu.memory_space<hbm>>)
      tpu.yield
    }) : () -> ()
    %mul3A_74 = arith.constant 640 : i32
    %mul3A_75 = arith.muli %arg1, %mul3A_74 : i32
    %add3A_76 = arith.constant 512 : i32
    %add3A_77 = arith.addi %mul3A_75, %add3A_76 : i32
    "tpu.region"() ({
      %run_scoped3A = tpu.sem_alloc : memref<!tpu.dma_semaphore, #tpu.memory_space<semaphore_mem>>
      %dma_start3A = arith.constant 0 : i32
      %dma_start3A_82 = tpu.memref_slice %arg7[%add3A_77, %dma_start3A] : memref<10240x16xf32, #tpu.memory_space<vmem_shared>> -> memref<128x16xf32, #tpu.memory_space<vmem_shared>>
      %dma_start3A_83 = arith.constant 0 : i32
      %dma_start3A_84 = tpu.memref_slice %arg7[%add3A_77, %dma_start3A_83] : memref<10240x16xf32, #tpu.memory_space<vmem_shared>> -> memref<128x16xf32, #tpu.memory_space<vmem_shared>>
      tpu.enqueue_dma source(%dma_start3A_84 : memref<128x16xf32, #tpu.memory_space<vmem_shared>>) target(%arg6 : memref<128x16xf32, #tpu.memory_space<vmem>>) target_semaphore(%run_scoped3A : memref<!tpu.dma_semaphore, #tpu.memory_space<semaphore_mem>>)
      %dma_wait3A = arith.constant 0 : i32
      %dma_wait3A_85 = tpu.memref_slice %arg7[%add3A_77, %dma_wait3A] : memref<10240x16xf32, #tpu.memory_space<vmem_shared>> -> memref<128x16xf32, #tpu.memory_space<vmem_shared>>
      %dma_wait3A_86 = arith.constant 0 : i32
      %dma_wait3A_87 = tpu.memref_slice %arg7[%add3A_77, %dma_wait3A_86] : memref<10240x16xf32, #tpu.memory_space<vmem_shared>> -> memref<128x16xf32, #tpu.memory_space<vmem_shared>>
      tpu.wait_dma2 semaphore(%run_scoped3A : memref<!tpu.dma_semaphore, #tpu.memory_space<semaphore_mem>>) src(%dma_wait3A_87 : memref<128x16xf32, #tpu.memory_space<vmem_shared>>) dst(%arg6 : memref<128x16xf32, #tpu.memory_space<vmem>>)
      tpu.yield
    }) : () -> ()
    %mul3A_78 = arith.constant 640 : i32
    %mul3A_79 = arith.muli %arg1, %mul3A_78 : i32
    %add3A_80 = arith.constant 512 : i32
    %add3A_81 = arith.addi %mul3A_79, %add3A_80 : i32
    "tpu.region"() ({
      %run_scoped3A = tpu.sem_alloc : memref<!tpu.dma_semaphore, #tpu.memory_space<semaphore_mem>>
      %dma_start3A = arith.constant 0 : i32
      %dma_start3A_82 = tpu.memref_slice %arg3[%arg0, %add3A_81, %dma_start3A] : memref<2x10240x16xf32, #tpu.memory_space<hbm>> -> memref<1x128x16xf32, #tpu.memory_space<hbm>>
      %dma_start3A_83 = tpu.memref_squeeze %dma_start3A_82 : memref<1x128x16xf32, #tpu.memory_space<hbm>> -> memref<128x16xf32, #tpu.memory_space<hbm>>
      %dma_start3A_84 = arith.constant 0 : i32
      %dma_start3A_85 = tpu.memref_slice %arg3[%arg0, %add3A_81, %dma_start3A_84] : memref<2x10240x16xf32, #tpu.memory_space<hbm>> -> memref<1x128x16xf32, #tpu.memory_space<hbm>>
      %dma_start3A_86 = tpu.memref_squeeze %dma_start3A_85 : memref<1x128x16xf32, #tpu.memory_space<hbm>> -> memref<128x16xf32, #tpu.memory_space<hbm>>
      tpu.enqueue_dma source(%arg6 : memref<128x16xf32, #tpu.memory_space<vmem>>) target(%dma_start3A_86 : memref<128x16xf32, #tpu.memory_space<hbm>>) target_semaphore(%run_scoped3A : memref<!tpu.dma_semaphore, #tpu.memory_space<semaphore_mem>>)
      %dma_wait3A = arith.constant 0 : i32
      %dma_wait3A_87 = tpu.memref_slice %arg3[%arg0, %add3A_81, %dma_wait3A] : memref<2x10240x16xf32, #tpu.memory_space<hbm>> -> memref<1x128x16xf32, #tpu.memory_space<hbm>>
      %dma_wait3A_88 = tpu.memref_squeeze %dma_wait3A_87 : memref<1x128x16xf32, #tpu.memory_space<hbm>> -> memref<128x16xf32, #tpu.memory_space<hbm>>
      %dma_wait3A_89 = arith.constant 0 : i32
      %dma_wait3A_90 = tpu.memref_slice %arg3[%arg0, %add3A_81, %dma_wait3A_89] : memref<2x10240x16xf32, #tpu.memory_space<hbm>> -> memref<1x128x16xf32, #tpu.memory_space<hbm>>
      %dma_wait3A_91 = tpu.memref_squeeze %dma_wait3A_90 : memref<1x128x16xf32, #tpu.memory_space<hbm>> -> memref<128x16xf32, #tpu.memory_space<hbm>>
      tpu.wait_dma2 semaphore(%run_scoped3A : memref<!tpu.dma_semaphore, #tpu.memory_space<semaphore_mem>>) src(%arg6 : memref<128x16xf32, #tpu.memory_space<vmem>>) dst(%dma_wait3A_91 : memref<128x16xf32, #tpu.memory_space<hbm>>)
      tpu.yield
    }) : () -> ()
    return
  }
}

#map = affine_map<(d0, d1) -> (0, 0, 0, 0)>
#map1 = affine_map<(d0, d1) -> (0, 0)>
#map2 = affine_map<(d0, d1) -> (0, 0, 0)>
module attributes {stable_mosaic.version = 14 : i64} {
  func.func @edge_kernel(%arg0: i32, %arg1: i32, %arg2: memref<2x16x79x128xi32, #tpu.memory_space<hbm>>, %arg3: memref<2x16x79x128xi32, #tpu.memory_space<hbm>>, %arg4: memref<10240x128xf32, #tpu.memory_space<hbm>>, %arg5: memref<2x10240x128xf32, #tpu.memory_space<hbm>>, %arg6: memref<79x128xi32, #tpu.memory_space<vmem>>, %arg7: memref<79x128xi32, #tpu.memory_space<vmem>>, %arg8: memref<128x128xf32, #tpu.memory_space<vmem>>, %arg9: memref<10240x128xf32, #tpu.memory_space<vmem_shared>>, %arg10: memref<!tpu.dma_semaphore, #tpu.memory_space<semaphore_mem>>) attributes {dimension_semantics = [#tpu.dimension_semantics<core_parallel>, #tpu.dimension_semantics<subcore_parallel>], iteration_bounds = array<i64: 2, 16>, scalar_prefetch = 0 : i64, scratch_operands = 5 : i64, tpu.core_type = #tpu.core_type<sc_vector_subcore>, window_params = [{transform_indices = #map}, {transform_indices = #map}, {transform_indices = #map1}, {transform_indices = #map2}]} {
    "tpu.region"() ({
      %run_scoped3A = tpu.sem_alloc : memref<!tpu.dma_semaphore, #tpu.memory_space<semaphore_mem>>
      %dma_start3A = arith.constant 0 : i32
      %dma_start3A_73 = arith.constant 0 : i32
      %dma_start3A_74 = tpu.memref_slice %arg2[%arg0, %arg1, %dma_start3A, %dma_start3A_73] : memref<2x16x79x128xi32, #tpu.memory_space<hbm>> -> memref<1x1x79x128xi32, #tpu.memory_space<hbm>>
      %dma_start3A_75 = tpu.memref_squeeze %dma_start3A_74 : memref<1x1x79x128xi32, #tpu.memory_space<hbm>> -> memref<79x128xi32, #tpu.memory_space<hbm>>
      %dma_start3A_76 = arith.constant 0 : i32
      %dma_start3A_77 = arith.constant 0 : i32
      %dma_start3A_78 = tpu.memref_slice %arg2[%arg0, %arg1, %dma_start3A_76, %dma_start3A_77] : memref<2x16x79x128xi32, #tpu.memory_space<hbm>> -> memref<1x1x79x128xi32, #tpu.memory_space<hbm>>
      %dma_start3A_79 = tpu.memref_squeeze %dma_start3A_78 : memref<1x1x79x128xi32, #tpu.memory_space<hbm>> -> memref<79x128xi32, #tpu.memory_space<hbm>>
      tpu.enqueue_dma source(%dma_start3A_79 : memref<79x128xi32, #tpu.memory_space<hbm>>) target(%arg6 : memref<79x128xi32, #tpu.memory_space<vmem>>) target_semaphore(%run_scoped3A : memref<!tpu.dma_semaphore, #tpu.memory_space<semaphore_mem>>)
      %dma_wait3A = arith.constant 0 : i32
      %dma_wait3A_80 = arith.constant 0 : i32
      %dma_wait3A_81 = tpu.memref_slice %arg2[%arg0, %arg1, %dma_wait3A, %dma_wait3A_80] : memref<2x16x79x128xi32, #tpu.memory_space<hbm>> -> memref<1x1x79x128xi32, #tpu.memory_space<hbm>>
      %dma_wait3A_82 = tpu.memref_squeeze %dma_wait3A_81 : memref<1x1x79x128xi32, #tpu.memory_space<hbm>> -> memref<79x128xi32, #tpu.memory_space<hbm>>
      %dma_wait3A_83 = arith.constant 0 : i32
      %dma_wait3A_84 = arith.constant 0 : i32
      %dma_wait3A_85 = tpu.memref_slice %arg2[%arg0, %arg1, %dma_wait3A_83, %dma_wait3A_84] : memref<2x16x79x128xi32, #tpu.memory_space<hbm>> -> memref<1x1x79x128xi32, #tpu.memory_space<hbm>>
      %dma_wait3A_86 = tpu.memref_squeeze %dma_wait3A_85 : memref<1x1x79x128xi32, #tpu.memory_space<hbm>> -> memref<79x128xi32, #tpu.memory_space<hbm>>
      tpu.wait_dma2 semaphore(%run_scoped3A : memref<!tpu.dma_semaphore, #tpu.memory_space<semaphore_mem>>) src(%dma_wait3A_86 : memref<79x128xi32, #tpu.memory_space<hbm>>) dst(%arg6 : memref<79x128xi32, #tpu.memory_space<vmem>>)
      tpu.yield
    }) : () -> ()
    "tpu.region"() ({
      %run_scoped3A = tpu.sem_alloc : memref<!tpu.dma_semaphore, #tpu.memory_space<semaphore_mem>>
      %dma_start3A = arith.constant 0 : i32
      %dma_start3A_73 = arith.constant 0 : i32
      %dma_start3A_74 = tpu.memref_slice %arg3[%arg0, %arg1, %dma_start3A, %dma_start3A_73] : memref<2x16x79x128xi32, #tpu.memory_space<hbm>> -> memref<1x1x79x128xi32, #tpu.memory_space<hbm>>
      %dma_start3A_75 = tpu.memref_squeeze %dma_start3A_74 : memref<1x1x79x128xi32, #tpu.memory_space<hbm>> -> memref<79x128xi32, #tpu.memory_space<hbm>>
      %dma_start3A_76 = arith.constant 0 : i32
      %dma_start3A_77 = arith.constant 0 : i32
      %dma_start3A_78 = tpu.memref_slice %arg3[%arg0, %arg1, %dma_start3A_76, %dma_start3A_77] : memref<2x16x79x128xi32, #tpu.memory_space<hbm>> -> memref<1x1x79x128xi32, #tpu.memory_space<hbm>>
      %dma_start3A_79 = tpu.memref_squeeze %dma_start3A_78 : memref<1x1x79x128xi32, #tpu.memory_space<hbm>> -> memref<79x128xi32, #tpu.memory_space<hbm>>
      tpu.enqueue_dma source(%dma_start3A_79 : memref<79x128xi32, #tpu.memory_space<hbm>>) target(%arg7 : memref<79x128xi32, #tpu.memory_space<vmem>>) target_semaphore(%run_scoped3A : memref<!tpu.dma_semaphore, #tpu.memory_space<semaphore_mem>>)
      %dma_wait3A = arith.constant 0 : i32
      %dma_wait3A_80 = arith.constant 0 : i32
      %dma_wait3A_81 = tpu.memref_slice %arg3[%arg0, %arg1, %dma_wait3A, %dma_wait3A_80] : memref<2x16x79x128xi32, #tpu.memory_space<hbm>> -> memref<1x1x79x128xi32, #tpu.memory_space<hbm>>
      %dma_wait3A_82 = tpu.memref_squeeze %dma_wait3A_81 : memref<1x1x79x128xi32, #tpu.memory_space<hbm>> -> memref<79x128xi32, #tpu.memory_space<hbm>>
      %dma_wait3A_83 = arith.constant 0 : i32
      %dma_wait3A_84 = arith.constant 0 : i32
      %dma_wait3A_85 = tpu.memref_slice %arg3[%arg0, %arg1, %dma_wait3A_83, %dma_wait3A_84] : memref<2x16x79x128xi32, #tpu.memory_space<hbm>> -> memref<1x1x79x128xi32, #tpu.memory_space<hbm>>
      %dma_wait3A_86 = tpu.memref_squeeze %dma_wait3A_85 : memref<1x1x79x128xi32, #tpu.memory_space<hbm>> -> memref<79x128xi32, #tpu.memory_space<hbm>>
      tpu.wait_dma2 semaphore(%run_scoped3A : memref<!tpu.dma_semaphore, #tpu.memory_space<semaphore_mem>>) src(%dma_wait3A_86 : memref<79x128xi32, #tpu.memory_space<hbm>>) dst(%arg7 : memref<79x128xi32, #tpu.memory_space<vmem>>)
      tpu.yield
    }) : () -> ()
    %broadcast_in_dim3A = arith.constant 0.000000e+00 : f32
    %broadcast_in_dim3A_0 = vector.broadcast %broadcast_in_dim3A : f32 to vector<16xf32>
    %scan3A = arith.constant 0 : i32
    %scan3A_1 = arith.constant 0 : i32
    %scan3A_2 = arith.constant 128 : i32
    %scan3A_3 = arith.addi %scan3A_1, %scan3A_2 : i32
    %scan3A_4 = arith.constant 1 : i32
    %scan3A_5 = scf.for %scan3A_73 = %scan3A_1 to %scan3A_3 step %scan3A_4 iter_args(%scan3A_74 = %scan3A) -> (i32)  : i32 {
      %swap3A = arith.index_cast %scan3A_73 : i32 to index
      %swap3A_75 = arith.constant 0 : index
      %swap3A_76 = tpu.vector_load %arg8[%swap3A, %swap3A_75] {strides = array<i32>} : memref<128x128xf32, #tpu.memory_space<vmem>>, vector<1x16xf32>,
      %swap3A_77 = vector.shape_cast %swap3A_76 : vector<1x16xf32> to vector<16xf32>
      %swap3A_78 = vector.shape_cast %broadcast_in_dim3A_0 : vector<16xf32> to vector<1x16xf32>
      tpu.vector_store %arg8[%swap3A, %swap3A_75], %swap3A_78 {strides = array<i32>} : memref<128x128xf32, #tpu.memory_space<vmem>>, vector<1x16xf32>,
      %swap3A_79 = arith.index_cast %scan3A_73 : i32 to index
      %swap3A_80 = arith.constant 16 : index
      %swap3A_81 = tpu.vector_load %arg8[%swap3A_79, %swap3A_80] {strides = array<i32>} : memref<128x128xf32, #tpu.memory_space<vmem>>, vector<1x16xf32>,
      %swap3A_82 = vector.shape_cast %swap3A_81 : vector<1x16xf32> to vector<16xf32>
      %swap3A_83 = vector.shape_cast %broadcast_in_dim3A_0 : vector<16xf32> to vector<1x16xf32>
      tpu.vector_store %arg8[%swap3A_79, %swap3A_80], %swap3A_83 {strides = array<i32>} : memref<128x128xf32, #tpu.memory_space<vmem>>, vector<1x16xf32>,
      %swap3A_84 = arith.index_cast %scan3A_73 : i32 to index
      %swap3A_85 = arith.constant 32 : index
      %swap3A_86 = tpu.vector_load %arg8[%swap3A_84, %swap3A_85] {strides = array<i32>} : memref<128x128xf32, #tpu.memory_space<vmem>>, vector<1x16xf32>,
      %swap3A_87 = vector.shape_cast %swap3A_86 : vector<1x16xf32> to vector<16xf32>
      %swap3A_88 = vector.shape_cast %broadcast_in_dim3A_0 : vector<16xf32> to vector<1x16xf32>
      tpu.vector_store %arg8[%swap3A_84, %swap3A_85], %swap3A_88 {strides = array<i32>} : memref<128x128xf32, #tpu.memory_space<vmem>>, vector<1x16xf32>,
      %swap3A_89 = arith.index_cast %scan3A_73 : i32 to index
      %swap3A_90 = arith.constant 48 : index
      %swap3A_91 = tpu.vector_load %arg8[%swap3A_89, %swap3A_90] {strides = array<i32>} : memref<128x128xf32, #tpu.memory_space<vmem>>, vector<1x16xf32>,
      %swap3A_92 = vector.shape_cast %swap3A_91 : vector<1x16xf32> to vector<16xf32>
      %swap3A_93 = vector.shape_cast %broadcast_in_dim3A_0 : vector<16xf32> to vector<1x16xf32>
      tpu.vector_store %arg8[%swap3A_89, %swap3A_90], %swap3A_93 {strides = array<i32>} : memref<128x128xf32, #tpu.memory_space<vmem>>, vector<1x16xf32>,
      %swap3A_94 = arith.index_cast %scan3A_73 : i32 to index
      %swap3A_95 = arith.constant 64 : index
      %swap3A_96 = tpu.vector_load %arg8[%swap3A_94, %swap3A_95] {strides = array<i32>} : memref<128x128xf32, #tpu.memory_space<vmem>>, vector<1x16xf32>,
      %swap3A_97 = vector.shape_cast %swap3A_96 : vector<1x16xf32> to vector<16xf32>
      %swap3A_98 = vector.shape_cast %broadcast_in_dim3A_0 : vector<16xf32> to vector<1x16xf32>
      tpu.vector_store %arg8[%swap3A_94, %swap3A_95], %swap3A_98 {strides = array<i32>} : memref<128x128xf32, #tpu.memory_space<vmem>>, vector<1x16xf32>,
      %swap3A_99 = arith.index_cast %scan3A_73 : i32 to index
      %swap3A_100 = arith.constant 80 : index
      %swap3A_101 = tpu.vector_load %arg8[%swap3A_99, %swap3A_100] {strides = array<i32>} : memref<128x128xf32, #tpu.memory_space<vmem>>, vector<1x16xf32>,
      %swap3A_102 = vector.shape_cast %swap3A_101 : vector<1x16xf32> to vector<16xf32>
      %swap3A_103 = vector.shape_cast %broadcast_in_dim3A_0 : vector<16xf32> to vector<1x16xf32>
      tpu.vector_store %arg8[%swap3A_99, %swap3A_100], %swap3A_103 {strides = array<i32>} : memref<128x128xf32, #tpu.memory_space<vmem>>, vector<1x16xf32>,
      %swap3A_104 = arith.index_cast %scan3A_73 : i32 to index
      %swap3A_105 = arith.constant 96 : index
      %swap3A_106 = tpu.vector_load %arg8[%swap3A_104, %swap3A_105] {strides = array<i32>} : memref<128x128xf32, #tpu.memory_space<vmem>>, vector<1x16xf32>,
      %swap3A_107 = vector.shape_cast %swap3A_106 : vector<1x16xf32> to vector<16xf32>
      %swap3A_108 = vector.shape_cast %broadcast_in_dim3A_0 : vector<16xf32> to vector<1x16xf32>
      tpu.vector_store %arg8[%swap3A_104, %swap3A_105], %swap3A_108 {strides = array<i32>} : memref<128x128xf32, #tpu.memory_space<vmem>>, vector<1x16xf32>,
      %swap3A_109 = arith.index_cast %scan3A_73 : i32 to index
      %swap3A_110 = arith.constant 112 : index
      %swap3A_111 = tpu.vector_load %arg8[%swap3A_109, %swap3A_110] {strides = array<i32>} : memref<128x128xf32, #tpu.memory_space<vmem>>, vector<1x16xf32>,
      %swap3A_112 = vector.shape_cast %swap3A_111 : vector<1x16xf32> to vector<16xf32>
      %swap3A_113 = vector.shape_cast %broadcast_in_dim3A_0 : vector<16xf32> to vector<1x16xf32>
      tpu.vector_store %arg8[%swap3A_109, %swap3A_110], %swap3A_113 {strides = array<i32>} : memref<128x128xf32, #tpu.memory_space<vmem>>, vector<1x16xf32>,
      %scan3A_114 = arith.constant 0 : i32
      scf.yield %scan3A_114 : i32
    }
    %scan3A_6 = arith.constant 128 : i32
    %mul3A = arith.constant 640 : i32
    %mul3A_7 = arith.muli %arg1, %mul3A : i32
    %add3A = arith.constant 0 : i32
    %add3A_8 = arith.addi %mul3A_7, %add3A : i32
    "tpu.region"() ({
      %run_scoped3A = tpu.sem_alloc : memref<!tpu.dma_semaphore, #tpu.memory_space<semaphore_mem>>
      %dma_start3A = arith.constant 0 : i32
      %dma_start3A_73 = tpu.memref_slice %arg9[%add3A_8, %dma_start3A] : memref<10240x128xf32, #tpu.memory_space<vmem_shared>> -> memref<128x128xf32, #tpu.memory_space<vmem_shared>>
      %dma_start3A_74 = arith.constant 0 : i32
      %dma_start3A_75 = tpu.memref_slice %arg9[%add3A_8, %dma_start3A_74] : memref<10240x128xf32, #tpu.memory_space<vmem_shared>> -> memref<128x128xf32, #tpu.memory_space<vmem_shared>>
      tpu.enqueue_dma source(%arg8 : memref<128x128xf32, #tpu.memory_space<vmem>>) target(%dma_start3A_75 : memref<128x128xf32, #tpu.memory_space<vmem_shared>>) target_semaphore(%run_scoped3A : memref<!tpu.dma_semaphore, #tpu.memory_space<semaphore_mem>>)
      %dma_wait3A = arith.constant 0 : i32
      %dma_wait3A_76 = tpu.memref_slice %arg9[%add3A_8, %dma_wait3A] : memref<10240x128xf32, #tpu.memory_space<vmem_shared>> -> memref<128x128xf32, #tpu.memory_space<vmem_shared>>
      %dma_wait3A_77 = arith.constant 0 : i32
      %dma_wait3A_78 = tpu.memref_slice %arg9[%add3A_8, %dma_wait3A_77] : memref<10240x128xf32, #tpu.memory_space<vmem_shared>> -> memref<128x128xf32, #tpu.memory_space<vmem_shared>>
      tpu.wait_dma2 semaphore(%run_scoped3A : memref<!tpu.dma_semaphore, #tpu.memory_space<semaphore_mem>>) src(%arg8 : memref<128x128xf32, #tpu.memory_space<vmem>>) dst(%dma_wait3A_78 : memref<128x128xf32, #tpu.memory_space<vmem_shared>>)
      tpu.yield
    }) : () -> ()
    %mul3A_9 = arith.constant 640 : i32
    %mul3A_10 = arith.muli %arg1, %mul3A_9 : i32
    %add3A_11 = arith.constant 128 : i32
    %add3A_12 = arith.addi %mul3A_10, %add3A_11 : i32
    "tpu.region"() ({
      %run_scoped3A = tpu.sem_alloc : memref<!tpu.dma_semaphore, #tpu.memory_space<semaphore_mem>>
      %dma_start3A = arith.constant 0 : i32
      %dma_start3A_73 = tpu.memref_slice %arg9[%add3A_12, %dma_start3A] : memref<10240x128xf32, #tpu.memory_space<vmem_shared>> -> memref<128x128xf32, #tpu.memory_space<vmem_shared>>
      %dma_start3A_74 = arith.constant 0 : i32
      %dma_start3A_75 = tpu.memref_slice %arg9[%add3A_12, %dma_start3A_74] : memref<10240x128xf32, #tpu.memory_space<vmem_shared>> -> memref<128x128xf32, #tpu.memory_space<vmem_shared>>
      tpu.enqueue_dma source(%arg8 : memref<128x128xf32, #tpu.memory_space<vmem>>) target(%dma_start3A_75 : memref<128x128xf32, #tpu.memory_space<vmem_shared>>) target_semaphore(%run_scoped3A : memref<!tpu.dma_semaphore, #tpu.memory_space<semaphore_mem>>)
      %dma_wait3A = arith.constant 0 : i32
      %dma_wait3A_76 = tpu.memref_slice %arg9[%add3A_12, %dma_wait3A] : memref<10240x128xf32, #tpu.memory_space<vmem_shared>> -> memref<128x128xf32, #tpu.memory_space<vmem_shared>>
      %dma_wait3A_77 = arith.constant 0 : i32
      %dma_wait3A_78 = tpu.memref_slice %arg9[%add3A_12, %dma_wait3A_77] : memref<10240x128xf32, #tpu.memory_space<vmem_shared>> -> memref<128x128xf32, #tpu.memory_space<vmem_shared>>
      tpu.wait_dma2 semaphore(%run_scoped3A : memref<!tpu.dma_semaphore, #tpu.memory_space<semaphore_mem>>) src(%arg8 : memref<128x128xf32, #tpu.memory_space<vmem>>) dst(%dma_wait3A_78 : memref<128x128xf32, #tpu.memory_space<vmem_shared>>)
      tpu.yield
    }) : () -> ()
    %mul3A_13 = arith.constant 640 : i32
    %mul3A_14 = arith.muli %arg1, %mul3A_13 : i32
    %add3A_15 = arith.constant 256 : i32
    %add3A_16 = arith.addi %mul3A_14, %add3A_15 : i32
    "tpu.region"() ({
      %run_scoped3A = tpu.sem_alloc : memref<!tpu.dma_semaphore, #tpu.memory_space<semaphore_mem>>
      %dma_start3A = arith.constant 0 : i32
      %dma_start3A_73 = tpu.memref_slice %arg9[%add3A_16, %dma_start3A] : memref<10240x128xf32, #tpu.memory_space<vmem_shared>> -> memref<128x128xf32, #tpu.memory_space<vmem_shared>>
      %dma_start3A_74 = arith.constant 0 : i32
      %dma_start3A_75 = tpu.memref_slice %arg9[%add3A_16, %dma_start3A_74] : memref<10240x128xf32, #tpu.memory_space<vmem_shared>> -> memref<128x128xf32, #tpu.memory_space<vmem_shared>>
      tpu.enqueue_dma source(%arg8 : memref<128x128xf32, #tpu.memory_space<vmem>>) target(%dma_start3A_75 : memref<128x128xf32, #tpu.memory_space<vmem_shared>>) target_semaphore(%run_scoped3A : memref<!tpu.dma_semaphore, #tpu.memory_space<semaphore_mem>>)
      %dma_wait3A = arith.constant 0 : i32
      %dma_wait3A_76 = tpu.memref_slice %arg9[%add3A_16, %dma_wait3A] : memref<10240x128xf32, #tpu.memory_space<vmem_shared>> -> memref<128x128xf32, #tpu.memory_space<vmem_shared>>
      %dma_wait3A_77 = arith.constant 0 : i32
      %dma_wait3A_78 = tpu.memref_slice %arg9[%add3A_16, %dma_wait3A_77] : memref<10240x128xf32, #tpu.memory_space<vmem_shared>> -> memref<128x128xf32, #tpu.memory_space<vmem_shared>>
      tpu.wait_dma2 semaphore(%run_scoped3A : memref<!tpu.dma_semaphore, #tpu.memory_space<semaphore_mem>>) src(%arg8 : memref<128x128xf32, #tpu.memory_space<vmem>>) dst(%dma_wait3A_78 : memref<128x128xf32, #tpu.memory_space<vmem_shared>>)
      tpu.yield
    }) : () -> ()
    %mul3A_17 = arith.constant 640 : i32
    %mul3A_18 = arith.muli %arg1, %mul3A_17 : i32
    %add3A_19 = arith.constant 384 : i32
    %add3A_20 = arith.addi %mul3A_18, %add3A_19 : i32
    "tpu.region"() ({
      %run_scoped3A = tpu.sem_alloc : memref<!tpu.dma_semaphore, #tpu.memory_space<semaphore_mem>>
      %dma_start3A = arith.constant 0 : i32
      %dma_start3A_73 = tpu.memref_slice %arg9[%add3A_20, %dma_start3A] : memref<10240x128xf32, #tpu.memory_space<vmem_shared>> -> memref<128x128xf32, #tpu.memory_space<vmem_shared>>
      %dma_start3A_74 = arith.constant 0 : i32
      %dma_start3A_75 = tpu.memref_slice %arg9[%add3A_20, %dma_start3A_74] : memref<10240x128xf32, #tpu.memory_space<vmem_shared>> -> memref<128x128xf32, #tpu.memory_space<vmem_shared>>
      tpu.enqueue_dma source(%arg8 : memref<128x128xf32, #tpu.memory_space<vmem>>) target(%dma_start3A_75 : memref<128x128xf32, #tpu.memory_space<vmem_shared>>) target_semaphore(%run_scoped3A : memref<!tpu.dma_semaphore, #tpu.memory_space<semaphore_mem>>)
      %dma_wait3A = arith.constant 0 : i32
      %dma_wait3A_76 = tpu.memref_slice %arg9[%add3A_20, %dma_wait3A] : memref<10240x128xf32, #tpu.memory_space<vmem_shared>> -> memref<128x128xf32, #tpu.memory_space<vmem_shared>>
      %dma_wait3A_77 = arith.constant 0 : i32
      %dma_wait3A_78 = tpu.memref_slice %arg9[%add3A_20, %dma_wait3A_77] : memref<10240x128xf32, #tpu.memory_space<vmem_shared>> -> memref<128x128xf32, #tpu.memory_space<vmem_shared>>
      tpu.wait_dma2 semaphore(%run_scoped3A : memref<!tpu.dma_semaphore, #tpu.memory_space<semaphore_mem>>) src(%arg8 : memref<128x128xf32, #tpu.memory_space<vmem>>) dst(%dma_wait3A_78 : memref<128x128xf32, #tpu.memory_space<vmem_shared>>)
      tpu.yield
    }) : () -> ()
    %mul3A_21 = arith.constant 640 : i32
    %mul3A_22 = arith.muli %arg1, %mul3A_21 : i32
    %add3A_23 = arith.constant 512 : i32
    %add3A_24 = arith.addi %mul3A_22, %add3A_23 : i32
    "tpu.region"() ({
      %run_scoped3A = tpu.sem_alloc : memref<!tpu.dma_semaphore, #tpu.memory_space<semaphore_mem>>
      %dma_start3A = arith.constant 0 : i32
      %dma_start3A_73 = tpu.memref_slice %arg9[%add3A_24, %dma_start3A] : memref<10240x128xf32, #tpu.memory_space<vmem_shared>> -> memref<128x128xf32, #tpu.memory_space<vmem_shared>>
      %dma_start3A_74 = arith.constant 0 : i32
      %dma_start3A_75 = tpu.memref_slice %arg9[%add3A_24, %dma_start3A_74] : memref<10240x128xf32, #tpu.memory_space<vmem_shared>> -> memref<128x128xf32, #tpu.memory_space<vmem_shared>>
      tpu.enqueue_dma source(%arg8 : memref<128x128xf32, #tpu.memory_space<vmem>>) target(%dma_start3A_75 : memref<128x128xf32, #tpu.memory_space<vmem_shared>>) target_semaphore(%run_scoped3A : memref<!tpu.dma_semaphore, #tpu.memory_space<semaphore_mem>>)
      %dma_wait3A = arith.constant 0 : i32
      %dma_wait3A_76 = tpu.memref_slice %arg9[%add3A_24, %dma_wait3A] : memref<10240x128xf32, #tpu.memory_space<vmem_shared>> -> memref<128x128xf32, #tpu.memory_space<vmem_shared>>
      %dma_wait3A_77 = arith.constant 0 : i32
      %dma_wait3A_78 = tpu.memref_slice %arg9[%add3A_24, %dma_wait3A_77] : memref<10240x128xf32, #tpu.memory_space<vmem_shared>> -> memref<128x128xf32, #tpu.memory_space<vmem_shared>>
      tpu.wait_dma2 semaphore(%run_scoped3A : memref<!tpu.dma_semaphore, #tpu.memory_space<semaphore_mem>>) src(%arg8 : memref<128x128xf32, #tpu.memory_space<vmem>>) dst(%dma_wait3A_78 : memref<128x128xf32, #tpu.memory_space<vmem_shared>>)
      tpu.yield
    }) : () -> ()
    %barrier3A = arith.constant 0 : index
    tpu.barrier barrier_id(%barrier3A)
    %scan3A_25 = arith.constant 0 : i32
    %scan3A_26 = arith.constant 0 : i32
    %scan3A_27 = arith.constant 79 : i32
    %scan3A_28 = arith.addi %scan3A_26, %scan3A_27 : i32
    %scan3A_29 = arith.constant 1 : i32
    %scan3A_30 = scf.for %scan3A_73 = %scan3A_26 to %scan3A_28 step %scan3A_29 iter_args(%scan3A_74 = %scan3A_25) -> (i32)  : i32 {
      %dma_start3A = arith.constant 0 : i32
      %dma_start3A_75 = tpu.memref_slice %arg6[%scan3A_73, %dma_start3A] : memref<79x128xi32, #tpu.memory_space<vmem>> -> memref<1x128xi32, #tpu.memory_space<vmem>>
      %dma_start3A_76 = tpu.memref_squeeze %dma_start3A_75 : memref<1x128xi32, #tpu.memory_space<vmem>> -> memref<128xi32, #tpu.memory_space<vmem>>
      %dma_start3A_77 = arith.constant 0 : i32
      %dma_start3A_78 = arith.constant 0 : i32
      %dma_start3A_79 = tpu.memref_slice %arg4[%dma_start3A_77, %dma_start3A_78] : memref<10240x128xf32, #tpu.memory_space<hbm>> -> memref<10240x128xf32, #tpu.memory_space<hbm>>
      tpu.enqueue_indirect_dma source(%dma_start3A_79 : memref<10240x128xf32, #tpu.memory_space<hbm>>) target(%arg8 : memref<128x128xf32, #tpu.memory_space<vmem>>) offsets(%dma_start3A_76 : memref<128xi32, #tpu.memory_space<vmem>>) semaphore(%arg10 : memref<!tpu.dma_semaphore, #tpu.memory_space<semaphore_mem>>)
      %dma_wait3A = arith.constant 0 : i32
      %dma_wait3A_80 = tpu.memref_slice %arg6[%scan3A_73, %dma_wait3A] : memref<79x128xi32, #tpu.memory_space<vmem>> -> memref<1x128xi32, #tpu.memory_space<vmem>>
      %dma_wait3A_81 = tpu.memref_squeeze %dma_wait3A_80 : memref<1x128xi32, #tpu.memory_space<vmem>> -> memref<128xi32, #tpu.memory_space<vmem>>
      %dma_wait3A_82 = arith.constant 0 : i32
      %dma_wait3A_83 = arith.constant 0 : i32
      %dma_wait3A_84 = tpu.memref_slice %arg4[%dma_wait3A_82, %dma_wait3A_83] : memref<10240x128xf32, #tpu.memory_space<hbm>> -> memref<10240x128xf32, #tpu.memory_space<hbm>>
      tpu.wait_indirect_dma semaphore(%arg10 : memref<!tpu.dma_semaphore, #tpu.memory_space<semaphore_mem>>) src(%dma_wait3A_84 : memref<10240x128xf32, #tpu.memory_space<hbm>>) dst(%arg8 : memref<128x128xf32, #tpu.memory_space<vmem>>)
      "tpu.region"() ({
        %run_scoped3A = tpu.sem_alloc : memref<!tpu.dma_semaphore, #tpu.memory_space<semaphore_mem>>
        %dma_start3A_86 = arith.constant 0 : i32
        %dma_start3A_87 = tpu.memref_slice %arg7[%scan3A_73, %dma_start3A_86] : memref<79x128xi32, #tpu.memory_space<vmem>> -> memref<1x128xi32, #tpu.memory_space<vmem>>
        %dma_start3A_88 = tpu.memref_squeeze %dma_start3A_87 : memref<1x128xi32, #tpu.memory_space<vmem>> -> memref<128xi32, #tpu.memory_space<vmem>>
        %dma_start3A_89 = arith.constant 0 : i32
        %dma_start3A_90 = arith.constant 0 : i32
        %dma_start3A_91 = tpu.memref_slice %arg9[%dma_start3A_89, %dma_start3A_90] : memref<10240x128xf32, #tpu.memory_space<vmem_shared>> -> memref<10240x128xf32, #tpu.memory_space<vmem_shared>>
        tpu.enqueue_indirect_dma source(%arg8 : memref<128x128xf32, #tpu.memory_space<vmem>>) target(%dma_start3A_91 : memref<10240x128xf32, #tpu.memory_space<vmem_shared>>) offsets(%dma_start3A_88 : memref<128xi32, #tpu.memory_space<vmem>>) semaphore(%run_scoped3A : memref<!tpu.dma_semaphore, #tpu.memory_space<semaphore_mem>>) {add = true}
        %dma_wait3A_92 = arith.constant 0 : i32
        %dma_wait3A_93 = tpu.memref_slice %arg7[%scan3A_73, %dma_wait3A_92] : memref<79x128xi32, #tpu.memory_space<vmem>> -> memref<1x128xi32, #tpu.memory_space<vmem>>
        %dma_wait3A_94 = tpu.memref_squeeze %dma_wait3A_93 : memref<1x128xi32, #tpu.memory_space<vmem>> -> memref<128xi32, #tpu.memory_space<vmem>>
        %dma_wait3A_95 = arith.constant 0 : i32
        %dma_wait3A_96 = arith.constant 0 : i32
        %dma_wait3A_97 = tpu.memref_slice %arg9[%dma_wait3A_95, %dma_wait3A_96] : memref<10240x128xf32, #tpu.memory_space<vmem_shared>> -> memref<10240x128xf32, #tpu.memory_space<vmem_shared>>
        tpu.wait_indirect_dma semaphore(%run_scoped3A : memref<!tpu.dma_semaphore, #tpu.memory_space<semaphore_mem>>) src(%arg8 : memref<128x128xf32, #tpu.memory_space<vmem>>) dst(%dma_wait3A_97 : memref<10240x128xf32, #tpu.memory_space<vmem_shared>>)
        tpu.yield
      }) : () -> ()
      %scan3A_85 = arith.constant 0 : i32
      scf.yield %scan3A_85 : i32
    }
    %scan3A_31 = arith.constant 79 : i32
    %barrier3A_32 = arith.constant 0 : index
    tpu.barrier barrier_id(%barrier3A_32)
    %mul3A_33 = arith.constant 640 : i32
    %mul3A_34 = arith.muli %arg1, %mul3A_33 : i32
    %add3A_35 = arith.constant 0 : i32
    %add3A_36 = arith.addi %mul3A_34, %add3A_35 : i32
    "tpu.region"() ({
      %run_scoped3A = tpu.sem_alloc : memref<!tpu.dma_semaphore, #tpu.memory_space<semaphore_mem>>
      %dma_start3A = arith.constant 0 : i32
      %dma_start3A_73 = tpu.memref_slice %arg9[%add3A_36, %dma_start3A] : memref<10240x128xf32, #tpu.memory_space<vmem_shared>> -> memref<128x128xf32, #tpu.memory_space<vmem_shared>>
      %dma_start3A_74 = arith.constant 0 : i32
      %dma_start3A_75 = tpu.memref_slice %arg9[%add3A_36, %dma_start3A_74] : memref<10240x128xf32, #tpu.memory_space<vmem_shared>> -> memref<128x128xf32, #tpu.memory_space<vmem_shared>>
      tpu.enqueue_dma source(%dma_start3A_75 : memref<128x128xf32, #tpu.memory_space<vmem_shared>>) target(%arg8 : memref<128x128xf32, #tpu.memory_space<vmem>>) target_semaphore(%run_scoped3A : memref<!tpu.dma_semaphore, #tpu.memory_space<semaphore_mem>>)
      %dma_wait3A = arith.constant 0 : i32
      %dma_wait3A_76 = tpu.memref_slice %arg9[%add3A_36, %dma_wait3A] : memref<10240x128xf32, #tpu.memory_space<vmem_shared>> -> memref<128x128xf32, #tpu.memory_space<vmem_shared>>
      %dma_wait3A_77 = arith.constant 0 : i32
      %dma_wait3A_78 = tpu.memref_slice %arg9[%add3A_36, %dma_wait3A_77] : memref<10240x128xf32, #tpu.memory_space<vmem_shared>> -> memref<128x128xf32, #tpu.memory_space<vmem_shared>>
      tpu.wait_dma2 semaphore(%run_scoped3A : memref<!tpu.dma_semaphore, #tpu.memory_space<semaphore_mem>>) src(%dma_wait3A_78 : memref<128x128xf32, #tpu.memory_space<vmem_shared>>) dst(%arg8 : memref<128x128xf32, #tpu.memory_space<vmem>>)
      tpu.yield
    }) : () -> ()
    %mul3A_37 = arith.constant 640 : i32
    %mul3A_38 = arith.muli %arg1, %mul3A_37 : i32
    %add3A_39 = arith.constant 0 : i32
    %add3A_40 = arith.addi %mul3A_38, %add3A_39 : i32
    "tpu.region"() ({
      %run_scoped3A = tpu.sem_alloc : memref<!tpu.dma_semaphore, #tpu.memory_space<semaphore_mem>>
      %dma_start3A = arith.constant 0 : i32
      %dma_start3A_73 = tpu.memref_slice %arg5[%arg0, %add3A_40, %dma_start3A] : memref<2x10240x128xf32, #tpu.memory_space<hbm>> -> memref<1x128x128xf32, #tpu.memory_space<hbm>>
      %dma_start3A_74 = tpu.memref_squeeze %dma_start3A_73 : memref<1x128x128xf32, #tpu.memory_space<hbm>> -> memref<128x128xf32, #tpu.memory_space<hbm>>
      %dma_start3A_75 = arith.constant 0 : i32
      %dma_start3A_76 = tpu.memref_slice %arg5[%arg0, %add3A_40, %dma_start3A_75] : memref<2x10240x128xf32, #tpu.memory_space<hbm>> -> memref<1x128x128xf32, #tpu.memory_space<hbm>>
      %dma_start3A_77 = tpu.memref_squeeze %dma_start3A_76 : memref<1x128x128xf32, #tpu.memory_space<hbm>> -> memref<128x128xf32, #tpu.memory_space<hbm>>
      tpu.enqueue_dma source(%arg8 : memref<128x128xf32, #tpu.memory_space<vmem>>) target(%dma_start3A_77 : memref<128x128xf32, #tpu.memory_space<hbm>>) target_semaphore(%run_scoped3A : memref<!tpu.dma_semaphore, #tpu.memory_space<semaphore_mem>>)
      %dma_wait3A = arith.constant 0 : i32
      %dma_wait3A_78 = tpu.memref_slice %arg5[%arg0, %add3A_40, %dma_wait3A] : memref<2x10240x128xf32, #tpu.memory_space<hbm>> -> memref<1x128x128xf32, #tpu.memory_space<hbm>>
      %dma_wait3A_79 = tpu.memref_squeeze %dma_wait3A_78 : memref<1x128x128xf32, #tpu.memory_space<hbm>> -> memref<128x128xf32, #tpu.memory_space<hbm>>
      %dma_wait3A_80 = arith.constant 0 : i32
      %dma_wait3A_81 = tpu.memref_slice %arg5[%arg0, %add3A_40, %dma_wait3A_80] : memref<2x10240x128xf32, #tpu.memory_space<hbm>> -> memref<1x128x128xf32, #tpu.memory_space<hbm>>
      %dma_wait3A_82 = tpu.memref_squeeze %dma_wait3A_81 : memref<1x128x128xf32, #tpu.memory_space<hbm>> -> memref<128x128xf32, #tpu.memory_space<hbm>>
      tpu.wait_dma2 semaphore(%run_scoped3A : memref<!tpu.dma_semaphore, #tpu.memory_space<semaphore_mem>>) src(%arg8 : memref<128x128xf32, #tpu.memory_space<vmem>>) dst(%dma_wait3A_82 : memref<128x128xf32, #tpu.memory_space<hbm>>)
      tpu.yield
    }) : () -> ()
    %mul3A_41 = arith.constant 640 : i32
    %mul3A_42 = arith.muli %arg1, %mul3A_41 : i32
    %add3A_43 = arith.constant 128 : i32
    %add3A_44 = arith.addi %mul3A_42, %add3A_43 : i32
    "tpu.region"() ({
      %run_scoped3A = tpu.sem_alloc : memref<!tpu.dma_semaphore, #tpu.memory_space<semaphore_mem>>
      %dma_start3A = arith.constant 0 : i32
      %dma_start3A_73 = tpu.memref_slice %arg9[%add3A_44, %dma_start3A] : memref<10240x128xf32, #tpu.memory_space<vmem_shared>> -> memref<128x128xf32, #tpu.memory_space<vmem_shared>>
      %dma_start3A_74 = arith.constant 0 : i32
      %dma_start3A_75 = tpu.memref_slice %arg9[%add3A_44, %dma_start3A_74] : memref<10240x128xf32, #tpu.memory_space<vmem_shared>> -> memref<128x128xf32, #tpu.memory_space<vmem_shared>>
      tpu.enqueue_dma source(%dma_start3A_75 : memref<128x128xf32, #tpu.memory_space<vmem_shared>>) target(%arg8 : memref<128x128xf32, #tpu.memory_space<vmem>>) target_semaphore(%run_scoped3A : memref<!tpu.dma_semaphore, #tpu.memory_space<semaphore_mem>>)
      %dma_wait3A = arith.constant 0 : i32
      %dma_wait3A_76 = tpu.memref_slice %arg9[%add3A_44, %dma_wait3A] : memref<10240x128xf32, #tpu.memory_space<vmem_shared>> -> memref<128x128xf32, #tpu.memory_space<vmem_shared>>
      %dma_wait3A_77 = arith.constant 0 : i32
      %dma_wait3A_78 = tpu.memref_slice %arg9[%add3A_44, %dma_wait3A_77] : memref<10240x128xf32, #tpu.memory_space<vmem_shared>> -> memref<128x128xf32, #tpu.memory_space<vmem_shared>>
      tpu.wait_dma2 semaphore(%run_scoped3A : memref<!tpu.dma_semaphore, #tpu.memory_space<semaphore_mem>>) src(%dma_wait3A_78 : memref<128x128xf32, #tpu.memory_space<vmem_shared>>) dst(%arg8 : memref<128x128xf32, #tpu.memory_space<vmem>>)
      tpu.yield
    }) : () -> ()
    %mul3A_45 = arith.constant 640 : i32
    %mul3A_46 = arith.muli %arg1, %mul3A_45 : i32
    %add3A_47 = arith.constant 128 : i32
    %add3A_48 = arith.addi %mul3A_46, %add3A_47 : i32
    "tpu.region"() ({
      %run_scoped3A = tpu.sem_alloc : memref<!tpu.dma_semaphore, #tpu.memory_space<semaphore_mem>>
      %dma_start3A = arith.constant 0 : i32
      %dma_start3A_73 = tpu.memref_slice %arg5[%arg0, %add3A_48, %dma_start3A] : memref<2x10240x128xf32, #tpu.memory_space<hbm>> -> memref<1x128x128xf32, #tpu.memory_space<hbm>>
      %dma_start3A_74 = tpu.memref_squeeze %dma_start3A_73 : memref<1x128x128xf32, #tpu.memory_space<hbm>> -> memref<128x128xf32, #tpu.memory_space<hbm>>
      %dma_start3A_75 = arith.constant 0 : i32
      %dma_start3A_76 = tpu.memref_slice %arg5[%arg0, %add3A_48, %dma_start3A_75] : memref<2x10240x128xf32, #tpu.memory_space<hbm>> -> memref<1x128x128xf32, #tpu.memory_space<hbm>>
      %dma_start3A_77 = tpu.memref_squeeze %dma_start3A_76 : memref<1x128x128xf32, #tpu.memory_space<hbm>> -> memref<128x128xf32, #tpu.memory_space<hbm>>
      tpu.enqueue_dma source(%arg8 : memref<128x128xf32, #tpu.memory_space<vmem>>) target(%dma_start3A_77 : memref<128x128xf32, #tpu.memory_space<hbm>>) target_semaphore(%run_scoped3A : memref<!tpu.dma_semaphore, #tpu.memory_space<semaphore_mem>>)
      %dma_wait3A = arith.constant 0 : i32
      %dma_wait3A_78 = tpu.memref_slice %arg5[%arg0, %add3A_48, %dma_wait3A] : memref<2x10240x128xf32, #tpu.memory_space<hbm>> -> memref<1x128x128xf32, #tpu.memory_space<hbm>>
      %dma_wait3A_79 = tpu.memref_squeeze %dma_wait3A_78 : memref<1x128x128xf32, #tpu.memory_space<hbm>> -> memref<128x128xf32, #tpu.memory_space<hbm>>
      %dma_wait3A_80 = arith.constant 0 : i32
      %dma_wait3A_81 = tpu.memref_slice %arg5[%arg0, %add3A_48, %dma_wait3A_80] : memref<2x10240x128xf32, #tpu.memory_space<hbm>> -> memref<1x128x128xf32, #tpu.memory_space<hbm>>
      %dma_wait3A_82 = tpu.memref_squeeze %dma_wait3A_81 : memref<1x128x128xf32, #tpu.memory_space<hbm>> -> memref<128x128xf32, #tpu.memory_space<hbm>>
      tpu.wait_dma2 semaphore(%run_scoped3A : memref<!tpu.dma_semaphore, #tpu.memory_space<semaphore_mem>>) src(%arg8 : memref<128x128xf32, #tpu.memory_space<vmem>>) dst(%dma_wait3A_82 : memref<128x128xf32, #tpu.memory_space<hbm>>)
      tpu.yield
    }) : () -> ()
    %mul3A_49 = arith.constant 640 : i32
    %mul3A_50 = arith.muli %arg1, %mul3A_49 : i32
    %add3A_51 = arith.constant 256 : i32
    %add3A_52 = arith.addi %mul3A_50, %add3A_51 : i32
    "tpu.region"() ({
      %run_scoped3A = tpu.sem_alloc : memref<!tpu.dma_semaphore, #tpu.memory_space<semaphore_mem>>
      %dma_start3A = arith.constant 0 : i32
      %dma_start3A_73 = tpu.memref_slice %arg9[%add3A_52, %dma_start3A] : memref<10240x128xf32, #tpu.memory_space<vmem_shared>> -> memref<128x128xf32, #tpu.memory_space<vmem_shared>>
      %dma_start3A_74 = arith.constant 0 : i32
      %dma_start3A_75 = tpu.memref_slice %arg9[%add3A_52, %dma_start3A_74] : memref<10240x128xf32, #tpu.memory_space<vmem_shared>> -> memref<128x128xf32, #tpu.memory_space<vmem_shared>>
      tpu.enqueue_dma source(%dma_start3A_75 : memref<128x128xf32, #tpu.memory_space<vmem_shared>>) target(%arg8 : memref<128x128xf32, #tpu.memory_space<vmem>>) target_semaphore(%run_scoped3A : memref<!tpu.dma_semaphore, #tpu.memory_space<semaphore_mem>>)
      %dma_wait3A = arith.constant 0 : i32
      %dma_wait3A_76 = tpu.memref_slice %arg9[%add3A_52, %dma_wait3A] : memref<10240x128xf32, #tpu.memory_space<vmem_shared>> -> memref<128x128xf32, #tpu.memory_space<vmem_shared>>
      %dma_wait3A_77 = arith.constant 0 : i32
      %dma_wait3A_78 = tpu.memref_slice %arg9[%add3A_52, %dma_wait3A_77] : memref<10240x128xf32, #tpu.memory_space<vmem_shared>> -> memref<128x128xf32, #tpu.memory_space<vmem_shared>>
      tpu.wait_dma2 semaphore(%run_scoped3A : memref<!tpu.dma_semaphore, #tpu.memory_space<semaphore_mem>>) src(%dma_wait3A_78 : memref<128x128xf32, #tpu.memory_space<vmem_shared>>) dst(%arg8 : memref<128x128xf32, #tpu.memory_space<vmem>>)
      tpu.yield
    }) : () -> ()
    %mul3A_53 = arith.constant 640 : i32
    %mul3A_54 = arith.muli %arg1, %mul3A_53 : i32
    %add3A_55 = arith.constant 256 : i32
    %add3A_56 = arith.addi %mul3A_54, %add3A_55 : i32
    "tpu.region"() ({
      %run_scoped3A = tpu.sem_alloc : memref<!tpu.dma_semaphore, #tpu.memory_space<semaphore_mem>>
      %dma_start3A = arith.constant 0 : i32
      %dma_start3A_73 = tpu.memref_slice %arg5[%arg0, %add3A_56, %dma_start3A] : memref<2x10240x128xf32, #tpu.memory_space<hbm>> -> memref<1x128x128xf32, #tpu.memory_space<hbm>>
      %dma_start3A_74 = tpu.memref_squeeze %dma_start3A_73 : memref<1x128x128xf32, #tpu.memory_space<hbm>> -> memref<128x128xf32, #tpu.memory_space<hbm>>
      %dma_start3A_75 = arith.constant 0 : i32
      %dma_start3A_76 = tpu.memref_slice %arg5[%arg0, %add3A_56, %dma_start3A_75] : memref<2x10240x128xf32, #tpu.memory_space<hbm>> -> memref<1x128x128xf32, #tpu.memory_space<hbm>>
      %dma_start3A_77 = tpu.memref_squeeze %dma_start3A_76 : memref<1x128x128xf32, #tpu.memory_space<hbm>> -> memref<128x128xf32, #tpu.memory_space<hbm>>
      tpu.enqueue_dma source(%arg8 : memref<128x128xf32, #tpu.memory_space<vmem>>) target(%dma_start3A_77 : memref<128x128xf32, #tpu.memory_space<hbm>>) target_semaphore(%run_scoped3A : memref<!tpu.dma_semaphore, #tpu.memory_space<semaphore_mem>>)
      %dma_wait3A = arith.constant 0 : i32
      %dma_wait3A_78 = tpu.memref_slice %arg5[%arg0, %add3A_56, %dma_wait3A] : memref<2x10240x128xf32, #tpu.memory_space<hbm>> -> memref<1x128x128xf32, #tpu.memory_space<hbm>>
      %dma_wait3A_79 = tpu.memref_squeeze %dma_wait3A_78 : memref<1x128x128xf32, #tpu.memory_space<hbm>> -> memref<128x128xf32, #tpu.memory_space<hbm>>
      %dma_wait3A_80 = arith.constant 0 : i32
      %dma_wait3A_81 = tpu.memref_slice %arg5[%arg0, %add3A_56, %dma_wait3A_80] : memref<2x10240x128xf32, #tpu.memory_space<hbm>> -> memref<1x128x128xf32, #tpu.memory_space<hbm>>
      %dma_wait3A_82 = tpu.memref_squeeze %dma_wait3A_81 : memref<1x128x128xf32, #tpu.memory_space<hbm>> -> memref<128x128xf32, #tpu.memory_space<hbm>>
      tpu.wait_dma2 semaphore(%run_scoped3A : memref<!tpu.dma_semaphore, #tpu.memory_space<semaphore_mem>>) src(%arg8 : memref<128x128xf32, #tpu.memory_space<vmem>>) dst(%dma_wait3A_82 : memref<128x128xf32, #tpu.memory_space<hbm>>)
      tpu.yield
    }) : () -> ()
    %mul3A_57 = arith.constant 640 : i32
    %mul3A_58 = arith.muli %arg1, %mul3A_57 : i32
    %add3A_59 = arith.constant 384 : i32
    %add3A_60 = arith.addi %mul3A_58, %add3A_59 : i32
    "tpu.region"() ({
      %run_scoped3A = tpu.sem_alloc : memref<!tpu.dma_semaphore, #tpu.memory_space<semaphore_mem>>
      %dma_start3A = arith.constant 0 : i32
      %dma_start3A_73 = tpu.memref_slice %arg9[%add3A_60, %dma_start3A] : memref<10240x128xf32, #tpu.memory_space<vmem_shared>> -> memref<128x128xf32, #tpu.memory_space<vmem_shared>>
      %dma_start3A_74 = arith.constant 0 : i32
      %dma_start3A_75 = tpu.memref_slice %arg9[%add3A_60, %dma_start3A_74] : memref<10240x128xf32, #tpu.memory_space<vmem_shared>> -> memref<128x128xf32, #tpu.memory_space<vmem_shared>>
      tpu.enqueue_dma source(%dma_start3A_75 : memref<128x128xf32, #tpu.memory_space<vmem_shared>>) target(%arg8 : memref<128x128xf32, #tpu.memory_space<vmem>>) target_semaphore(%run_scoped3A : memref<!tpu.dma_semaphore, #tpu.memory_space<semaphore_mem>>)
      %dma_wait3A = arith.constant 0 : i32
      %dma_wait3A_76 = tpu.memref_slice %arg9[%add3A_60, %dma_wait3A] : memref<10240x128xf32, #tpu.memory_space<vmem_shared>> -> memref<128x128xf32, #tpu.memory_space<vmem_shared>>
      %dma_wait3A_77 = arith.constant 0 : i32
      %dma_wait3A_78 = tpu.memref_slice %arg9[%add3A_60, %dma_wait3A_77] : memref<10240x128xf32, #tpu.memory_space<vmem_shared>> -> memref<128x128xf32, #tpu.memory_space<vmem_shared>>
      tpu.wait_dma2 semaphore(%run_scoped3A : memref<!tpu.dma_semaphore, #tpu.memory_space<semaphore_mem>>) src(%dma_wait3A_78 : memref<128x128xf32, #tpu.memory_space<vmem_shared>>) dst(%arg8 : memref<128x128xf32, #tpu.memory_space<vmem>>)
      tpu.yield
    }) : () -> ()
    %mul3A_61 = arith.constant 640 : i32
    %mul3A_62 = arith.muli %arg1, %mul3A_61 : i32
    %add3A_63 = arith.constant 384 : i32
    %add3A_64 = arith.addi %mul3A_62, %add3A_63 : i32
    "tpu.region"() ({
      %run_scoped3A = tpu.sem_alloc : memref<!tpu.dma_semaphore, #tpu.memory_space<semaphore_mem>>
      %dma_start3A = arith.constant 0 : i32
      %dma_start3A_73 = tpu.memref_slice %arg5[%arg0, %add3A_64, %dma_start3A] : memref<2x10240x128xf32, #tpu.memory_space<hbm>> -> memref<1x128x128xf32, #tpu.memory_space<hbm>>
      %dma_start3A_74 = tpu.memref_squeeze %dma_start3A_73 : memref<1x128x128xf32, #tpu.memory_space<hbm>> -> memref<128x128xf32, #tpu.memory_space<hbm>>
      %dma_start3A_75 = arith.constant 0 : i32
      %dma_start3A_76 = tpu.memref_slice %arg5[%arg0, %add3A_64, %dma_start3A_75] : memref<2x10240x128xf32, #tpu.memory_space<hbm>> -> memref<1x128x128xf32, #tpu.memory_space<hbm>>
      %dma_start3A_77 = tpu.memref_squeeze %dma_start3A_76 : memref<1x128x128xf32, #tpu.memory_space<hbm>> -> memref<128x128xf32, #tpu.memory_space<hbm>>
      tpu.enqueue_dma source(%arg8 : memref<128x128xf32, #tpu.memory_space<vmem>>) target(%dma_start3A_77 : memref<128x128xf32, #tpu.memory_space<hbm>>) target_semaphore(%run_scoped3A : memref<!tpu.dma_semaphore, #tpu.memory_space<semaphore_mem>>)
      %dma_wait3A = arith.constant 0 : i32
      %dma_wait3A_78 = tpu.memref_slice %arg5[%arg0, %add3A_64, %dma_wait3A] : memref<2x10240x128xf32, #tpu.memory_space<hbm>> -> memref<1x128x128xf32, #tpu.memory_space<hbm>>
      %dma_wait3A_79 = tpu.memref_squeeze %dma_wait3A_78 : memref<1x128x128xf32, #tpu.memory_space<hbm>> -> memref<128x128xf32, #tpu.memory_space<hbm>>
      %dma_wait3A_80 = arith.constant 0 : i32
      %dma_wait3A_81 = tpu.memref_slice %arg5[%arg0, %add3A_64, %dma_wait3A_80] : memref<2x10240x128xf32, #tpu.memory_space<hbm>> -> memref<1x128x128xf32, #tpu.memory_space<hbm>>
      %dma_wait3A_82 = tpu.memref_squeeze %dma_wait3A_81 : memref<1x128x128xf32, #tpu.memory_space<hbm>> -> memref<128x128xf32, #tpu.memory_space<hbm>>
      tpu.wait_dma2 semaphore(%run_scoped3A : memref<!tpu.dma_semaphore, #tpu.memory_space<semaphore_mem>>) src(%arg8 : memref<128x128xf32, #tpu.memory_space<vmem>>) dst(%dma_wait3A_82 : memref<128x128xf32, #tpu.memory_space<hbm>>)
      tpu.yield
    }) : () -> ()
    %mul3A_65 = arith.constant 640 : i32
    %mul3A_66 = arith.muli %arg1, %mul3A_65 : i32
    %add3A_67 = arith.constant 512 : i32
    %add3A_68 = arith.addi %mul3A_66, %add3A_67 : i32
    "tpu.region"() ({
      %run_scoped3A = tpu.sem_alloc : memref<!tpu.dma_semaphore, #tpu.memory_space<semaphore_mem>>
      %dma_start3A = arith.constant 0 : i32
      %dma_start3A_73 = tpu.memref_slice %arg9[%add3A_68, %dma_start3A] : memref<10240x128xf32, #tpu.memory_space<vmem_shared>> -> memref<128x128xf32, #tpu.memory_space<vmem_shared>>
      %dma_start3A_74 = arith.constant 0 : i32
      %dma_start3A_75 = tpu.memref_slice %arg9[%add3A_68, %dma_start3A_74] : memref<10240x128xf32, #tpu.memory_space<vmem_shared>> -> memref<128x128xf32, #tpu.memory_space<vmem_shared>>
      tpu.enqueue_dma source(%dma_start3A_75 : memref<128x128xf32, #tpu.memory_space<vmem_shared>>) target(%arg8 : memref<128x128xf32, #tpu.memory_space<vmem>>) target_semaphore(%run_scoped3A : memref<!tpu.dma_semaphore, #tpu.memory_space<semaphore_mem>>)
      %dma_wait3A = arith.constant 0 : i32
      %dma_wait3A_76 = tpu.memref_slice %arg9[%add3A_68, %dma_wait3A] : memref<10240x128xf32, #tpu.memory_space<vmem_shared>> -> memref<128x128xf32, #tpu.memory_space<vmem_shared>>
      %dma_wait3A_77 = arith.constant 0 : i32
      %dma_wait3A_78 = tpu.memref_slice %arg9[%add3A_68, %dma_wait3A_77] : memref<10240x128xf32, #tpu.memory_space<vmem_shared>> -> memref<128x128xf32, #tpu.memory_space<vmem_shared>>
      tpu.wait_dma2 semaphore(%run_scoped3A : memref<!tpu.dma_semaphore, #tpu.memory_space<semaphore_mem>>) src(%dma_wait3A_78 : memref<128x128xf32, #tpu.memory_space<vmem_shared>>) dst(%arg8 : memref<128x128xf32, #tpu.memory_space<vmem>>)
      tpu.yield
    }) : () -> ()
    %mul3A_69 = arith.constant 640 : i32
    %mul3A_70 = arith.muli %arg1, %mul3A_69 : i32
    %add3A_71 = arith.constant 512 : i32
    %add3A_72 = arith.addi %mul3A_70, %add3A_71 : i32
    "tpu.region"() ({
      %run_scoped3A = tpu.sem_alloc : memref<!tpu.dma_semaphore, #tpu.memory_space<semaphore_mem>>
      %dma_start3A = arith.constant 0 : i32
      %dma_start3A_73 = tpu.memref_slice %arg5[%arg0, %add3A_72, %dma_start3A] : memref<2x10240x128xf32, #tpu.memory_space<hbm>> -> memref<1x128x128xf32, #tpu.memory_space<hbm>>
      %dma_start3A_74 = tpu.memref_squeeze %dma_start3A_73 : memref<1x128x128xf32, #tpu.memory_space<hbm>> -> memref<128x128xf32, #tpu.memory_space<hbm>>
      %dma_start3A_75 = arith.constant 0 : i32
      %dma_start3A_76 = tpu.memref_slice %arg5[%arg0, %add3A_72, %dma_start3A_75] : memref<2x10240x128xf32, #tpu.memory_space<hbm>> -> memref<1x128x128xf32, #tpu.memory_space<hbm>>
      %dma_start3A_77 = tpu.memref_squeeze %dma_start3A_76 : memref<1x128x128xf32, #tpu.memory_space<hbm>> -> memref<128x128xf32, #tpu.memory_space<hbm>>
      tpu.enqueue_dma source(%arg8 : memref<128x128xf32, #tpu.memory_space<vmem>>) target(%dma_start3A_77 : memref<128x128xf32, #tpu.memory_space<hbm>>) target_semaphore(%run_scoped3A : memref<!tpu.dma_semaphore, #tpu.memory_space<semaphore_mem>>)
      %dma_wait3A = arith.constant 0 : i32
      %dma_wait3A_78 = tpu.memref_slice %arg5[%arg0, %add3A_72, %dma_wait3A] : memref<2x10240x128xf32, #tpu.memory_space<hbm>> -> memref<1x128x128xf32, #tpu.memory_space<hbm>>
      %dma_wait3A_79 = tpu.memref_squeeze %dma_wait3A_78 : memref<1x128x128xf32, #tpu.memory_space<hbm>> -> memref<128x128xf32, #tpu.memory_space<hbm>>
      %dma_wait3A_80 = arith.constant 0 : i32
      %dma_wait3A_81 = tpu.memref_slice %arg5[%arg0, %add3A_72, %dma_wait3A_80] : memref<2x10240x128xf32, #tpu.memory_space<hbm>> -> memref<1x128x128xf32, #tpu.memory_space<hbm>>
      %dma_wait3A_82 = tpu.memref_squeeze %dma_wait3A_81 : memref<1x128x128xf32, #tpu.memory_space<hbm>> -> memref<128x128xf32, #tpu.memory_space<hbm>>
      tpu.wait_dma2 semaphore(%run_scoped3A : memref<!tpu.dma_semaphore, #tpu.memory_space<semaphore_mem>>) src(%arg8 : memref<128x128xf32, #tpu.memory_space<vmem>>) dst(%dma_wait3A_82 : memref<128x128xf32, #tpu.memory_space<hbm>>)
      tpu.yield
    }) : () -> ()
    return
  }
}

#map = affine_map<(d0, d1) -> (0, 0, 0, 0)>
#map1 = affine_map<(d0, d1) -> (0, 0)>
#map2 = affine_map<(d0, d1) -> (0, 0, 0)>
module attributes {stable_mosaic.version = 14 : i64} {
  func.func @edge_kernel(%arg0: i32, %arg1: i32, %arg2: memref<2x16x79x128xi32, #tpu.memory_space<hbm>>, %arg3: memref<2x16x79x128xi32, #tpu.memory_space<hbm>>, %arg4: memref<10240x16xf32, #tpu.memory_space<hbm>>, %arg5: memref<2x10240x16xf32, #tpu.memory_space<hbm>>, %arg6: memref<79x128xi32, #tpu.memory_space<vmem>>, %arg7: memref<79x128xi32, #tpu.memory_space<vmem>>, %arg8: memref<128x16xf32, #tpu.memory_space<vmem>>, %arg9: memref<10240x16xf32, #tpu.memory_space<vmem_shared>>, %arg10: memref<!tpu.dma_semaphore, #tpu.memory_space<semaphore_mem>>) attributes {dimension_semantics = [#tpu.dimension_semantics<core_parallel>, #tpu.dimension_semantics<subcore_parallel>], iteration_bounds = array<i64: 2, 16>, scalar_prefetch = 0 : i64, scratch_operands = 5 : i64, tpu.core_type = #tpu.core_type<sc_vector_subcore>, window_params = [{transform_indices = #map}, {transform_indices = #map}, {transform_indices = #map1}, {transform_indices = #map2}]} {
    "tpu.region"() ({
      %run_scoped3A = tpu.sem_alloc : memref<!tpu.dma_semaphore, #tpu.memory_space<semaphore_mem>>
      %dma_start3A = arith.constant 0 : i32
      %dma_start3A_73 = arith.constant 0 : i32
      %dma_start3A_74 = tpu.memref_slice %arg2[%arg0, %arg1, %dma_start3A, %dma_start3A_73] : memref<2x16x79x128xi32, #tpu.memory_space<hbm>> -> memref<1x1x79x128xi32, #tpu.memory_space<hbm>>
      %dma_start3A_75 = tpu.memref_squeeze %dma_start3A_74 : memref<1x1x79x128xi32, #tpu.memory_space<hbm>> -> memref<79x128xi32, #tpu.memory_space<hbm>>
      %dma_start3A_76 = arith.constant 0 : i32
      %dma_start3A_77 = arith.constant 0 : i32
      %dma_start3A_78 = tpu.memref_slice %arg2[%arg0, %arg1, %dma_start3A_76, %dma_start3A_77] : memref<2x16x79x128xi32, #tpu.memory_space<hbm>> -> memref<1x1x79x128xi32, #tpu.memory_space<hbm>>
      %dma_start3A_79 = tpu.memref_squeeze %dma_start3A_78 : memref<1x1x79x128xi32, #tpu.memory_space<hbm>> -> memref<79x128xi32, #tpu.memory_space<hbm>>
      tpu.enqueue_dma source(%dma_start3A_79 : memref<79x128xi32, #tpu.memory_space<hbm>>) target(%arg6 : memref<79x128xi32, #tpu.memory_space<vmem>>) target_semaphore(%run_scoped3A : memref<!tpu.dma_semaphore, #tpu.memory_space<semaphore_mem>>)
      %dma_wait3A = arith.constant 0 : i32
      %dma_wait3A_80 = arith.constant 0 : i32
      %dma_wait3A_81 = tpu.memref_slice %arg2[%arg0, %arg1, %dma_wait3A, %dma_wait3A_80] : memref<2x16x79x128xi32, #tpu.memory_space<hbm>> -> memref<1x1x79x128xi32, #tpu.memory_space<hbm>>
      %dma_wait3A_82 = tpu.memref_squeeze %dma_wait3A_81 : memref<1x1x79x128xi32, #tpu.memory_space<hbm>> -> memref<79x128xi32, #tpu.memory_space<hbm>>
      %dma_wait3A_83 = arith.constant 0 : i32
      %dma_wait3A_84 = arith.constant 0 : i32
      %dma_wait3A_85 = tpu.memref_slice %arg2[%arg0, %arg1, %dma_wait3A_83, %dma_wait3A_84] : memref<2x16x79x128xi32, #tpu.memory_space<hbm>> -> memref<1x1x79x128xi32, #tpu.memory_space<hbm>>
      %dma_wait3A_86 = tpu.memref_squeeze %dma_wait3A_85 : memref<1x1x79x128xi32, #tpu.memory_space<hbm>> -> memref<79x128xi32, #tpu.memory_space<hbm>>
      tpu.wait_dma2 semaphore(%run_scoped3A : memref<!tpu.dma_semaphore, #tpu.memory_space<semaphore_mem>>) src(%dma_wait3A_86 : memref<79x128xi32, #tpu.memory_space<hbm>>) dst(%arg6 : memref<79x128xi32, #tpu.memory_space<vmem>>)
      tpu.yield
    }) : () -> ()
    "tpu.region"() ({
      %run_scoped3A = tpu.sem_alloc : memref<!tpu.dma_semaphore, #tpu.memory_space<semaphore_mem>>
      %dma_start3A = arith.constant 0 : i32
      %dma_start3A_73 = arith.constant 0 : i32
      %dma_start3A_74 = tpu.memref_slice %arg3[%arg0, %arg1, %dma_start3A, %dma_start3A_73] : memref<2x16x79x128xi32, #tpu.memory_space<hbm>> -> memref<1x1x79x128xi32, #tpu.memory_space<hbm>>
      %dma_start3A_75 = tpu.memref_squeeze %dma_start3A_74 : memref<1x1x79x128xi32, #tpu.memory_space<hbm>> -> memref<79x128xi32, #tpu.memory_space<hbm>>
      %dma_start3A_76 = arith.constant 0 : i32
      %dma_start3A_77 = arith.constant 0 : i32
      %dma_start3A_78 = tpu.memref_slice %arg3[%arg0, %arg1, %dma_start3A_76, %dma_start3A_77] : memref<2x16x79x128xi32, #tpu.memory_space<hbm>> -> memref<1x1x79x128xi32, #tpu.memory_space<hbm>>
      %dma_start3A_79 = tpu.memref_squeeze %dma_start3A_78 : memref<1x1x79x128xi32, #tpu.memory_space<hbm>> -> memref<79x128xi32, #tpu.memory_space<hbm>>
      tpu.enqueue_dma source(%dma_start3A_79 : memref<79x128xi32, #tpu.memory_space<hbm>>) target(%arg7 : memref<79x128xi32, #tpu.memory_space<vmem>>) target_semaphore(%run_scoped3A : memref<!tpu.dma_semaphore, #tpu.memory_space<semaphore_mem>>)
      %dma_wait3A = arith.constant 0 : i32
      %dma_wait3A_80 = arith.constant 0 : i32
      %dma_wait3A_81 = tpu.memref_slice %arg3[%arg0, %arg1, %dma_wait3A, %dma_wait3A_80] : memref<2x16x79x128xi32, #tpu.memory_space<hbm>> -> memref<1x1x79x128xi32, #tpu.memory_space<hbm>>
      %dma_wait3A_82 = tpu.memref_squeeze %dma_wait3A_81 : memref<1x1x79x128xi32, #tpu.memory_space<hbm>> -> memref<79x128xi32, #tpu.memory_space<hbm>>
      %dma_wait3A_83 = arith.constant 0 : i32
      %dma_wait3A_84 = arith.constant 0 : i32
      %dma_wait3A_85 = tpu.memref_slice %arg3[%arg0, %arg1, %dma_wait3A_83, %dma_wait3A_84] : memref<2x16x79x128xi32, #tpu.memory_space<hbm>> -> memref<1x1x79x128xi32, #tpu.memory_space<hbm>>
      %dma_wait3A_86 = tpu.memref_squeeze %dma_wait3A_85 : memref<1x1x79x128xi32, #tpu.memory_space<hbm>> -> memref<79x128xi32, #tpu.memory_space<hbm>>
      tpu.wait_dma2 semaphore(%run_scoped3A : memref<!tpu.dma_semaphore, #tpu.memory_space<semaphore_mem>>) src(%dma_wait3A_86 : memref<79x128xi32, #tpu.memory_space<hbm>>) dst(%arg7 : memref<79x128xi32, #tpu.memory_space<vmem>>)
      tpu.yield
    }) : () -> ()
    %broadcast_in_dim3A = arith.constant 0.000000e+00 : f32
    %broadcast_in_dim3A_0 = vector.broadcast %broadcast_in_dim3A : f32 to vector<16xf32>
    %scan3A = arith.constant 0 : i32
    %scan3A_1 = arith.constant 0 : i32
    %scan3A_2 = arith.constant 128 : i32
    %scan3A_3 = arith.addi %scan3A_1, %scan3A_2 : i32
    %scan3A_4 = arith.constant 1 : i32
    %scan3A_5 = scf.for %scan3A_73 = %scan3A_1 to %scan3A_3 step %scan3A_4 iter_args(%scan3A_74 = %scan3A) -> (i32)  : i32 {
      %swap3A = arith.index_cast %scan3A_73 : i32 to index
      %swap3A_75 = arith.constant 0 : index
      %swap3A_76 = tpu.vector_load %arg8[%swap3A, %swap3A_75] {strides = array<i32>} : memref<128x16xf32, #tpu.memory_space<vmem>>, vector<1x16xf32>,
      %swap3A_77 = vector.shape_cast %swap3A_76 : vector<1x16xf32> to vector<16xf32>
      %swap3A_78 = vector.shape_cast %broadcast_in_dim3A_0 : vector<16xf32> to vector<1x16xf32>
      tpu.vector_store %arg8[%swap3A, %swap3A_75], %swap3A_78 {strides = array<i32>} : memref<128x16xf32, #tpu.memory_space<vmem>>, vector<1x16xf32>,
      %scan3A_79 = arith.constant 0 : i32
      scf.yield %scan3A_79 : i32
    }
    %scan3A_6 = arith.constant 128 : i32
    %mul3A = arith.constant 640 : i32
    %mul3A_7 = arith.muli %arg1, %mul3A : i32
    %add3A = arith.constant 0 : i32
    %add3A_8 = arith.addi %mul3A_7, %add3A : i32
    "tpu.region"() ({
      %run_scoped3A = tpu.sem_alloc : memref<!tpu.dma_semaphore, #tpu.memory_space<semaphore_mem>>
      %dma_start3A = arith.constant 0 : i32
      %dma_start3A_73 = tpu.memref_slice %arg9[%add3A_8, %dma_start3A] : memref<10240x16xf32, #tpu.memory_space<vmem_shared>> -> memref<128x16xf32, #tpu.memory_space<vmem_shared>>
      %dma_start3A_74 = arith.constant 0 : i32
      %dma_start3A_75 = tpu.memref_slice %arg9[%add3A_8, %dma_start3A_74] : memref<10240x16xf32, #tpu.memory_space<vmem_shared>> -> memref<128x16xf32, #tpu.memory_space<vmem_shared>>
      tpu.enqueue_dma source(%arg8 : memref<128x16xf32, #tpu.memory_space<vmem>>) target(%dma_start3A_75 : memref<128x16xf32, #tpu.memory_space<vmem_shared>>) target_semaphore(%run_scoped3A : memref<!tpu.dma_semaphore, #tpu.memory_space<semaphore_mem>>)
      %dma_wait3A = arith.constant 0 : i32
      %dma_wait3A_76 = tpu.memref_slice %arg9[%add3A_8, %dma_wait3A] : memref<10240x16xf32, #tpu.memory_space<vmem_shared>> -> memref<128x16xf32, #tpu.memory_space<vmem_shared>>
      %dma_wait3A_77 = arith.constant 0 : i32
      %dma_wait3A_78 = tpu.memref_slice %arg9[%add3A_8, %dma_wait3A_77] : memref<10240x16xf32, #tpu.memory_space<vmem_shared>> -> memref<128x16xf32, #tpu.memory_space<vmem_shared>>
      tpu.wait_dma2 semaphore(%run_scoped3A : memref<!tpu.dma_semaphore, #tpu.memory_space<semaphore_mem>>) src(%arg8 : memref<128x16xf32, #tpu.memory_space<vmem>>) dst(%dma_wait3A_78 : memref<128x16xf32, #tpu.memory_space<vmem_shared>>)
      tpu.yield
    }) : () -> ()
    %mul3A_9 = arith.constant 640 : i32
    %mul3A_10 = arith.muli %arg1, %mul3A_9 : i32
    %add3A_11 = arith.constant 128 : i32
    %add3A_12 = arith.addi %mul3A_10, %add3A_11 : i32
    "tpu.region"() ({
      %run_scoped3A = tpu.sem_alloc : memref<!tpu.dma_semaphore, #tpu.memory_space<semaphore_mem>>
      %dma_start3A = arith.constant 0 : i32
      %dma_start3A_73 = tpu.memref_slice %arg9[%add3A_12, %dma_start3A] : memref<10240x16xf32, #tpu.memory_space<vmem_shared>> -> memref<128x16xf32, #tpu.memory_space<vmem_shared>>
      %dma_start3A_74 = arith.constant 0 : i32
      %dma_start3A_75 = tpu.memref_slice %arg9[%add3A_12, %dma_start3A_74] : memref<10240x16xf32, #tpu.memory_space<vmem_shared>> -> memref<128x16xf32, #tpu.memory_space<vmem_shared>>
      tpu.enqueue_dma source(%arg8 : memref<128x16xf32, #tpu.memory_space<vmem>>) target(%dma_start3A_75 : memref<128x16xf32, #tpu.memory_space<vmem_shared>>) target_semaphore(%run_scoped3A : memref<!tpu.dma_semaphore, #tpu.memory_space<semaphore_mem>>)
      %dma_wait3A = arith.constant 0 : i32
      %dma_wait3A_76 = tpu.memref_slice %arg9[%add3A_12, %dma_wait3A] : memref<10240x16xf32, #tpu.memory_space<vmem_shared>> -> memref<128x16xf32, #tpu.memory_space<vmem_shared>>
      %dma_wait3A_77 = arith.constant 0 : i32
      %dma_wait3A_78 = tpu.memref_slice %arg9[%add3A_12, %dma_wait3A_77] : memref<10240x16xf32, #tpu.memory_space<vmem_shared>> -> memref<128x16xf32, #tpu.memory_space<vmem_shared>>
      tpu.wait_dma2 semaphore(%run_scoped3A : memref<!tpu.dma_semaphore, #tpu.memory_space<semaphore_mem>>) src(%arg8 : memref<128x16xf32, #tpu.memory_space<vmem>>) dst(%dma_wait3A_78 : memref<128x16xf32, #tpu.memory_space<vmem_shared>>)
      tpu.yield
    }) : () -> ()
    %mul3A_13 = arith.constant 640 : i32
    %mul3A_14 = arith.muli %arg1, %mul3A_13 : i32
    %add3A_15 = arith.constant 256 : i32
    %add3A_16 = arith.addi %mul3A_14, %add3A_15 : i32
    "tpu.region"() ({
      %run_scoped3A = tpu.sem_alloc : memref<!tpu.dma_semaphore, #tpu.memory_space<semaphore_mem>>
      %dma_start3A = arith.constant 0 : i32
      %dma_start3A_73 = tpu.memref_slice %arg9[%add3A_16, %dma_start3A] : memref<10240x16xf32, #tpu.memory_space<vmem_shared>> -> memref<128x16xf32, #tpu.memory_space<vmem_shared>>
      %dma_start3A_74 = arith.constant 0 : i32
      %dma_start3A_75 = tpu.memref_slice %arg9[%add3A_16, %dma_start3A_74] : memref<10240x16xf32, #tpu.memory_space<vmem_shared>> -> memref<128x16xf32, #tpu.memory_space<vmem_shared>>
      tpu.enqueue_dma source(%arg8 : memref<128x16xf32, #tpu.memory_space<vmem>>) target(%dma_start3A_75 : memref<128x16xf32, #tpu.memory_space<vmem_shared>>) target_semaphore(%run_scoped3A : memref<!tpu.dma_semaphore, #tpu.memory_space<semaphore_mem>>)
      %dma_wait3A = arith.constant 0 : i32
      %dma_wait3A_76 = tpu.memref_slice %arg9[%add3A_16, %dma_wait3A] : memref<10240x16xf32, #tpu.memory_space<vmem_shared>> -> memref<128x16xf32, #tpu.memory_space<vmem_shared>>
      %dma_wait3A_77 = arith.constant 0 : i32
      %dma_wait3A_78 = tpu.memref_slice %arg9[%add3A_16, %dma_wait3A_77] : memref<10240x16xf32, #tpu.memory_space<vmem_shared>> -> memref<128x16xf32, #tpu.memory_space<vmem_shared>>
      tpu.wait_dma2 semaphore(%run_scoped3A : memref<!tpu.dma_semaphore, #tpu.memory_space<semaphore_mem>>) src(%arg8 : memref<128x16xf32, #tpu.memory_space<vmem>>) dst(%dma_wait3A_78 : memref<128x16xf32, #tpu.memory_space<vmem_shared>>)
      tpu.yield
    }) : () -> ()
    %mul3A_17 = arith.constant 640 : i32
    %mul3A_18 = arith.muli %arg1, %mul3A_17 : i32
    %add3A_19 = arith.constant 384 : i32
    %add3A_20 = arith.addi %mul3A_18, %add3A_19 : i32
    "tpu.region"() ({
      %run_scoped3A = tpu.sem_alloc : memref<!tpu.dma_semaphore, #tpu.memory_space<semaphore_mem>>
      %dma_start3A = arith.constant 0 : i32
      %dma_start3A_73 = tpu.memref_slice %arg9[%add3A_20, %dma_start3A] : memref<10240x16xf32, #tpu.memory_space<vmem_shared>> -> memref<128x16xf32, #tpu.memory_space<vmem_shared>>
      %dma_start3A_74 = arith.constant 0 : i32
      %dma_start3A_75 = tpu.memref_slice %arg9[%add3A_20, %dma_start3A_74] : memref<10240x16xf32, #tpu.memory_space<vmem_shared>> -> memref<128x16xf32, #tpu.memory_space<vmem_shared>>
      tpu.enqueue_dma source(%arg8 : memref<128x16xf32, #tpu.memory_space<vmem>>) target(%dma_start3A_75 : memref<128x16xf32, #tpu.memory_space<vmem_shared>>) target_semaphore(%run_scoped3A : memref<!tpu.dma_semaphore, #tpu.memory_space<semaphore_mem>>)
      %dma_wait3A = arith.constant 0 : i32
      %dma_wait3A_76 = tpu.memref_slice %arg9[%add3A_20, %dma_wait3A] : memref<10240x16xf32, #tpu.memory_space<vmem_shared>> -> memref<128x16xf32, #tpu.memory_space<vmem_shared>>
      %dma_wait3A_77 = arith.constant 0 : i32
      %dma_wait3A_78 = tpu.memref_slice %arg9[%add3A_20, %dma_wait3A_77] : memref<10240x16xf32, #tpu.memory_space<vmem_shared>> -> memref<128x16xf32, #tpu.memory_space<vmem_shared>>
      tpu.wait_dma2 semaphore(%run_scoped3A : memref<!tpu.dma_semaphore, #tpu.memory_space<semaphore_mem>>) src(%arg8 : memref<128x16xf32, #tpu.memory_space<vmem>>) dst(%dma_wait3A_78 : memref<128x16xf32, #tpu.memory_space<vmem_shared>>)
      tpu.yield
    }) : () -> ()
    %mul3A_21 = arith.constant 640 : i32
    %mul3A_22 = arith.muli %arg1, %mul3A_21 : i32
    %add3A_23 = arith.constant 512 : i32
    %add3A_24 = arith.addi %mul3A_22, %add3A_23 : i32
    "tpu.region"() ({
      %run_scoped3A = tpu.sem_alloc : memref<!tpu.dma_semaphore, #tpu.memory_space<semaphore_mem>>
      %dma_start3A = arith.constant 0 : i32
      %dma_start3A_73 = tpu.memref_slice %arg9[%add3A_24, %dma_start3A] : memref<10240x16xf32, #tpu.memory_space<vmem_shared>> -> memref<128x16xf32, #tpu.memory_space<vmem_shared>>
      %dma_start3A_74 = arith.constant 0 : i32
      %dma_start3A_75 = tpu.memref_slice %arg9[%add3A_24, %dma_start3A_74] : memref<10240x16xf32, #tpu.memory_space<vmem_shared>> -> memref<128x16xf32, #tpu.memory_space<vmem_shared>>
      tpu.enqueue_dma source(%arg8 : memref<128x16xf32, #tpu.memory_space<vmem>>) target(%dma_start3A_75 : memref<128x16xf32, #tpu.memory_space<vmem_shared>>) target_semaphore(%run_scoped3A : memref<!tpu.dma_semaphore, #tpu.memory_space<semaphore_mem>>)
      %dma_wait3A = arith.constant 0 : i32
      %dma_wait3A_76 = tpu.memref_slice %arg9[%add3A_24, %dma_wait3A] : memref<10240x16xf32, #tpu.memory_space<vmem_shared>> -> memref<128x16xf32, #tpu.memory_space<vmem_shared>>
      %dma_wait3A_77 = arith.constant 0 : i32
      %dma_wait3A_78 = tpu.memref_slice %arg9[%add3A_24, %dma_wait3A_77] : memref<10240x16xf32, #tpu.memory_space<vmem_shared>> -> memref<128x16xf32, #tpu.memory_space<vmem_shared>>
      tpu.wait_dma2 semaphore(%run_scoped3A : memref<!tpu.dma_semaphore, #tpu.memory_space<semaphore_mem>>) src(%arg8 : memref<128x16xf32, #tpu.memory_space<vmem>>) dst(%dma_wait3A_78 : memref<128x16xf32, #tpu.memory_space<vmem_shared>>)
      tpu.yield
    }) : () -> ()
    %barrier3A = arith.constant 0 : index
    tpu.barrier barrier_id(%barrier3A)
    %scan3A_25 = arith.constant 0 : i32
    %scan3A_26 = arith.constant 0 : i32
    %scan3A_27 = arith.constant 79 : i32
    %scan3A_28 = arith.addi %scan3A_26, %scan3A_27 : i32
    %scan3A_29 = arith.constant 1 : i32
    %scan3A_30 = scf.for %scan3A_73 = %scan3A_26 to %scan3A_28 step %scan3A_29 iter_args(%scan3A_74 = %scan3A_25) -> (i32)  : i32 {
      %dma_start3A = arith.constant 0 : i32
      %dma_start3A_75 = tpu.memref_slice %arg6[%scan3A_73, %dma_start3A] : memref<79x128xi32, #tpu.memory_space<vmem>> -> memref<1x128xi32, #tpu.memory_space<vmem>>
      %dma_start3A_76 = tpu.memref_squeeze %dma_start3A_75 : memref<1x128xi32, #tpu.memory_space<vmem>> -> memref<128xi32, #tpu.memory_space<vmem>>
      %dma_start3A_77 = arith.constant 0 : i32
      %dma_start3A_78 = arith.constant 0 : i32
      %dma_start3A_79 = tpu.memref_slice %arg4[%dma_start3A_77, %dma_start3A_78] : memref<10240x16xf32, #tpu.memory_space<hbm>> -> memref<10240x16xf32, #tpu.memory_space<hbm>>
      tpu.enqueue_indirect_dma source(%dma_start3A_79 : memref<10240x16xf32, #tpu.memory_space<hbm>>) target(%arg8 : memref<128x16xf32, #tpu.memory_space<vmem>>) offsets(%dma_start3A_76 : memref<128xi32, #tpu.memory_space<vmem>>) semaphore(%arg10 : memref<!tpu.dma_semaphore, #tpu.memory_space<semaphore_mem>>)
      %dma_wait3A = arith.constant 0 : i32
      %dma_wait3A_80 = tpu.memref_slice %arg6[%scan3A_73, %dma_wait3A] : memref<79x128xi32, #tpu.memory_space<vmem>> -> memref<1x128xi32, #tpu.memory_space<vmem>>
      %dma_wait3A_81 = tpu.memref_squeeze %dma_wait3A_80 : memref<1x128xi32, #tpu.memory_space<vmem>> -> memref<128xi32, #tpu.memory_space<vmem>>
      %dma_wait3A_82 = arith.constant 0 : i32
      %dma_wait3A_83 = arith.constant 0 : i32
      %dma_wait3A_84 = tpu.memref_slice %arg4[%dma_wait3A_82, %dma_wait3A_83] : memref<10240x16xf32, #tpu.memory_space<hbm>> -> memref<10240x16xf32, #tpu.memory_space<hbm>>
      tpu.wait_indirect_dma semaphore(%arg10 : memref<!tpu.dma_semaphore, #tpu.memory_space<semaphore_mem>>) src(%dma_wait3A_84 : memref<10240x16xf32, #tpu.memory_space<hbm>>) dst(%arg8 : memref<128x16xf32, #tpu.memory_space<vmem>>)
      "tpu.region"() ({
        %run_scoped3A = tpu.sem_alloc : memref<!tpu.dma_semaphore, #tpu.memory_space<semaphore_mem>>
        %dma_start3A_86 = arith.constant 0 : i32
        %dma_start3A_87 = tpu.memref_slice %arg7[%scan3A_73, %dma_start3A_86] : memref<79x128xi32, #tpu.memory_space<vmem>> -> memref<1x128xi32, #tpu.memory_space<vmem>>
        %dma_start3A_88 = tpu.memref_squeeze %dma_start3A_87 : memref<1x128xi32, #tpu.memory_space<vmem>> -> memref<128xi32, #tpu.memory_space<vmem>>
        %dma_start3A_89 = arith.constant 0 : i32
        %dma_start3A_90 = arith.constant 0 : i32
        %dma_start3A_91 = tpu.memref_slice %arg9[%dma_start3A_89, %dma_start3A_90] : memref<10240x16xf32, #tpu.memory_space<vmem_shared>> -> memref<10240x16xf32, #tpu.memory_space<vmem_shared>>
        tpu.enqueue_indirect_dma source(%arg8 : memref<128x16xf32, #tpu.memory_space<vmem>>) target(%dma_start3A_91 : memref<10240x16xf32, #tpu.memory_space<vmem_shared>>) offsets(%dma_start3A_88 : memref<128xi32, #tpu.memory_space<vmem>>) semaphore(%run_scoped3A : memref<!tpu.dma_semaphore, #tpu.memory_space<semaphore_mem>>) {add = true}
        %dma_wait3A_92 = arith.constant 0 : i32
        %dma_wait3A_93 = tpu.memref_slice %arg7[%scan3A_73, %dma_wait3A_92] : memref<79x128xi32, #tpu.memory_space<vmem>> -> memref<1x128xi32, #tpu.memory_space<vmem>>
        %dma_wait3A_94 = tpu.memref_squeeze %dma_wait3A_93 : memref<1x128xi32, #tpu.memory_space<vmem>> -> memref<128xi32, #tpu.memory_space<vmem>>
        %dma_wait3A_95 = arith.constant 0 : i32
        %dma_wait3A_96 = arith.constant 0 : i32
        %dma_wait3A_97 = tpu.memref_slice %arg9[%dma_wait3A_95, %dma_wait3A_96] : memref<10240x16xf32, #tpu.memory_space<vmem_shared>> -> memref<10240x16xf32, #tpu.memory_space<vmem_shared>>
        tpu.wait_indirect_dma semaphore(%run_scoped3A : memref<!tpu.dma_semaphore, #tpu.memory_space<semaphore_mem>>) src(%arg8 : memref<128x16xf32, #tpu.memory_space<vmem>>) dst(%dma_wait3A_97 : memref<10240x16xf32, #tpu.memory_space<vmem_shared>>)
        tpu.yield
      }) : () -> ()
      %scan3A_85 = arith.constant 0 : i32
      scf.yield %scan3A_85 : i32
    }
    %scan3A_31 = arith.constant 79 : i32
    %barrier3A_32 = arith.constant 0 : index
    tpu.barrier barrier_id(%barrier3A_32)
    %mul3A_33 = arith.constant 640 : i32
    %mul3A_34 = arith.muli %arg1, %mul3A_33 : i32
    %add3A_35 = arith.constant 0 : i32
    %add3A_36 = arith.addi %mul3A_34, %add3A_35 : i32
    "tpu.region"() ({
      %run_scoped3A = tpu.sem_alloc : memref<!tpu.dma_semaphore, #tpu.memory_space<semaphore_mem>>
      %dma_start3A = arith.constant 0 : i32
      %dma_start3A_73 = tpu.memref_slice %arg9[%add3A_36, %dma_start3A] : memref<10240x16xf32, #tpu.memory_space<vmem_shared>> -> memref<128x16xf32, #tpu.memory_space<vmem_shared>>
      %dma_start3A_74 = arith.constant 0 : i32
      %dma_start3A_75 = tpu.memref_slice %arg9[%add3A_36, %dma_start3A_74] : memref<10240x16xf32, #tpu.memory_space<vmem_shared>> -> memref<128x16xf32, #tpu.memory_space<vmem_shared>>
      tpu.enqueue_dma source(%dma_start3A_75 : memref<128x16xf32, #tpu.memory_space<vmem_shared>>) target(%arg8 : memref<128x16xf32, #tpu.memory_space<vmem>>) target_semaphore(%run_scoped3A : memref<!tpu.dma_semaphore, #tpu.memory_space<semaphore_mem>>)
      %dma_wait3A = arith.constant 0 : i32
      %dma_wait3A_76 = tpu.memref_slice %arg9[%add3A_36, %dma_wait3A] : memref<10240x16xf32, #tpu.memory_space<vmem_shared>> -> memref<128x16xf32, #tpu.memory_space<vmem_shared>>
      %dma_wait3A_77 = arith.constant 0 : i32
      %dma_wait3A_78 = tpu.memref_slice %arg9[%add3A_36, %dma_wait3A_77] : memref<10240x16xf32, #tpu.memory_space<vmem_shared>> -> memref<128x16xf32, #tpu.memory_space<vmem_shared>>
      tpu.wait_dma2 semaphore(%run_scoped3A : memref<!tpu.dma_semaphore, #tpu.memory_space<semaphore_mem>>) src(%dma_wait3A_78 : memref<128x16xf32, #tpu.memory_space<vmem_shared>>) dst(%arg8 : memref<128x16xf32, #tpu.memory_space<vmem>>)
      tpu.yield
    }) : () -> ()
    %mul3A_37 = arith.constant 640 : i32
    %mul3A_38 = arith.muli %arg1, %mul3A_37 : i32
    %add3A_39 = arith.constant 0 : i32
    %add3A_40 = arith.addi %mul3A_38, %add3A_39 : i32
    "tpu.region"() ({
      %run_scoped3A = tpu.sem_alloc : memref<!tpu.dma_semaphore, #tpu.memory_space<semaphore_mem>>
      %dma_start3A = arith.constant 0 : i32
      %dma_start3A_73 = tpu.memref_slice %arg5[%arg0, %add3A_40, %dma_start3A] : memref<2x10240x16xf32, #tpu.memory_space<hbm>> -> memref<1x128x16xf32, #tpu.memory_space<hbm>>
      %dma_start3A_74 = tpu.memref_squeeze %dma_start3A_73 : memref<1x128x16xf32, #tpu.memory_space<hbm>> -> memref<128x16xf32, #tpu.memory_space<hbm>>
      %dma_start3A_75 = arith.constant 0 : i32
      %dma_start3A_76 = tpu.memref_slice %arg5[%arg0, %add3A_40, %dma_start3A_75] : memref<2x10240x16xf32, #tpu.memory_space<hbm>> -> memref<1x128x16xf32, #tpu.memory_space<hbm>>
      %dma_start3A_77 = tpu.memref_squeeze %dma_start3A_76 : memref<1x128x16xf32, #tpu.memory_space<hbm>> -> memref<128x16xf32, #tpu.memory_space<hbm>>
      tpu.enqueue_dma source(%arg8 : memref<128x16xf32, #tpu.memory_space<vmem>>) target(%dma_start3A_77 : memref<128x16xf32, #tpu.memory_space<hbm>>) target_semaphore(%run_scoped3A : memref<!tpu.dma_semaphore, #tpu.memory_space<semaphore_mem>>)
      %dma_wait3A = arith.constant 0 : i32
      %dma_wait3A_78 = tpu.memref_slice %arg5[%arg0, %add3A_40, %dma_wait3A] : memref<2x10240x16xf32, #tpu.memory_space<hbm>> -> memref<1x128x16xf32, #tpu.memory_space<hbm>>
      %dma_wait3A_79 = tpu.memref_squeeze %dma_wait3A_78 : memref<1x128x16xf32, #tpu.memory_space<hbm>> -> memref<128x16xf32, #tpu.memory_space<hbm>>
      %dma_wait3A_80 = arith.constant 0 : i32
      %dma_wait3A_81 = tpu.memref_slice %arg5[%arg0, %add3A_40, %dma_wait3A_80] : memref<2x10240x16xf32, #tpu.memory_space<hbm>> -> memref<1x128x16xf32, #tpu.memory_space<hbm>>
      %dma_wait3A_82 = tpu.memref_squeeze %dma_wait3A_81 : memref<1x128x16xf32, #tpu.memory_space<hbm>> -> memref<128x16xf32, #tpu.memory_space<hbm>>
      tpu.wait_dma2 semaphore(%run_scoped3A : memref<!tpu.dma_semaphore, #tpu.memory_space<semaphore_mem>>) src(%arg8 : memref<128x16xf32, #tpu.memory_space<vmem>>) dst(%dma_wait3A_82 : memref<128x16xf32, #tpu.memory_space<hbm>>)
      tpu.yield
    }) : () -> ()
    %mul3A_41 = arith.constant 640 : i32
    %mul3A_42 = arith.muli %arg1, %mul3A_41 : i32
    %add3A_43 = arith.constant 128 : i32
    %add3A_44 = arith.addi %mul3A_42, %add3A_43 : i32
    "tpu.region"() ({
      %run_scoped3A = tpu.sem_alloc : memref<!tpu.dma_semaphore, #tpu.memory_space<semaphore_mem>>
      %dma_start3A = arith.constant 0 : i32
      %dma_start3A_73 = tpu.memref_slice %arg9[%add3A_44, %dma_start3A] : memref<10240x16xf32, #tpu.memory_space<vmem_shared>> -> memref<128x16xf32, #tpu.memory_space<vmem_shared>>
      %dma_start3A_74 = arith.constant 0 : i32
      %dma_start3A_75 = tpu.memref_slice %arg9[%add3A_44, %dma_start3A_74] : memref<10240x16xf32, #tpu.memory_space<vmem_shared>> -> memref<128x16xf32, #tpu.memory_space<vmem_shared>>
      tpu.enqueue_dma source(%dma_start3A_75 : memref<128x16xf32, #tpu.memory_space<vmem_shared>>) target(%arg8 : memref<128x16xf32, #tpu.memory_space<vmem>>) target_semaphore(%run_scoped3A : memref<!tpu.dma_semaphore, #tpu.memory_space<semaphore_mem>>)
      %dma_wait3A = arith.constant 0 : i32
      %dma_wait3A_76 = tpu.memref_slice %arg9[%add3A_44, %dma_wait3A] : memref<10240x16xf32, #tpu.memory_space<vmem_shared>> -> memref<128x16xf32, #tpu.memory_space<vmem_shared>>
      %dma_wait3A_77 = arith.constant 0 : i32
      %dma_wait3A_78 = tpu.memref_slice %arg9[%add3A_44, %dma_wait3A_77] : memref<10240x16xf32, #tpu.memory_space<vmem_shared>> -> memref<128x16xf32, #tpu.memory_space<vmem_shared>>
      tpu.wait_dma2 semaphore(%run_scoped3A : memref<!tpu.dma_semaphore, #tpu.memory_space<semaphore_mem>>) src(%dma_wait3A_78 : memref<128x16xf32, #tpu.memory_space<vmem_shared>>) dst(%arg8 : memref<128x16xf32, #tpu.memory_space<vmem>>)
      tpu.yield
    }) : () -> ()
    %mul3A_45 = arith.constant 640 : i32
    %mul3A_46 = arith.muli %arg1, %mul3A_45 : i32
    %add3A_47 = arith.constant 128 : i32
    %add3A_48 = arith.addi %mul3A_46, %add3A_47 : i32
    "tpu.region"() ({
      %run_scoped3A = tpu.sem_alloc : memref<!tpu.dma_semaphore, #tpu.memory_space<semaphore_mem>>
      %dma_start3A = arith.constant 0 : i32
      %dma_start3A_73 = tpu.memref_slice %arg5[%arg0, %add3A_48, %dma_start3A] : memref<2x10240x16xf32, #tpu.memory_space<hbm>> -> memref<1x128x16xf32, #tpu.memory_space<hbm>>
      %dma_start3A_74 = tpu.memref_squeeze %dma_start3A_73 : memref<1x128x16xf32, #tpu.memory_space<hbm>> -> memref<128x16xf32, #tpu.memory_space<hbm>>
      %dma_start3A_75 = arith.constant 0 : i32
      %dma_start3A_76 = tpu.memref_slice %arg5[%arg0, %add3A_48, %dma_start3A_75] : memref<2x10240x16xf32, #tpu.memory_space<hbm>> -> memref<1x128x16xf32, #tpu.memory_space<hbm>>
      %dma_start3A_77 = tpu.memref_squeeze %dma_start3A_76 : memref<1x128x16xf32, #tpu.memory_space<hbm>> -> memref<128x16xf32, #tpu.memory_space<hbm>>
      tpu.enqueue_dma source(%arg8 : memref<128x16xf32, #tpu.memory_space<vmem>>) target(%dma_start3A_77 : memref<128x16xf32, #tpu.memory_space<hbm>>) target_semaphore(%run_scoped3A : memref<!tpu.dma_semaphore, #tpu.memory_space<semaphore_mem>>)
      %dma_wait3A = arith.constant 0 : i32
      %dma_wait3A_78 = tpu.memref_slice %arg5[%arg0, %add3A_48, %dma_wait3A] : memref<2x10240x16xf32, #tpu.memory_space<hbm>> -> memref<1x128x16xf32, #tpu.memory_space<hbm>>
      %dma_wait3A_79 = tpu.memref_squeeze %dma_wait3A_78 : memref<1x128x16xf32, #tpu.memory_space<hbm>> -> memref<128x16xf32, #tpu.memory_space<hbm>>
      %dma_wait3A_80 = arith.constant 0 : i32
      %dma_wait3A_81 = tpu.memref_slice %arg5[%arg0, %add3A_48, %dma_wait3A_80] : memref<2x10240x16xf32, #tpu.memory_space<hbm>> -> memref<1x128x16xf32, #tpu.memory_space<hbm>>
      %dma_wait3A_82 = tpu.memref_squeeze %dma_wait3A_81 : memref<1x128x16xf32, #tpu.memory_space<hbm>> -> memref<128x16xf32, #tpu.memory_space<hbm>>
      tpu.wait_dma2 semaphore(%run_scoped3A : memref<!tpu.dma_semaphore, #tpu.memory_space<semaphore_mem>>) src(%arg8 : memref<128x16xf32, #tpu.memory_space<vmem>>) dst(%dma_wait3A_82 : memref<128x16xf32, #tpu.memory_space<hbm>>)
      tpu.yield
    }) : () -> ()
    %mul3A_49 = arith.constant 640 : i32
    %mul3A_50 = arith.muli %arg1, %mul3A_49 : i32
    %add3A_51 = arith.constant 256 : i32
    %add3A_52 = arith.addi %mul3A_50, %add3A_51 : i32
    "tpu.region"() ({
      %run_scoped3A = tpu.sem_alloc : memref<!tpu.dma_semaphore, #tpu.memory_space<semaphore_mem>>
      %dma_start3A = arith.constant 0 : i32
      %dma_start3A_73 = tpu.memref_slice %arg9[%add3A_52, %dma_start3A] : memref<10240x16xf32, #tpu.memory_space<vmem_shared>> -> memref<128x16xf32, #tpu.memory_space<vmem_shared>>
      %dma_start3A_74 = arith.constant 0 : i32
      %dma_start3A_75 = tpu.memref_slice %arg9[%add3A_52, %dma_start3A_74] : memref<10240x16xf32, #tpu.memory_space<vmem_shared>> -> memref<128x16xf32, #tpu.memory_space<vmem_shared>>
      tpu.enqueue_dma source(%dma_start3A_75 : memref<128x16xf32, #tpu.memory_space<vmem_shared>>) target(%arg8 : memref<128x16xf32, #tpu.memory_space<vmem>>) target_semaphore(%run_scoped3A : memref<!tpu.dma_semaphore, #tpu.memory_space<semaphore_mem>>)
      %dma_wait3A = arith.constant 0 : i32
      %dma_wait3A_76 = tpu.memref_slice %arg9[%add3A_52, %dma_wait3A] : memref<10240x16xf32, #tpu.memory_space<vmem_shared>> -> memref<128x16xf32, #tpu.memory_space<vmem_shared>>
      %dma_wait3A_77 = arith.constant 0 : i32
      %dma_wait3A_78 = tpu.memref_slice %arg9[%add3A_52, %dma_wait3A_77] : memref<10240x16xf32, #tpu.memory_space<vmem_shared>> -> memref<128x16xf32, #tpu.memory_space<vmem_shared>>
      tpu.wait_dma2 semaphore(%run_scoped3A : memref<!tpu.dma_semaphore, #tpu.memory_space<semaphore_mem>>) src(%dma_wait3A_78 : memref<128x16xf32, #tpu.memory_space<vmem_shared>>) dst(%arg8 : memref<128x16xf32, #tpu.memory_space<vmem>>)
      tpu.yield
    }) : () -> ()
    %mul3A_53 = arith.constant 640 : i32
    %mul3A_54 = arith.muli %arg1, %mul3A_53 : i32
    %add3A_55 = arith.constant 256 : i32
    %add3A_56 = arith.addi %mul3A_54, %add3A_55 : i32
    "tpu.region"() ({
      %run_scoped3A = tpu.sem_alloc : memref<!tpu.dma_semaphore, #tpu.memory_space<semaphore_mem>>
      %dma_start3A = arith.constant 0 : i32
      %dma_start3A_73 = tpu.memref_slice %arg5[%arg0, %add3A_56, %dma_start3A] : memref<2x10240x16xf32, #tpu.memory_space<hbm>> -> memref<1x128x16xf32, #tpu.memory_space<hbm>>
      %dma_start3A_74 = tpu.memref_squeeze %dma_start3A_73 : memref<1x128x16xf32, #tpu.memory_space<hbm>> -> memref<128x16xf32, #tpu.memory_space<hbm>>
      %dma_start3A_75 = arith.constant 0 : i32
      %dma_start3A_76 = tpu.memref_slice %arg5[%arg0, %add3A_56, %dma_start3A_75] : memref<2x10240x16xf32, #tpu.memory_space<hbm>> -> memref<1x128x16xf32, #tpu.memory_space<hbm>>
      %dma_start3A_77 = tpu.memref_squeeze %dma_start3A_76 : memref<1x128x16xf32, #tpu.memory_space<hbm>> -> memref<128x16xf32, #tpu.memory_space<hbm>>
      tpu.enqueue_dma source(%arg8 : memref<128x16xf32, #tpu.memory_space<vmem>>) target(%dma_start3A_77 : memref<128x16xf32, #tpu.memory_space<hbm>>) target_semaphore(%run_scoped3A : memref<!tpu.dma_semaphore, #tpu.memory_space<semaphore_mem>>)
      %dma_wait3A = arith.constant 0 : i32
      %dma_wait3A_78 = tpu.memref_slice %arg5[%arg0, %add3A_56, %dma_wait3A] : memref<2x10240x16xf32, #tpu.memory_space<hbm>> -> memref<1x128x16xf32, #tpu.memory_space<hbm>>
      %dma_wait3A_79 = tpu.memref_squeeze %dma_wait3A_78 : memref<1x128x16xf32, #tpu.memory_space<hbm>> -> memref<128x16xf32, #tpu.memory_space<hbm>>
      %dma_wait3A_80 = arith.constant 0 : i32
      %dma_wait3A_81 = tpu.memref_slice %arg5[%arg0, %add3A_56, %dma_wait3A_80] : memref<2x10240x16xf32, #tpu.memory_space<hbm>> -> memref<1x128x16xf32, #tpu.memory_space<hbm>>
      %dma_wait3A_82 = tpu.memref_squeeze %dma_wait3A_81 : memref<1x128x16xf32, #tpu.memory_space<hbm>> -> memref<128x16xf32, #tpu.memory_space<hbm>>
      tpu.wait_dma2 semaphore(%run_scoped3A : memref<!tpu.dma_semaphore, #tpu.memory_space<semaphore_mem>>) src(%arg8 : memref<128x16xf32, #tpu.memory_space<vmem>>) dst(%dma_wait3A_82 : memref<128x16xf32, #tpu.memory_space<hbm>>)
      tpu.yield
    }) : () -> ()
    %mul3A_57 = arith.constant 640 : i32
    %mul3A_58 = arith.muli %arg1, %mul3A_57 : i32
    %add3A_59 = arith.constant 384 : i32
    %add3A_60 = arith.addi %mul3A_58, %add3A_59 : i32
    "tpu.region"() ({
      %run_scoped3A = tpu.sem_alloc : memref<!tpu.dma_semaphore, #tpu.memory_space<semaphore_mem>>
      %dma_start3A = arith.constant 0 : i32
      %dma_start3A_73 = tpu.memref_slice %arg9[%add3A_60, %dma_start3A] : memref<10240x16xf32, #tpu.memory_space<vmem_shared>> -> memref<128x16xf32, #tpu.memory_space<vmem_shared>>
      %dma_start3A_74 = arith.constant 0 : i32
      %dma_start3A_75 = tpu.memref_slice %arg9[%add3A_60, %dma_start3A_74] : memref<10240x16xf32, #tpu.memory_space<vmem_shared>> -> memref<128x16xf32, #tpu.memory_space<vmem_shared>>
      tpu.enqueue_dma source(%dma_start3A_75 : memref<128x16xf32, #tpu.memory_space<vmem_shared>>) target(%arg8 : memref<128x16xf32, #tpu.memory_space<vmem>>) target_semaphore(%run_scoped3A : memref<!tpu.dma_semaphore, #tpu.memory_space<semaphore_mem>>)
      %dma_wait3A = arith.constant 0 : i32
      %dma_wait3A_76 = tpu.memref_slice %arg9[%add3A_60, %dma_wait3A] : memref<10240x16xf32, #tpu.memory_space<vmem_shared>> -> memref<128x16xf32, #tpu.memory_space<vmem_shared>>
      %dma_wait3A_77 = arith.constant 0 : i32
      %dma_wait3A_78 = tpu.memref_slice %arg9[%add3A_60, %dma_wait3A_77] : memref<10240x16xf32, #tpu.memory_space<vmem_shared>> -> memref<128x16xf32, #tpu.memory_space<vmem_shared>>
      tpu.wait_dma2 semaphore(%run_scoped3A : memref<!tpu.dma_semaphore, #tpu.memory_space<semaphore_mem>>) src(%dma_wait3A_78 : memref<128x16xf32, #tpu.memory_space<vmem_shared>>) dst(%arg8 : memref<128x16xf32, #tpu.memory_space<vmem>>)
      tpu.yield
    }) : () -> ()
    %mul3A_61 = arith.constant 640 : i32
    %mul3A_62 = arith.muli %arg1, %mul3A_61 : i32
    %add3A_63 = arith.constant 384 : i32
    %add3A_64 = arith.addi %mul3A_62, %add3A_63 : i32
    "tpu.region"() ({
      %run_scoped3A = tpu.sem_alloc : memref<!tpu.dma_semaphore, #tpu.memory_space<semaphore_mem>>
      %dma_start3A = arith.constant 0 : i32
      %dma_start3A_73 = tpu.memref_slice %arg5[%arg0, %add3A_64, %dma_start3A] : memref<2x10240x16xf32, #tpu.memory_space<hbm>> -> memref<1x128x16xf32, #tpu.memory_space<hbm>>
      %dma_start3A_74 = tpu.memref_squeeze %dma_start3A_73 : memref<1x128x16xf32, #tpu.memory_space<hbm>> -> memref<128x16xf32, #tpu.memory_space<hbm>>
      %dma_start3A_75 = arith.constant 0 : i32
      %dma_start3A_76 = tpu.memref_slice %arg5[%arg0, %add3A_64, %dma_start3A_75] : memref<2x10240x16xf32, #tpu.memory_space<hbm>> -> memref<1x128x16xf32, #tpu.memory_space<hbm>>
      %dma_start3A_77 = tpu.memref_squeeze %dma_start3A_76 : memref<1x128x16xf32, #tpu.memory_space<hbm>> -> memref<128x16xf32, #tpu.memory_space<hbm>>
      tpu.enqueue_dma source(%arg8 : memref<128x16xf32, #tpu.memory_space<vmem>>) target(%dma_start3A_77 : memref<128x16xf32, #tpu.memory_space<hbm>>) target_semaphore(%run_scoped3A : memref<!tpu.dma_semaphore, #tpu.memory_space<semaphore_mem>>)
      %dma_wait3A = arith.constant 0 : i32
      %dma_wait3A_78 = tpu.memref_slice %arg5[%arg0, %add3A_64, %dma_wait3A] : memref<2x10240x16xf32, #tpu.memory_space<hbm>> -> memref<1x128x16xf32, #tpu.memory_space<hbm>>
      %dma_wait3A_79 = tpu.memref_squeeze %dma_wait3A_78 : memref<1x128x16xf32, #tpu.memory_space<hbm>> -> memref<128x16xf32, #tpu.memory_space<hbm>>
      %dma_wait3A_80 = arith.constant 0 : i32
      %dma_wait3A_81 = tpu.memref_slice %arg5[%arg0, %add3A_64, %dma_wait3A_80] : memref<2x10240x16xf32, #tpu.memory_space<hbm>> -> memref<1x128x16xf32, #tpu.memory_space<hbm>>
      %dma_wait3A_82 = tpu.memref_squeeze %dma_wait3A_81 : memref<1x128x16xf32, #tpu.memory_space<hbm>> -> memref<128x16xf32, #tpu.memory_space<hbm>>
      tpu.wait_dma2 semaphore(%run_scoped3A : memref<!tpu.dma_semaphore, #tpu.memory_space<semaphore_mem>>) src(%arg8 : memref<128x16xf32, #tpu.memory_space<vmem>>) dst(%dma_wait3A_82 : memref<128x16xf32, #tpu.memory_space<hbm>>)
      tpu.yield
    }) : () -> ()
    %mul3A_65 = arith.constant 640 : i32
    %mul3A_66 = arith.muli %arg1, %mul3A_65 : i32
    %add3A_67 = arith.constant 512 : i32
    %add3A_68 = arith.addi %mul3A_66, %add3A_67 : i32
    "tpu.region"() ({
      %run_scoped3A = tpu.sem_alloc : memref<!tpu.dma_semaphore, #tpu.memory_space<semaphore_mem>>
      %dma_start3A = arith.constant 0 : i32
      %dma_start3A_73 = tpu.memref_slice %arg9[%add3A_68, %dma_start3A] : memref<10240x16xf32, #tpu.memory_space<vmem_shared>> -> memref<128x16xf32, #tpu.memory_space<vmem_shared>>
      %dma_start3A_74 = arith.constant 0 : i32
      %dma_start3A_75 = tpu.memref_slice %arg9[%add3A_68, %dma_start3A_74] : memref<10240x16xf32, #tpu.memory_space<vmem_shared>> -> memref<128x16xf32, #tpu.memory_space<vmem_shared>>
      tpu.enqueue_dma source(%dma_start3A_75 : memref<128x16xf32, #tpu.memory_space<vmem_shared>>) target(%arg8 : memref<128x16xf32, #tpu.memory_space<vmem>>) target_semaphore(%run_scoped3A : memref<!tpu.dma_semaphore, #tpu.memory_space<semaphore_mem>>)
      %dma_wait3A = arith.constant 0 : i32
      %dma_wait3A_76 = tpu.memref_slice %arg9[%add3A_68, %dma_wait3A] : memref<10240x16xf32, #tpu.memory_space<vmem_shared>> -> memref<128x16xf32, #tpu.memory_space<vmem_shared>>
      %dma_wait3A_77 = arith.constant 0 : i32
      %dma_wait3A_78 = tpu.memref_slice %arg9[%add3A_68, %dma_wait3A_77] : memref<10240x16xf32, #tpu.memory_space<vmem_shared>> -> memref<128x16xf32, #tpu.memory_space<vmem_shared>>
      tpu.wait_dma2 semaphore(%run_scoped3A : memref<!tpu.dma_semaphore, #tpu.memory_space<semaphore_mem>>) src(%dma_wait3A_78 : memref<128x16xf32, #tpu.memory_space<vmem_shared>>) dst(%arg8 : memref<128x16xf32, #tpu.memory_space<vmem>>)
      tpu.yield
    }) : () -> ()
    %mul3A_69 = arith.constant 640 : i32
    %mul3A_70 = arith.muli %arg1, %mul3A_69 : i32
    %add3A_71 = arith.constant 512 : i32
    %add3A_72 = arith.addi %mul3A_70, %add3A_71 : i32
    "tpu.region"() ({
      %run_scoped3A = tpu.sem_alloc : memref<!tpu.dma_semaphore, #tpu.memory_space<semaphore_mem>>
      %dma_start3A = arith.constant 0 : i32
      %dma_start3A_73 = tpu.memref_slice %arg5[%arg0, %add3A_72, %dma_start3A] : memref<2x10240x16xf32, #tpu.memory_space<hbm>> -> memref<1x128x16xf32, #tpu.memory_space<hbm>>
      %dma_start3A_74 = tpu.memref_squeeze %dma_start3A_73 : memref<1x128x16xf32, #tpu.memory_space<hbm>> -> memref<128x16xf32, #tpu.memory_space<hbm>>
      %dma_start3A_75 = arith.constant 0 : i32
      %dma_start3A_76 = tpu.memref_slice %arg5[%arg0, %add3A_72, %dma_start3A_75] : memref<2x10240x16xf32, #tpu.memory_space<hbm>> -> memref<1x128x16xf32, #tpu.memory_space<hbm>>
      %dma_start3A_77 = tpu.memref_squeeze %dma_start3A_76 : memref<1x128x16xf32, #tpu.memory_space<hbm>> -> memref<128x16xf32, #tpu.memory_space<hbm>>
      tpu.enqueue_dma source(%arg8 : memref<128x16xf32, #tpu.memory_space<vmem>>) target(%dma_start3A_77 : memref<128x16xf32, #tpu.memory_space<hbm>>) target_semaphore(%run_scoped3A : memref<!tpu.dma_semaphore, #tpu.memory_space<semaphore_mem>>)
      %dma_wait3A = arith.constant 0 : i32
      %dma_wait3A_78 = tpu.memref_slice %arg5[%arg0, %add3A_72, %dma_wait3A] : memref<2x10240x16xf32, #tpu.memory_space<hbm>> -> memref<1x128x16xf32, #tpu.memory_space<hbm>>
      %dma_wait3A_79 = tpu.memref_squeeze %dma_wait3A_78 : memref<1x128x16xf32, #tpu.memory_space<hbm>> -> memref<128x16xf32, #tpu.memory_space<hbm>>
      %dma_wait3A_80 = arith.constant 0 : i32
      %dma_wait3A_81 = tpu.memref_slice %arg5[%arg0, %add3A_72, %dma_wait3A_80] : memref<2x10240x16xf32, #tpu.memory_space<hbm>> -> memref<1x128x16xf32, #tpu.memory_space<hbm>>
      %dma_wait3A_82 = tpu.memref_squeeze %dma_wait3A_81 : memref<1x128x16xf32, #tpu.memory_space<hbm>> -> memref<128x16xf32, #tpu.memory_space<hbm>>
      tpu.wait_dma2 semaphore(%run_scoped3A : memref<!tpu.dma_semaphore, #tpu.memory_space<semaphore_mem>>) src(%arg8 : memref<128x16xf32, #tpu.memory_space<vmem>>) dst(%dma_wait3A_82 : memref<128x16xf32, #tpu.memory_space<hbm>>)
      tpu.yield
    }) : () -> ()
    return
  }
}

module attributes {stable_mosaic.version = 14 : i64} {
  func.func @_tc_b0_body(%arg0: i32, %arg1: memref<512x128xf32, #tpu.memory_space<vmem>>, %arg2: memref<128x128xf32, #tpu.memory_space<vmem>>, %arg3: memref<512x128xf32, #tpu.memory_space<vmem>>) attributes {dimension_semantics = [#tpu.dimension_semantics<arbitrary>], iteration_bounds = array<i64: 20>, scalar_prefetch = 0 : i64, scratch_operands = 0 : i64, tpu.core_type = #tpu.core_type<tc>, window_params = [{transform_indices = @transform_0, window_bounds = array<i64: 512, 128>}, {pipeline_mode = #tpu.pipeline_mode<synchronous>, transform_indices = @transform_1, window_bounds = array<i64: 128, 128>}, {transform_indices = @transform_2, window_bounds = array<i64: 512, 128>}]} {
    %get3A = arith.constant 0 : index
    %get3A_0 = arith.constant 0 : index
    %get3A_1 = vector.load %arg1[%get3A, %get3A_0] : memref<512x128xf32, #tpu.memory_space<vmem>>, vector<512x128xf32>
    %get3A_2 = arith.constant 0 : index
    %get3A_3 = arith.constant 0 : index
    %get3A_4 = vector.load %arg2[%get3A_2, %get3A_3] : memref<128x128xf32, #tpu.memory_space<vmem>>, vector<128x128xf32>
    %dot_general3A = arith.constant dense<0.000000e+00> : vector<512x128xf32>
    %dot_general3A_5 = tpu.matmul %get3A_1, %get3A_4, %dot_general3A {dimension_numbers = #tpu.dot_dimension_numbers<[1], [0], [0], [1], [0, 0, 1, 1], [], []>, transpose_lhs_hint = false} : vector<512x128xf32>, vector<128x128xf32>, vector<512x128xf32> -> vector<512x128xf32>
    %swap3A = arith.constant 0 : index
    %swap3A_6 = arith.constant 0 : index
    %swap3A_7 = vector.load %arg3[%swap3A, %swap3A_6] : memref<512x128xf32, #tpu.memory_space<vmem>>, vector<512x128xf32>
    tpu.vector_store %arg3[%swap3A, %swap3A_6], %dot_general3A_5 {strides = array<i32>} : memref<512x128xf32, #tpu.memory_space<vmem>>, vector<512x128xf32>,
    return
  }
  func.func @transform_0(%arg0: i32) -> (i32, i32) {
    %c0_i32 = arith.constant 0 : i32
    %c0_i32_0 = arith.constant 0 : i32
    return %arg0, %c0_i32 : i32, i32
  }
  func.func @transform_1(%arg0: i32) -> (i32, i32) {
    %c0_i32 = arith.constant 0 : i32
    %c0_i32_0 = arith.constant 0 : i32
    %c0_i32_1 = arith.constant 0 : i32
    return %c0_i32, %c0_i32_0 : i32, i32
  }
  func.func @transform_2(%arg0: i32) -> (i32, i32) {
    %c0_i32 = arith.constant 0 : i32
    %c0_i32_0 = arith.constant 0 : i32
    return %arg0, %c0_i32 : i32, i32
  }
}

module attributes {stable_mosaic.version = 14 : i64} {
  func.func @_tc_b_body(%arg0: i32, %arg1: memref<2x512x16xf32, #tpu.memory_space<vmem>>, %arg2: memref<512x128xf32, #tpu.memory_space<vmem>>, %arg3: memref<512x128xf32, #tpu.memory_space<vmem>>) attributes {dimension_semantics = [#tpu.dimension_semantics<arbitrary>], iteration_bounds = array<i64: 20>, scalar_prefetch = 0 : i64, scratch_operands = 0 : i64, tpu.core_type = #tpu.core_type<tc>, window_params = [{transform_indices = @transform_0, window_bounds = array<i64: 2, 512, 16>}, {transform_indices = @transform_1, window_bounds = array<i64: 512, 128>}, {transform_indices = @transform_2, window_bounds = array<i64: 512, 128>}]} {
    %get3A = arith.constant 0 : index
    %get3A_0 = arith.constant 0 : index
    %get3A_1 = arith.constant 0 : index
    %get3A_2 = vector.load %arg1[%get3A, %get3A_0, %get3A_1] : memref<2x512x16xf32, #tpu.memory_space<vmem>>, vector<2x512x16xf32>
    %slice3A = vector.extract_strided_slice %get3A_2 {offsets = [0, 0, 0], sizes = [1, 512, 16], strides = [1, 1, 1]} : vector<2x512x16xf32> to vector<1x512x16xf32>
    %squeeze3A = vector.shape_cast %slice3A : vector<1x512x16xf32> to vector<512x16xf32>
    %add3A = arith.constant 1.000000e+00 : f32
    %add3A_3 = vector.broadcast %add3A : f32 to vector<512x16xf32>
    %add3A_4 = arith.addf %add3A_3, %squeeze3A : vector<512x16xf32>
    %slice3A_5 = vector.extract_strided_slice %get3A_2 {offsets = [1, 0, 0], sizes = [1, 512, 16], strides = [1, 1, 1]} : vector<2x512x16xf32> to vector<1x512x16xf32>
    %squeeze3A_6 = vector.shape_cast %slice3A_5 : vector<1x512x16xf32> to vector<512x16xf32>
    %add3A_7 = arith.addf %add3A_4, %squeeze3A_6 : vector<512x16xf32>
    %rsqrt3A = math.rsqrt %add3A_7 : vector<512x16xf32>
    %get3A_8 = arith.constant 0 : index
    %get3A_9 = arith.constant 0 : index
    %get3A_10 = vector.load %arg2[%get3A_8, %get3A_9] : memref<512x128xf32, #tpu.memory_space<vmem>>, vector<512x128xf32>
    %slice3A_11 = vector.extract_strided_slice %rsqrt3A {offsets = [0, 0], sizes = [512, 1], strides = [1, 1]} : vector<512x16xf32> to vector<512x1xf32>
    %broadcast_in_dim3A = vector.shape_cast %slice3A_11 : vector<512x1xf32> to vector<512x1xf32>
    %broadcast_in_dim3A_12 = vector.broadcast %broadcast_in_dim3A : vector<512x1xf32> to vector<512x128xf32>
    %mul3A = arith.mulf %get3A_10, %broadcast_in_dim3A_12 : vector<512x128xf32>
    %swap3A = arith.constant 0 : index
    %swap3A_13 = arith.constant 0 : index
    %swap3A_14 = vector.load %arg3[%swap3A, %swap3A_13] : memref<512x128xf32, #tpu.memory_space<vmem>>, vector<512x128xf32>
    tpu.vector_store %arg3[%swap3A, %swap3A_13], %mul3A {strides = array<i32>} : memref<512x128xf32, #tpu.memory_space<vmem>>, vector<512x128xf32>,
    return
  }
  func.func @transform_0(%arg0: i32) -> (i32, i32, i32) {
    %c0_i32 = arith.constant 0 : i32
    %c0_i32_0 = arith.constant 0 : i32
    %c0_i32_1 = arith.constant 0 : i32
    return %c0_i32, %arg0, %c0_i32_0 : i32, i32, i32
  }
  func.func @transform_1(%arg0: i32) -> (i32, i32) {
    %c0_i32 = arith.constant 0 : i32
    %c0_i32_0 = arith.constant 0 : i32
    return %arg0, %c0_i32 : i32, i32
  }
  func.func @transform_2(%arg0: i32) -> (i32, i32) {
    %c0_i32 = arith.constant 0 : i32
    %c0_i32_0 = arith.constant 0 : i32
    return %arg0, %c0_i32 : i32, i32
  }
}

module attributes {stable_mosaic.version = 14 : i64} {
  func.func @_tc_d_body(%arg0: i32, %arg1: memref<2x512x16xf32, #tpu.memory_space<vmem>>, %arg2: memref<2x512x128xf32, #tpu.memory_space<vmem>>, %arg3: memref<512x128xf32, #tpu.memory_space<vmem>>, %arg4: memref<1x128xf32, #tpu.memory_space<vmem>>, %arg5: memref<128x16xf32, #tpu.memory_space<vmem>>, %arg6: memref<512x16xf32, #tpu.memory_space<vmem>>) attributes {dimension_semantics = [#tpu.dimension_semantics<arbitrary>], iteration_bounds = array<i64: 20>, scalar_prefetch = 0 : i64, scratch_operands = 0 : i64, tpu.core_type = #tpu.core_type<tc>, window_params = [{transform_indices = @transform_0, window_bounds = array<i64: 2, 512, 16>}, {transform_indices = @transform_1, window_bounds = array<i64: 2, 512, 128>}, {transform_indices = @transform_2, window_bounds = array<i64: 512, 128>}, {pipeline_mode = #tpu.pipeline_mode<synchronous>, transform_indices = @transform_3, window_bounds = array<i64: 1, 128>}, {pipeline_mode = #tpu.pipeline_mode<synchronous>, transform_indices = @transform_4, window_bounds = array<i64: 128, 16>}, {transform_indices = @transform_5, window_bounds = array<i64: 512, 16>}]} {
    %get3A = arith.constant 0 : index
    %get3A_0 = arith.constant 0 : index
    %get3A_1 = arith.constant 0 : index
    %get3A_2 = vector.load %arg1[%get3A, %get3A_0, %get3A_1] : memref<2x512x16xf32, #tpu.memory_space<vmem>>, vector<2x512x16xf32>
    %slice3A = vector.extract_strided_slice %get3A_2 {offsets = [0, 0, 0], sizes = [1, 512, 16], strides = [1, 1, 1]} : vector<2x512x16xf32> to vector<1x512x16xf32>
    %squeeze3A = vector.shape_cast %slice3A : vector<1x512x16xf32> to vector<512x16xf32>
    %add3A = arith.constant 1.000000e+00 : f32
    %add3A_3 = vector.broadcast %add3A : f32 to vector<512x16xf32>
    %add3A_4 = arith.addf %add3A_3, %squeeze3A : vector<512x16xf32>
    %slice3A_5 = vector.extract_strided_slice %get3A_2 {offsets = [1, 0, 0], sizes = [1, 512, 16], strides = [1, 1, 1]} : vector<2x512x16xf32> to vector<1x512x16xf32>
    %squeeze3A_6 = vector.shape_cast %slice3A_5 : vector<1x512x16xf32> to vector<512x16xf32>
    %add3A_7 = arith.addf %add3A_4, %squeeze3A_6 : vector<512x16xf32>
    %rsqrt3A = math.rsqrt %add3A_7 : vector<512x16xf32>
    %slice3A_8 = vector.extract_strided_slice %rsqrt3A {offsets = [0, 0], sizes = [512, 1], strides = [1, 1]} : vector<512x16xf32> to vector<512x1xf32>
    %broadcast_in_dim3A = vector.shape_cast %slice3A_8 : vector<512x1xf32> to vector<512x1xf32>
    %broadcast_in_dim3A_9 = vector.broadcast %broadcast_in_dim3A : vector<512x1xf32> to vector<512x128xf32>
    %get3A_10 = arith.constant 0 : index
    %get3A_11 = arith.constant 0 : index
    %get3A_12 = arith.constant 0 : index
    %get3A_13 = vector.load %arg2[%get3A_10, %get3A_11, %get3A_12] : memref<2x512x128xf32, #tpu.memory_space<vmem>>, vector<1x512x128xf32>
    %get3A_14 = vector.shape_cast %get3A_13 : vector<1x512x128xf32> to vector<512x128xf32>
    %get3A_15 = arith.constant 1 : index
    %get3A_16 = arith.constant 0 : index
    %get3A_17 = arith.constant 0 : index
    %get3A_18 = vector.load %arg2[%get3A_15, %get3A_16, %get3A_17] : memref<2x512x128xf32, #tpu.memory_space<vmem>>, vector<1x512x128xf32>
    %get3A_19 = vector.shape_cast %get3A_18 : vector<1x512x128xf32> to vector<512x128xf32>
    %add3A_20 = arith.addf %get3A_14, %get3A_19 : vector<512x128xf32>
    %get3A_21 = arith.constant 0 : index
    %get3A_22 = arith.constant 0 : index
    %get3A_23 = vector.load %arg3[%get3A_21, %get3A_22] : memref<512x128xf32, #tpu.memory_space<vmem>>, vector<512x128xf32>
    %add3A_24 = arith.addf %add3A_20, %get3A_23 : vector<512x128xf32>
    %mul3A = arith.mulf %broadcast_in_dim3A_9, %add3A_24 : vector<512x128xf32>
    %get3A_25 = arith.constant 0 : index
    %get3A_26 = arith.constant 0 : index
    %get3A_27 = vector.load %arg4[%get3A_25, %get3A_26] : memref<1x128xf32, #tpu.memory_space<vmem>>, vector<1x128xf32>
    %add3A_28 = vector.broadcast %get3A_27 : vector<1x128xf32> to vector<512x128xf32>
    %add3A_29 = arith.addf %mul3A, %add3A_28 : vector<512x128xf32>
    %max3A = arith.constant 0.000000e+00 : f32
    %max3A_30 = vector.broadcast %max3A : f32 to vector<512x128xf32>
    %max3A_31 = arith.maximumf %add3A_29, %max3A_30 : vector<512x128xf32>
    %get3A_32 = arith.constant 0 : index
    %get3A_33 = arith.constant 0 : index
    %get3A_34 = vector.load %arg5[%get3A_32, %get3A_33] : memref<128x16xf32, #tpu.memory_space<vmem>>, vector<128x16xf32>
    %dot_general3A = arith.constant dense<0.000000e+00> : vector<512x16xf32>
    %dot_general3A_35 = tpu.matmul %max3A_31, %get3A_34, %dot_general3A {dimension_numbers = #tpu.dot_dimension_numbers<[1], [0], [0], [1], [0, 0, 1, 1], [], []>, transpose_lhs_hint = false} : vector<512x128xf32>, vector<128x16xf32>, vector<512x16xf32> -> vector<512x16xf32>
    %mul3A_36 = arith.mulf %dot_general3A_35, %rsqrt3A : vector<512x16xf32>
    %swap3A = arith.constant 0 : index
    %swap3A_37 = arith.constant 0 : index
    %swap3A_38 = vector.load %arg6[%swap3A, %swap3A_37] : memref<512x16xf32, #tpu.memory_space<vmem>>, vector<512x16xf32>
    tpu.vector_store %arg6[%swap3A, %swap3A_37], %mul3A_36 {strides = array<i32>} : memref<512x16xf32, #tpu.memory_space<vmem>>, vector<512x16xf32>,
    return
  }
  func.func @transform_0(%arg0: i32) -> (i32, i32, i32) {
    %c0_i32 = arith.constant 0 : i32
    %c0_i32_0 = arith.constant 0 : i32
    %c0_i32_1 = arith.constant 0 : i32
    return %c0_i32, %arg0, %c0_i32_0 : i32, i32, i32
  }
  func.func @transform_1(%arg0: i32) -> (i32, i32, i32) {
    %c0_i32 = arith.constant 0 : i32
    %c0_i32_0 = arith.constant 0 : i32
    %c0_i32_1 = arith.constant 0 : i32
    return %c0_i32, %arg0, %c0_i32_0 : i32, i32, i32
  }
  func.func @transform_2(%arg0: i32) -> (i32, i32) {
    %c0_i32 = arith.constant 0 : i32
    %c0_i32_0 = arith.constant 0 : i32
    return %arg0, %c0_i32 : i32, i32
  }
  func.func @transform_3(%arg0: i32) -> (i32, i32) {
    %c0_i32 = arith.constant 0 : i32
    %c0_i32_0 = arith.constant 0 : i32
    %c0_i32_1 = arith.constant 0 : i32
    return %c0_i32, %c0_i32_0 : i32, i32
  }
  func.func @transform_4(%arg0: i32) -> (i32, i32) {
    %c0_i32 = arith.constant 0 : i32
    %c0_i32_0 = arith.constant 0 : i32
    %c0_i32_1 = arith.constant 0 : i32
    return %c0_i32, %c0_i32_0 : i32, i32
  }
  func.func @transform_5(%arg0: i32) -> (i32, i32) {
    %c0_i32 = arith.constant 0 : i32
    %c0_i32_0 = arith.constant 0 : i32
    return %arg0, %c0_i32 : i32, i32
  }
}

module attributes {stable_mosaic.version = 14 : i64} {
  func.func @_tc_f_body(%arg0: i32, %arg1: memref<2x512x16xf32, #tpu.memory_space<vmem>>, %arg2: memref<2x512x16xf32, #tpu.memory_space<vmem>>, %arg3: memref<512x16xf32, #tpu.memory_space<vmem>>, %arg4: memref<1x16xf32, #tpu.memory_space<vmem>>, %arg5: memref<512x16xf32, #tpu.memory_space<vmem>>) attributes {dimension_semantics = [#tpu.dimension_semantics<arbitrary>], iteration_bounds = array<i64: 20>, scalar_prefetch = 0 : i64, scratch_operands = 0 : i64, tpu.core_type = #tpu.core_type<tc>, window_params = [{transform_indices = @transform_0, window_bounds = array<i64: 2, 512, 16>}, {transform_indices = @transform_1, window_bounds = array<i64: 2, 512, 16>}, {transform_indices = @transform_2, window_bounds = array<i64: 512, 16>}, {pipeline_mode = #tpu.pipeline_mode<synchronous>, transform_indices = @transform_3, window_bounds = array<i64: 1, 16>}, {transform_indices = @transform_4, window_bounds = array<i64: 512, 16>}]} {
    %get3A = arith.constant 0 : index
    %get3A_0 = arith.constant 0 : index
    %get3A_1 = arith.constant 0 : index
    %get3A_2 = vector.load %arg1[%get3A, %get3A_0, %get3A_1] : memref<2x512x16xf32, #tpu.memory_space<vmem>>, vector<2x512x16xf32>
    %slice3A = vector.extract_strided_slice %get3A_2 {offsets = [0, 0, 0], sizes = [1, 512, 16], strides = [1, 1, 1]} : vector<2x512x16xf32> to vector<1x512x16xf32>
    %squeeze3A = vector.shape_cast %slice3A : vector<1x512x16xf32> to vector<512x16xf32>
    %add3A = arith.constant 1.000000e+00 : f32
    %add3A_3 = vector.broadcast %add3A : f32 to vector<512x16xf32>
    %add3A_4 = arith.addf %add3A_3, %squeeze3A : vector<512x16xf32>
    %slice3A_5 = vector.extract_strided_slice %get3A_2 {offsets = [1, 0, 0], sizes = [1, 512, 16], strides = [1, 1, 1]} : vector<2x512x16xf32> to vector<1x512x16xf32>
    %squeeze3A_6 = vector.shape_cast %slice3A_5 : vector<1x512x16xf32> to vector<512x16xf32>
    %add3A_7 = arith.addf %add3A_4, %squeeze3A_6 : vector<512x16xf32>
    %rsqrt3A = math.rsqrt %add3A_7 : vector<512x16xf32>
    %get3A_8 = arith.constant 0 : index
    %get3A_9 = arith.constant 0 : index
    %get3A_10 = arith.constant 0 : index
    %get3A_11 = vector.load %arg2[%get3A_8, %get3A_9, %get3A_10] : memref<2x512x16xf32, #tpu.memory_space<vmem>>, vector<1x512x16xf32>
    %get3A_12 = vector.shape_cast %get3A_11 : vector<1x512x16xf32> to vector<512x16xf32>
    %get3A_13 = arith.constant 1 : index
    %get3A_14 = arith.constant 0 : index
    %get3A_15 = arith.constant 0 : index
    %get3A_16 = vector.load %arg2[%get3A_13, %get3A_14, %get3A_15] : memref<2x512x16xf32, #tpu.memory_space<vmem>>, vector<1x512x16xf32>
    %get3A_17 = vector.shape_cast %get3A_16 : vector<1x512x16xf32> to vector<512x16xf32>
    %add3A_18 = arith.addf %get3A_12, %get3A_17 : vector<512x16xf32>
    %get3A_19 = arith.constant 0 : index
    %get3A_20 = arith.constant 0 : index
    %get3A_21 = vector.load %arg3[%get3A_19, %get3A_20] : memref<512x16xf32, #tpu.memory_space<vmem>>, vector<512x16xf32>
    %add3A_22 = arith.addf %add3A_18, %get3A_21 : vector<512x16xf32>
    %mul3A = arith.mulf %rsqrt3A, %add3A_22 : vector<512x16xf32>
    %get3A_23 = arith.constant 0 : index
    %get3A_24 = arith.constant 0 : index
    %get3A_25 = vector.load %arg4[%get3A_23, %get3A_24] : memref<1x16xf32, #tpu.memory_space<vmem>>, vector<1x16xf32>
    %add3A_26 = vector.broadcast %get3A_25 : vector<1x16xf32> to vector<512x16xf32>
    %add3A_27 = arith.addf %mul3A, %add3A_26 : vector<512x16xf32>
    %swap3A = arith.constant 0 : index
    %swap3A_28 = arith.constant 0 : index
    %swap3A_29 = vector.load %arg5[%swap3A, %swap3A_28] : memref<512x16xf32, #tpu.memory_space<vmem>>, vector<512x16xf32>
    tpu.vector_store %arg5[%swap3A, %swap3A_28], %add3A_27 {strides = array<i32>} : memref<512x16xf32, #tpu.memory_space<vmem>>, vector<512x16xf32>,
    return
  }
  func.func @transform_0(%arg0: i32) -> (i32, i32, i32) {
    %c0_i32 = arith.constant 0 : i32
    %c0_i32_0 = arith.constant 0 : i32
    %c0_i32_1 = arith.constant 0 : i32
    return %c0_i32, %arg0, %c0_i32_0 : i32, i32, i32
  }
  func.func @transform_1(%arg0: i32) -> (i32, i32, i32) {
    %c0_i32 = arith.constant 0 : i32
    %c0_i32_0 = arith.constant 0 : i32
    %c0_i32_1 = arith.constant 0 : i32
    return %c0_i32, %arg0, %c0_i32_0 : i32, i32, i32
  }
  func.func @transform_2(%arg0: i32) -> (i32, i32) {
    %c0_i32 = arith.constant 0 : i32
    %c0_i32_0 = arith.constant 0 : i32
    return %arg0, %c0_i32 : i32, i32
  }
  func.func @transform_3(%arg0: i32) -> (i32, i32) {
    %c0_i32 = arith.constant 0 : i32
    %c0_i32_0 = arith.constant 0 : i32
    %c0_i32_1 = arith.constant 0 : i32
    return %c0_i32, %c0_i32_0 : i32, i32
  }
  func.func @transform_4(%arg0: i32) -> (i32, i32) {
    %c0_i32 = arith.constant 0 : i32
    %c0_i32_0 = arith.constant 0 : i32
    return %arg0, %c0_i32 : i32, i32
  }
}

</mosaic_0001>

<sc_bundles>
// kernel: kernel.12.cloned.1.call-start
scs
__scs_entry_jumppad:
0x0: {  	(pc) =	sbr.rel $0x88, $3  }
0x1: {  	(tag) =	ssettag $0x0;
	lr =	simm.s32 $0x1  }
0x2: {  	[smem:$0x3F9B] =	sst lr;
	_ =	strace $0xD0000000  }
0x3: {  	_ = 	snop  }
0x4: {  	_ = 	snop  }
0x5: {  	_ = 	snop  }
0x6: {  	_ = 	snop  }
0x7: {  	_ = 	snop  }
__scs_overlays_trampoline_lowered:
0x8: {  	[smem:$0x3FAA] =	sst s0  }
0x9: {  	[smem:$0x3FAB] =	sst s1  }
0xa: {  	[smem:$0x3FAC] =	sst s2  }
0xb: {  	[smem:$0x3FAD] =	sst s3  }
0xc: {  	[smem:$0x3FAE] =	sst s4  }
0xd: {  	[smem:$0x3FAF] =	sst s5  }
0xe: {  	[smem:$0x3FB0] =	sst s6  }
0xf: {  	[smem:$0x3FB1] =	sst s7  }
0x10: {  	[smem:$0x3FB2] =	sst s8  }
0x11: {  	[smem:$0x3FB3] =	sst s9;
	s0 =	simm.s32 @!p0 $0x0  }
0x12: {  	s1 =	sld [smem:$0x3F99];
	s0 =	simm.s32 @p0 $0x1  }
0x13: {  	[smem:$0x3FB4] =	sst s0;
	s0 =	simm.s32 @!p1 $0x0  }
0x14: {  	s2 =	sld [smem:$0x3F98];
	s0 =	simm.s32 @p1 $0x1  }
0x15: {  	[smem:$0x3FB5] =	sst s0;
	s0 =	simm.s32 @!p2 $0x0  }
0x16: {  	s3 =	sld [smem:$0x3FDB];
	s0 =	simm.s32 @p2 $0x1  }
0x17: {  	s4 =	simm.s32 $0x1BF5;
	[smem:$0x3FB7] =	sst s0  }
0x18: {  	s0 =	sld [smem:$0x3F9A];
	_ =	swait.ge [sflag:s4], $0x0  }
0x19: {  	s7 =	sld [smem:$0x3F9B]  }
0x1a: {  	s8 =	sadd.s32 $0xFFFFE003, lr  }
0x1b: {  	s9 =	sadd.s32 $0xFFFFFEF7, lr;
	s5 =	simm.s32 $0xFFFFFFFF;
	p2 =	slt.u32 s8, $0xFFFFF086  }
0x1c: {  	p1 =	slt.u32 s9, $0xF7A;
	s5 =	simm.s32 @!p2 $0x0  }
0x1d: {  	s5 =	simm.s32 @p1 $0x1;
	p0 =	seq.s32 s7, s2  }
0x1e: {  	s7 =	smul.u32 @!p0 $0xF7A, s2;
	p2 =	seq.s32 @!p0 s5, $0x0  }
0x1f: {  	s9 =	smul.u32 $0xF7A, s1;
	s8 =	simm.s32 @!p0 $0x1BF5;
	p2 =	por !p2, p0  }
0x20: {  	[sflag:s8] =	ssyncset.s32 @!p0 $0xFFFFF086;
	s6 =	sadd.s32 @!p0 s3, s7;
	s7 =	simm.s32 @!p0 $0x108  }
0x21: {  	s3 =	sadd.s32 s3, s9;
	s6 =	sadd.s32 @!p0 $0x88, s6;
	s7 =	simm.s32 @p2 $0x1082  }
0x22: {  	[simem:s7], [sflag:s8] =	dma.local @!p0 [hbm:s6], $0xF7A  }
0x23: {  	s9 =	sor.u32 $0xD0000000, s2;
	s6 =	simm.s32 $0x108;
	_ =	swait.ge @!p0 [sflag:s8], $0x0  }
0x24: {  	s3 =	sadd.s32 $0x88, s3;
	s6 =	simm.s32 @!p1 $0x1082;
	[sflag:s4] =	ssyncset.s32 $0xFFFFF086  }
0x25: {  	[simem:s6], [sflag:s4] =	dma.local [hbm:s3], $0xF7A  }
0x26: {  	[smem:$0x3F9B] =	sst s1;
	(tag) =	ssettag s2;
	_ =	strace s9  }
0x27: {  	s1 =	sld [smem:$0x3FAB]  }
0x28: {  	s2 =	sld [smem:$0x3FAC]  }
0x29: {  	s4 =	sld [smem:$0x3FAE]  }
0x2a: {  	p0 =	seq.s32 s5, $0x0;
	s5 =	sld [smem:$0x3FAF]  }
0x2b: {  	s6 =	sld [smem:$0x3FB0]  }
0x2c: {  	s7 =	sld [smem:$0x3FB1]  }
0x2d: {  	s3 =	simm.s32 $0x108;
	s8 =	sld [smem:$0x3FB2]  }
0x2e: {  	s3 =	simm.s32 @!p0 $0x1082;
	s9 =	sld [smem:$0x3FB3]  }
0x2f: {  	lr =	sadd.s32 s0, s3;
	s0 =	sld [smem:$0x3FAA]  }
0x30: {  	s3 =	sld [smem:$0x3FAD]  }
0x31: {  	[smem:$0x3FB6] =	sst s10  }
0x32: {  	s10 =	sld [smem:$0x3FB4];
	_ =	sdelay $0x3  }
0x33: {  	p0 =	seq.s32 s10, $0x1;
	s10 =	sld [smem:$0x3FB6];
	_ =	sdelay $0x3  }
0x34: {  	[smem:$0x3FB6] =	sst s10  }
0x35: {  	s10 =	sld [smem:$0x3FB5];
	_ =	sdelay $0x3  }
0x36: {  	p1 =	seq.s32 s10, $0x1;
	s10 =	sld [smem:$0x3FB6];
	_ =	sdelay $0x3  }
0x37: {  	[smem:$0x3FB6] =	sst s10  }
0x38: {  	s10 =	sld [smem:$0x3FB7]  }
0x39: {  	_ = 	snop;
	(pc) =	sbr.ind lr, $3  }
0x3a: {  	_ = 	snop  }
0x3b: {  	_ = 	snop  }
0x3c: {  	p2 =	seq.s32 s10, $0x1;
	s10 =	sld [smem:$0x3FB6]  }
0x3d: {  	_ =	shalt  }
0x3e: {  	_ =	shalt  }
0x3f: {  	_ =	shalt  }
0x40: {  	_ =	shalt  }
0x41: {  	_ =	shalt  }
0x42: {  	_ =	shalt  }
0x43: {  	_ =	shalt  }
0x44: {  	_ =	shalt  }
0x45: {  	_ =	shalt  }
0x46: {  	_ =	shalt  }
0x47: {  	_ =	shalt  }
0x48: {  	_ =	shalt  }
0x49: {  	_ =	shalt  }
0x4a: {  	_ =	shalt  }
0x4b: {  	_ =	shalt  }
0x4c: {  	_ =	shalt  }
0x4d: {  	_ =	shalt  }
0x4e: {  	_ =	shalt  }
0x4f: {  	_ =	shalt  }
0x50: {  	_ =	shalt  }
0x51: {  	_ =	shalt  }
0x52: {  	_ =	shalt  }
0x53: {  	_ =	shalt  }
0x54: {  	_ =	shalt  }
0x55: {  	_ =	shalt  }
0x56: {  	_ =	shalt  }
0x57: {  	_ =	shalt  }
0x58: {  	_ =	shalt  }
0x59: {  	_ =	shalt  }
0x5a: {  	_ =	shalt  }
0x5b: {  	_ =	shalt  }
0x5c: {  	_ =	shalt  }
0x5d: {  	_ =	shalt  }
0x5e: {  	_ =	shalt  }
0x5f: {  	_ =	shalt  }
0x60: {  	_ =	shalt  }
0x61: {  	_ =	shalt  }
0x62: {  	_ =	shalt  }
0x63: {  	_ =	shalt  }
0x64: {  	_ =	shalt  }
0x65: {  	_ =	shalt  }
0x66: {  	_ =	shalt  }
0x67: {  	_ =	shalt  }
0x68: {  	_ =	shalt  }
0x69: {  	_ =	shalt  }
0x6a: {  	_ =	shalt  }
0x6b: {  	_ =	shalt  }
0x6c: {  	_ =	shalt  }
0x6d: {  	_ =	shalt  }
0x6e: {  	_ =	shalt  }
0x6f: {  	_ =	shalt  }
0x70: {  	_ =	shalt  }
0x71: {  	_ =	shalt  }
0x72: {  	_ =	shalt  }
0x73: {  	_ =	shalt  }
0x74: {  	_ =	shalt  }
0x75: {  	_ =	shalt  }
0x76: {  	_ =	shalt  }
0x77: {  	_ =	shalt  }
0x78: {  	_ =	shalt  }
0x79: {  	_ =	shalt  }
0x7a: {  	_ =	shalt  }
0x7b: {  	_ =	shalt  }
0x7c: {  	_ =	shalt  }
0x7d: {  	_ =	shalt  }
0x7e: {  	_ =	shalt  }
0x7f: {  	_ =	shalt  }
0x80: {  	_ =	shalt  }
0x81: {  	_ =	shalt  }
0x82: {  	_ =	shalt  }
0x83: {  	_ =	shalt  }
0x84: {  	_ =	shalt  }
0x85: {  	_ =	shalt  }
0x86: {  	_ =	shalt  }
0x87: {  	_ =	shalt  }
.Lfunc_end0:
.L_simem_size_0:
called_computation.1_lowered:
.L_overlay_start_0:
0x88: {  	s2 =	sld [smem:$0x3FD9]  }
0x89: {  	s3 =	sld [smem:$0x3FFE];
	_ =	sdelay $0x1  }
0x8a: {  	s1 =	srdreg.scid  }
0x8b: {  	s0 =	sand.u32 $0x1, s1  }
0x8c: {  	s16 =	sshll.u32 s0, $0xA;
	s2 =	sadd.s32 s3, s2  }
0x8d: {  	s2 =	sadd.s32 s2, s16  }
0x8e: {  	[smem:$0x3FC2] =	sst s2  }
0x8f: {  	_ = 	snop  }
0x90: {  	(tm) =	ssettm $0x1  }
0x91: {  	s17 =	sld [smem:$0x3FFB];
	_ =	sdelay $0x3  }
0x92: {  	_ =	strace s17  }
0x93: {  	s2 =	sld [smem:$0x3FFC];
	_ =	sdelay $0x3  }
0x94: {  	_ =	strace s2  }
0x95: {  	s2 =	sld [smem:$0x3FFD];
	_ =	sdelay $0x3  }
0x96: {  	_ =	strace s2  }
0x97: {  	_ =	strace $0x8FFFFFFF  }
0x98: {  	s18 =	sld [smem:$0x3FDB];
	_ =	sdelay $0x1  }
0x99: {  	s19 =	simm.s32 $_scs_section_size  }
0x9a: {  	s4 =	simm.s32 $_size__tile_overlayer_lowered;
	s5 =	simm.s32 $_tile_overlayer_lowered  }
0x9b: {  	s22 =	simm.s32 $0x1BFF;
	s21 =	sshll.u32 s5, $0x1;
	s2 =	sadd.s32 s19, s18  }
0x9c: {  	s6 =	simm.s32 $0x0;
	s20 =	sshll.u32 s4, $0x1;
	s4 =	sadd.s32 s21, s2  }
0x9d: {  	[timem:s6], [sflag:s22] =	dma.local [hbm:s4], s20  }
0x9e: {  	_ =	swait.ge [sflag:s22], s20  }
0x9f: {  	s3 =	ssub.s32 $0x0, s20;
	[sflag:s22] =	ssyncset.done $0x0  }
0xa0: {  	[sflag:s22] =	ssyncadd.s32 s3;
	_ =	sdelay $0x1  }
0xa1: {  	s23 =	simm.s32 $0x1B8B  }
0xa2: {  	_ =	swait.ge [sflag:s23], $0x1  }
0xa3: {  	[sflag:s23] =	ssyncset.done $0x0  }
0xa4: {  	s25 =	simm.s32 $0x1B8E;
	s24 =	sld [smem:$0x3FFE];
	[sflag:s23] =	ssyncadd.s32 $0xFFFFFFFF  }
0xa5: {  	s26 =	simm.s32 $execute0_lowered;
	[smem:$0x3FD2] =	sst s25  }
0xa6: {  	s4 =	sshll.u32 s26, $0x1;
	_ =	strace $0x80000049;
	[dreg:$0x1] =	wrdreg $0xFFFFFFFF  }
0xa7: {  	s28 =	simm.s32 $_size_execute0_lowered;
	s2 =	sadd.s32 s2, s4;
	[dreg:$0x0] =	wrdreg $0x0  }
0xa8: {  	s4 =	sshll.u32 s28, $0x1;
	[dreg:$0x2] =	wrdreg s2  }
0xa9: {  	[dreg:$0x3] =	wrdreg s4  }
0xaa: {  	[dreg:$0x4] =	wrdreg $0xC0  }
0xab: {  	_ =	task [dreg:s6], $0x5FFFF  }
0xac: {  	[dreg:$0x1] =	wrdreg $0xFFFFFFFF  }
0xad: {  	[dreg:$0x0] =	wrdreg $0x60  }
0xae: {  	[dreg:$0x2] =	wrdreg s24  }
0xaf: {  	[dreg:$0x3] =	wrdreg $0x8F000  }
0xb0: {  	[dreg:$0x4] =	wrdreg $0x9  }
0xb1: {  	_ =	task.clear_ibuf [dreg:s6], $0x5FFFF;
	_ =	strace $0x90000049  }
0xb2: {  	s29 =	simm.s32 $0x9;
	_ =	strace $0x8000004B  }
0xb3: {  	_ =	swait.ge [sflag:s29], $0x1  }
0xb4: {  	[sflag:s29] =	ssyncadd.s32 $0xFFFFFFFF  }
0xb5: {  	_ =	strace $0x9000004B  }
0xb6: {  	_ =	sfence  }
0xb7: {  	s30 =	sld [smem:$0x0];
	_ =	sdelay $0x2  }
0xb8: {  	s31 =	sshll.u32 s1, $0xD;
	s1 =	sshrl.u32 s1, $0x2  }
0xb9: {  	s3 =	sand.u32 $0x4000, s31;
	s1 =	sadd.s32 s1, s30  }
0xba: {  	s0 =	sor.u32 s3, s0;
	s1 =	sshll.u32 s1, $0x11  }
0xbb: {  	s0 =	sor.u32 s1, s0  }
0xbc: {  	s0 =	sadd.s32 $0x8F2B, s0  }
0xbd: {  	[sflag:s0] =	ssyncadd.remote.s32 $0x1  }
0xbe: {  	_ =	sfence.sel $0xFFFF  }
0xbf: {  	[dreg:$0x0] =	wrdreg $0xFFFFFFFF;
	(pc) =	sbr.abs _section_cstart, $3  }
0xc0: {  	[dreg:$0x1] =	wrdreg $0xFFFFFFFF  }
0xc1: {  	_ =	task.clear_ibuf [dreg:s6], $0x2FFFF;
	_ =	strace $0x9FFFFFFF  }
0xc2: {  	(tm) =	ssettm $0x7FFFFFFF  }
0xc3: {  	_ =	shalt  }
tec
execute0_lowered:
.L_overlay_start_1:
0x0: {  	(tag) =	ssettag $0x1  }
0x1: {  	s5 =	rddreg [dreg:$0x0]  }
0x2: {  	s0 =	srdreg.scid;
	s2 =	rddreg [dreg:$0x1]  }
0x3: {  	s1 =	rddreg [dreg:$0x2];
	s3 =	simm.s32 $0x0;
	s21 =	simm.s32 $0x80  }
0x4: {  	s22 =	simm.s32 $0x1;
	s8 =	sand.u32 $0x1, s0;
	s0 =	stileid.u32  }
0x5: {  	s23 =	simm.s32 $0x0;
	[smem:$0x7FF] =	sst s3;
	s4 =	smul.u32 $0x27800, s8  }
0x6: {  	s16 =	sadd.s32 $0x47A00, s5;
	s6 =	smul.u32 $0x2780, s0;
	s7 =	ssub.s32 $0x2, s8  }
0x7: {  	_ =	strace $0x8000004A;
	s11 =	smul.u32 $0x14000, s0;
	s9 =	sshrl.u32 s7, $0x1  }
0x8: {  	s18 =	smul.u32 $0x140000, s8;
	s4 =	sadd.s32 s6, s4;
	s17 =	ssub.s32 s7, s9  }
0x9: {  	s7 =	sadd.s32 s11, s2;
	s12 =	sadd.s32 $0x4000, s11;
	s14 =	sadd.s32 $0x8000, s11  }
0xa: {  	s15 =	sadd.s32 $0xC000, s11;
	s19 =	sadd.s32 $0x10000, s11;
	s13 =	sadd.s32 s11, s18  }
0xb: {  	s4 =	sshrl.u32 s4, $0x3;
	s8 =	sadd.s32 s12, s2;
	s9 =	sadd.s32 s14, s2  }
0xc: {  	s10 =	sadd.s32 s15, s2;
	s12 =	sadd.s32 s18, s12;
	s11 =	sadd.s32 s19, s2  }
0xd: {  	s13 =	sshrl.u32 s13, $0x3;
	s14 =	sadd.s32 s18, s14;
	s15 =	sadd.s32 s18, s15  }
0xe: {  	s18 =	sadd.s32 s18, s19;
	s17 =	smax.u32 s17, $0x1;
	s19 =	simm.s32 $0x2780  }
0xf: {  	s31 =	sadd.s32 s4, s5;
	s4 =	sadd.s32 $0x1FA00, s5;
	s20 =	sshrl.u32 s12, $0x3  }
0x10: {  	s12 =	sadd.s32 s16, s13;
	s14 =	sshrl.u32 s14, $0x3;
	s15 =	sshrl.u32 s15, $0x3  }
0x11: {  	s18 =	sshrl.u32 s18, $0x3;
	s5 =	sadd.s32 $0x15C00, s31;
	s6 =	sadd.s32 $0x1E00, s31  }
0x12: {  	s13 =	sadd.s32 s16, s20;
	s14 =	sadd.s32 s16, s14;
	s15 =	sadd.s32 s16, s15  }
0x13: {  	v0 =	vimm.f32 $0.0e+00;
	s16 =	sadd.s32 s16, s18;
	s18 =	simm.s32 $0x2;
	s20 =	simm.s32 $0x4F00  }
.LBB2_1:
0x14: {  	[tilespmem:s3], [sflag:$0x2] =	stream.linear.gather [hbm4b:s5+s3], $0x2780, $0x38;
	[tilespmem:$0x1CF00] =	vst v63  }
0x15: {  	_ =	swait.ge [sflag:s18], $0x2780  }
0x16: {  	[sflag:s18] =	ssyncset.done $0x0  }
0x17: {  	[sflag:s18] =	ssyncadd.s32 $0xFFFFD880  }
0x18: {  	[tilespmem:s19], [sflag:$0x2] =	stream.linear.gather [hbm4b:s6+s3], $0x2780, $0x38;
	[tilespmem:$0x1CF00] =	vst v63  }
0x19: {  	_ =	swait.ge [sflag:s18], $0x2780  }
0x1a: {  	[sflag:s18] =	ssyncset.done $0x0  }
0x1b: {  	s24 =	simm.s32 $0x0;
	s25 =	simm.s32 $0x200;
	[sflag:s18] =	ssyncadd.s32 $0xFFFFD880  }
.LBB2_2:
0x1c: {  	p0 =	sne.s32 s25, $0xFE00;
	[tilespmem:s24+$0x4F70] =	vst v0  }
0x1d: {  	[tilespmem:s24+$0x4F00] =	vst v0  }
0x1e: {  	[tilespmem:s24+$0x4F10] =	vst v0  }
.Ltmp0:
0x1f: {  	[tilespmem:s24+$0x4F20] =	vst v0;
	(pc) =	sbr.rel @p0 .LBB2_2-.Ltmp0, $4  }
0x20: {  	[tilespmem:s24+$0x4F30] =	vst v0  }
0x21: {  	[tilespmem:s24+$0x4F40] =	vst v0  }
0x22: {  	[tilespmem:s24+$0x4F50] =	vst v0  }
0x23: {  	[tilespmem:s24+$0x4F60] =	vst v0;
	s24 =	sshra.s32 s25, $0x2;
	s25 =	sadd.s32 $0x200, s25  }
0x24: {  	[tilespmem:s24+$0x4F70] =	vst v0  }
0x25: {  	[tilespmem:s24+$0x4F00] =	vst v0  }
0x26: {  	[tilespmem:s24+$0x4F10] =	vst v0  }
0x27: {  	[tilespmem:s24+$0x4F20] =	vst v0  }
0x28: {  	[tilespmem:s24+$0x4F30] =	vst v0  }
0x29: {  	[tilespmem:s24+$0x4F40] =	vst v0  }
0x2a: {  	[tilespmem:s24+$0x4F50] =	vst v0  }
0x2b: {  	[tilespmem:s24+$0x4F60] =	vst v0  }
0x2c: {  	[spmem:s7] =	stream.linear.scatter [tilespmem:s20], [sflag:$0x2], $0x4000, $0x38;
	[tilespmem:$0x1CF00] =	vst v63  }
0x2d: {  	_ =	swait.ge [sflag:s18], $0x4000  }
0x2e: {  	[sflag:s18] =	ssyncset.done $0x0  }
0x2f: {  	[sflag:s18] =	ssyncadd.s32 $0xFFFFC000  }
0x30: {  	[spmem:s8] =	stream.linear.scatter [tilespmem:s20], [sflag:$0x2], $0x4000, $0x38;
	[tilespmem:$0x1CF00] =	vst v63  }
0x31: {  	_ =	swait.ge [sflag:s18], $0x4000  }
0x32: {  	[sflag:s18] =	ssyncset.done $0x0  }
0x33: {  	[sflag:s18] =	ssyncadd.s32 $0xFFFFC000  }
0x34: {  	[spmem:s9] =	stream.linear.scatter [tilespmem:s20], [sflag:$0x2], $0x4000, $0x38;
	[tilespmem:$0x1CF00] =	vst v63  }
0x35: {  	_ =	swait.ge [sflag:s18], $0x4000  }
0x36: {  	[sflag:s18] =	ssyncset.done $0x0  }
0x37: {  	[sflag:s18] =	ssyncadd.s32 $0xFFFFC000  }
0x38: {  	[spmem:s10] =	stream.linear.scatter [tilespmem:s20], [sflag:$0x2], $0x4000, $0x38;
	[tilespmem:$0x1CF00] =	vst v63  }
0x39: {  	_ =	swait.ge [sflag:s18], $0x4000  }
0x3a: {  	[sflag:s18] =	ssyncset.done $0x0  }
0x3b: {  	[sflag:s18] =	ssyncadd.s32 $0xFFFFC000  }
0x3c: {  	[spmem:s11] =	stream.linear.scatter [tilespmem:s20], [sflag:$0x2], $0x4000, $0x38;
	[tilespmem:$0x1CF00] =	vst v63  }
0x3d: {  	_ =	swait.ge [sflag:s18], $0x4000  }
0x3e: {  	[sflag:s18] =	ssyncset.done $0x0  }
0x3f: {  	[sflag:s18] =	ssyncadd.s32 $0xFFFFC000  }
0x40: {  	s30 =	simm.s32 $0x0;
	[bflag:$0x0] =	sbarrier.arrive $0xFFFF  }
0x41: {  	[tilespmem:s20], [sflag:$0x1] =	stream.indirect.gather [hbm4b:s4+s21], $0x80, s30, s21, $0xb8;
	[tilespmem:$0x1CF00] =	vst v63  }
0x42: {  	_ =	swait.ge [sflag:s22], $0x4000  }
0x43: {  	[sflag:s22] =	ssyncset.done $0x0  }
0x44: {  	s31 =	simm.s32 $0x2780;
	[sflag:s22] =	ssyncadd.s32 $0xFFFFC000  }
0x45: {  	[spmem:s2] =	stream.indirect.scatter.add.f32 [tilespmem:s20], [sflag:$0x2], $0x80, s31, s21, $0xb8;
	[tilespmem:$0x1CF00] =	vst v63  }
0x46: {  	_ =	swait.ge [sflag:s18], $0x4000  }
0x47: {  	s24 =	simm.s32 $0x200;
	s25 =	simm.s32 $0x400;
	[sflag:s18] =	ssyncset.done $0x0  }
.LBB2_4:
0x48: {  	s26 =	sshra.s32 s24, $0x2  }
0x49: {  	[sflag:s18] =	ssyncadd.s32 $0xFFFFC000;
	s24 =	smov.u32 s25;
	s28 =	sadd.s32 $0x200, s25  }
0x4a: {  	[tilespmem:s20], [sflag:$0x1] =	stream.indirect.gather [hbm4b:s4+s21], $0x80, s26, s21, $0xb8;
	[tilespmem:$0x1CF00] =	vst v63  }
0x4b: {  	p0 =	sne.s32 s25, $0x9C00;
	_ =	swait.ge [sflag:s22], $0x4000  }
.Ltmp1:
0x4c: {  	[sflag:s22] =	ssyncset.done $0x0;
	(pc) =	sbr.rel @p0 .LBB2_4-.Ltmp1, $4  }
0x4d: {  	s25 =	sadd.s32 $0x2780, s26;
	[sflag:s22] =	ssyncadd.s32 $0xFFFFC000  }
0x4e: {  	[spmem:s2] =	stream.indirect.scatter.add.f32 [tilespmem:s20], [sflag:$0x2], $0x80, s25, s21, $0xb8;
	[tilespmem:$0x1CF00] =	vst v63  }
0x4f: {  	_ =	swait.ge [sflag:s18], $0x4000  }
0x50: {  	s25 =	smov.u32 s28;
	[sflag:s18] =	ssyncset.done $0x0  }
0x51: {  	s24 =	sshra.s32 s24, $0x2;
	[sflag:s18] =	ssyncadd.s32 $0xFFFFC000  }
0x52: {  	[tilespmem:s20], [sflag:$0x1] =	stream.indirect.gather [hbm4b:s4+s21], $0x80, s24, s21, $0xb8;
	[tilespmem:$0x1CF00] =	vst v63  }
0x53: {  	_ =	swait.ge [sflag:s22], $0x4000  }
0x54: {  	[sflag:s22] =	ssyncset.done $0x0  }
0x55: {  	s24 =	sadd.s32 $0x2780, s24;
	[sflag:s22] =	ssyncadd.s32 $0xFFFFC000  }
0x56: {  	[spmem:s2] =	stream.indirect.scatter.add.f32 [tilespmem:s20], [sflag:$0x2], $0x80, s24, s21, $0xb8;
	[tilespmem:$0x1CF00] =	vst v63  }
0x57: {  	_ =	swait.ge [sflag:s18], $0x4000  }
0x58: {  	[sflag:s18] =	ssyncset.done $0x0  }
0x59: {  	[sflag:s18] =	ssyncadd.s32 $0xFFFFC000  }
0x5a: {  	[bflag:$0x0] =	sbarrier.arrive $0xFFFF  }
0x5b: {  	[tilespmem:s20], [sflag:$0x2] =	stream.linear.gather [spmem:s7], $0x4000, $0x38;
	[tilespmem:$0x1CF00] =	vst v63  }
0x5c: {  	_ =	swait.ge [sflag:s18], $0x4000  }
0x5d: {  	[sflag:s18] =	ssyncset.done $0x0  }
0x5e: {  	[sflag:s18] =	ssyncadd.s32 $0xFFFFC000  }
0x5f: {  	[hbm4b:s12+s3] =	stream.linear.scatter [tilespmem:s20], [sflag:$0x2], $0x4000, $0x38;
	[tilespmem:$0x1CF00] =	vst v63  }
0x60: {  	_ =	swait.ge [sflag:s18], $0x4000  }
0x61: {  	[sflag:s18] =	ssyncset.done $0x0  }
0x62: {  	[sflag:s18] =	ssyncadd.s32 $0xFFFFC000  }
0x63: {  	[tilespmem:s20], [sflag:$0x2] =	stream.linear.gather [spmem:s8], $0x4000, $0x38;
	[tilespmem:$0x1CF00] =	vst v63  }
0x64: {  	_ =	swait.ge [sflag:s18], $0x4000  }
0x65: {  	[sflag:s18] =	ssyncset.done $0x0  }
0x66: {  	[sflag:s18] =	ssyncadd.s32 $0xFFFFC000  }
0x67: {  	[hbm4b:s13+s3] =	stream.linear.scatter [tilespmem:s20], [sflag:$0x2], $0x4000, $0x38;
	[tilespmem:$0x1CF00] =	vst v63  }
0x68: {  	_ =	swait.ge [sflag:s18], $0x4000  }
0x69: {  	[sflag:s18] =	ssyncset.done $0x0  }
0x6a: {  	[sflag:s18] =	ssyncadd.s32 $0xFFFFC000  }
0x6b: {  	[tilespmem:s20], [sflag:$0x2] =	stream.linear.gather [spmem:s9], $0x4000, $0x38;
	[tilespmem:$0x1CF00] =	vst v63  }
0x6c: {  	_ =	swait.ge [sflag:s18], $0x4000  }
0x6d: {  	[sflag:s18] =	ssyncset.done $0x0  }
0x6e: {  	[sflag:s18] =	ssyncadd.s32 $0xFFFFC000  }
0x6f: {  	[hbm4b:s14+s3] =	stream.linear.scatter [tilespmem:s20], [sflag:$0x2], $0x4000, $0x38;
	[tilespmem:$0x1CF00] =	vst v63  }
0x70: {  	_ =	swait.ge [sflag:s18], $0x4000  }
0x71: {  	[sflag:s18] =	ssyncset.done $0x0  }
0x72: {  	[sflag:s18] =	ssyncadd.s32 $0xFFFFC000  }
0x73: {  	[tilespmem:s20], [sflag:$0x2] =	stream.linear.gather [spmem:s10], $0x4000, $0x38;
	[tilespmem:$0x1CF00] =	vst v63  }
0x74: {  	_ =	swait.ge [sflag:s18], $0x4000  }
0x75: {  	[sflag:s18] =	ssyncset.done $0x0  }
0x76: {  	[sflag:s18] =	ssyncadd.s32 $0xFFFFC000  }
0x77: {  	[hbm4b:s15+s3] =	stream.linear.scatter [tilespmem:s20], [sflag:$0x2], $0x4000, $0x38;
	[tilespmem:$0x1CF00] =	vst v63  }
0x78: {  	_ =	swait.ge [sflag:s18], $0x4000  }
0x79: {  	[sflag:s18] =	ssyncset.done $0x0  }
0x7a: {  	[sflag:s18] =	ssyncadd.s32 $0xFFFFC000  }
0x7b: {  	[tilespmem:s20], [sflag:$0x2] =	stream.linear.gather [spmem:s11], $0x4000, $0x38;
	[tilespmem:$0x1CF00] =	vst v63  }
0x7c: {  	s23 =	sadd.s32 $0x1, s23;
	_ =	swait.ge [sflag:s18], $0x4000  }
0x7d: {  	p0 =	sne.s32 s23, s17;
	[sflag:s18] =	ssyncset.done $0x0  }
.Ltmp2:
0x7e: {  	[sflag:s18] =	ssyncadd.s32 $0xFFFFC000;
	(pc) =	sbr.rel @p0 .LBB2_1-.Ltmp2, $4  }
0x7f: {  	[hbm4b:s16+s3] =	stream.linear.scatter [tilespmem:s20], [sflag:$0x2], $0x4000, $0x38;
	[tilespmem:$0x1CF00] =	vst v63  }
0x80: {  	_ =	swait.ge [sflag:s18], $0x4000  }
0x81: {  	[sflag:s18] =	ssyncset.done $0x0  }
0x82: {  	[sflag:s18] =	ssyncadd.s32 $0xFFFFC000  }
0x83: {  	_ =	sfence.sel $0x180000  }
0x84: {  	[bflag:$0x0] =	sbarrier.arrive $0xFFFF  }
0x85: {  	p0 =	sne.s32 s0, $0x0;
	_ =	strace $0x9000004A  }
0x86: {  	s0 =	sadd.s32 @!p0 $0x100000, s1;
	[bflag:$0x2] =	sbarrier.arrive $0xFFFF  }
0x87: {  	[sflag:s0] =	ssyncadd.tile.s32 @!p0 $0x1;
	_ =	shalt  }
.Lfunc_end2:
_tile_overlayer_lowered:
.L_overlay_start_2:
0x88: {  	(tag) =	ssettag $0x2  }
0x89: {  	s0 =	rddreg [dreg:$0x0];
	s2 =	stileid.u32  }
0x8a: {  	s1 =	rddreg [dreg:$0x1];
	p0 =	sne.s32 s2, $0x0  }
0x8b: {  	s3 =	rddreg [dreg:$0x2];
	[bflag:$0x3] =	sbarrier.arrive $0xFFFF;
	s2 =	simm.s32 @!p0 $0x1C02  }
0x8c: {  	[timem:s3], [sflag:s2] =	dma.local @!p0 [hbm:s0], s1  }
0x8d: {  	s0 =	simm.s32 @!p0 $0x2  }
0x8e: {  	_ =	swait.ge @!p0 [sflag:s0], s1  }
0x8f: {  	s1 =	ssub.s32 @!p0 $0x0, s1;
	[sflag:s0] =	ssyncset.done @!p0 $0x0  }
0x90: {  	[sflag:s0] =	ssyncadd.s32 @!p0 s1  }
0x91: {  	[bflag:$0x3] =	sbarrier.arrive $0xFFFF  }
0x92: {  	_ =	shalt  }

// kernel: kernel.15.cloned.1.call-start
scs
__scs_entry_jumppad:
0x0: {  	(pc) =	sbr.rel $0x88, $3  }
0x1: {  	(tag) =	ssettag $0x0;
	lr =	simm.s32 $0x1  }
0x2: {  	[smem:$0x3F9B] =	sst lr;
	_ =	strace $0xD0000000  }
0x3: {  	_ = 	snop  }
0x4: {  	_ = 	snop  }
0x5: {  	_ = 	snop  }
0x6: {  	_ = 	snop  }
0x7: {  	_ = 	snop  }
__scs_overlays_trampoline_lowered:
0x8: {  	[smem:$0x3FAA] =	sst s0  }
0x9: {  	[smem:$0x3FAB] =	sst s1  }
0xa: {  	[smem:$0x3FAC] =	sst s2  }
0xb: {  	[smem:$0x3FAD] =	sst s3  }
0xc: {  	[smem:$0x3FAE] =	sst s4  }
0xd: {  	[smem:$0x3FAF] =	sst s5  }
0xe: {  	[smem:$0x3FB0] =	sst s6  }
0xf: {  	[smem:$0x3FB1] =	sst s7  }
0x10: {  	[smem:$0x3FB2] =	sst s8  }
0x11: {  	[smem:$0x3FB3] =	sst s9;
	s0 =	simm.s32 @!p0 $0x0  }
0x12: {  	s1 =	sld [smem:$0x3F99];
	s0 =	simm.s32 @p0 $0x1  }
0x13: {  	[smem:$0x3FB4] =	sst s0;
	s0 =	simm.s32 @!p1 $0x0  }
0x14: {  	s2 =	sld [smem:$0x3F98];
	s0 =	simm.s32 @p1 $0x1  }
0x15: {  	[smem:$0x3FB5] =	sst s0;
	s0 =	simm.s32 @!p2 $0x0  }
0x16: {  	s3 =	sld [smem:$0x3FDB];
	s0 =	simm.s32 @p2 $0x1  }
0x17: {  	s4 =	simm.s32 $0x1BF5;
	[smem:$0x3FB7] =	sst s0  }
0x18: {  	s0 =	sld [smem:$0x3F9A];
	_ =	swait.ge [sflag:s4], $0x0  }
0x19: {  	s7 =	sld [smem:$0x3F9B]  }
0x1a: {  	s8 =	sadd.s32 $0xFFFFE003, lr  }
0x1b: {  	s9 =	sadd.s32 $0xFFFFFEF7, lr;
	s5 =	simm.s32 $0xFFFFFFFF;
	p2 =	slt.u32 s8, $0xFFFFF086  }
0x1c: {  	p1 =	slt.u32 s9, $0xF7A;
	s5 =	simm.s32 @!p2 $0x0  }
0x1d: {  	s5 =	simm.s32 @p1 $0x1;
	p0 =	seq.s32 s7, s2  }
0x1e: {  	s7 =	smul.u32 @!p0 $0xF7A, s2;
	p2 =	seq.s32 @!p0 s5, $0x0  }
0x1f: {  	s9 =	smul.u32 $0xF7A, s1;
	s8 =	simm.s32 @!p0 $0x1BF5;
	p2 =	por !p2, p0  }
0x20: {  	[sflag:s8] =	ssyncset.s32 @!p0 $0xFFFFF086;
	s6 =	sadd.s32 @!p0 s3, s7;
	s7 =	simm.s32 @!p0 $0x108  }
0x21: {  	s3 =	sadd.s32 s3, s9;
	s6 =	sadd.s32 @!p0 $0x88, s6;
	s7 =	simm.s32 @p2 $0x1082  }
0x22: {  	[simem:s7], [sflag:s8] =	dma.local @!p0 [hbm:s6], $0xF7A  }
0x23: {  	s9 =	sor.u32 $0xD0000000, s2;
	s6 =	simm.s32 $0x108;
	_ =	swait.ge @!p0 [sflag:s8], $0x0  }
0x24: {  	s3 =	sadd.s32 $0x88, s3;
	s6 =	simm.s32 @!p1 $0x1082;
	[sflag:s4] =	ssyncset.s32 $0xFFFFF086  }
0x25: {  	[simem:s6], [sflag:s4] =	dma.local [hbm:s3], $0xF7A  }
0x26: {  	[smem:$0x3F9B] =	sst s1;
	(tag) =	ssettag s2;
	_ =	strace s9  }
0x27: {  	s1 =	sld [smem:$0x3FAB]  }
0x28: {  	s2 =	sld [smem:$0x3FAC]  }
0x29: {  	s4 =	sld [smem:$0x3FAE]  }
0x2a: {  	p0 =	seq.s32 s5, $0x0;
	s5 =	sld [smem:$0x3FAF]  }
0x2b: {  	s6 =	sld [smem:$0x3FB0]  }
0x2c: {  	s7 =	sld [smem:$0x3FB1]  }
0x2d: {  	s3 =	simm.s32 $0x108;
	s8 =	sld [smem:$0x3FB2]  }
0x2e: {  	s3 =	simm.s32 @!p0 $0x1082;
	s9 =	sld [smem:$0x3FB3]  }
0x2f: {  	lr =	sadd.s32 s0, s3;
	s0 =	sld [smem:$0x3FAA]  }
0x30: {  	s3 =	sld [smem:$0x3FAD]  }
0x31: {  	[smem:$0x3FB6] =	sst s10  }
0x32: {  	s10 =	sld [smem:$0x3FB4];
	_ =	sdelay $0x3  }
0x33: {  	p0 =	seq.s32 s10, $0x1;
	s10 =	sld [smem:$0x3FB6];
	_ =	sdelay $0x3  }
0x34: {  	[smem:$0x3FB6] =	sst s10  }
0x35: {  	s10 =	sld [smem:$0x3FB5];
	_ =	sdelay $0x3  }
0x36: {  	p1 =	seq.s32 s10, $0x1;
	s10 =	sld [smem:$0x3FB6];
	_ =	sdelay $0x3  }
0x37: {  	[smem:$0x3FB6] =	sst s10  }
0x38: {  	s10 =	sld [smem:$0x3FB7]  }
0x39: {  	_ = 	snop;
	(pc) =	sbr.ind lr, $3  }
0x3a: {  	_ = 	snop  }
0x3b: {  	_ = 	snop  }
0x3c: {  	p2 =	seq.s32 s10, $0x1;
	s10 =	sld [smem:$0x3FB6]  }
0x3d: {  	_ =	shalt  }
0x3e: {  	_ =	shalt  }
0x3f: {  	_ =	shalt  }
0x40: {  	_ =	shalt  }
0x41: {  	_ =	shalt  }
0x42: {  	_ =	shalt  }
0x43: {  	_ =	shalt  }
0x44: {  	_ =	shalt  }
0x45: {  	_ =	shalt  }
0x46: {  	_ =	shalt  }
0x47: {  	_ =	shalt  }
0x48: {  	_ =	shalt  }
0x49: {  	_ =	shalt  }
0x4a: {  	_ =	shalt  }
0x4b: {  	_ =	shalt  }
0x4c: {  	_ =	shalt  }
0x4d: {  	_ =	shalt  }
0x4e: {  	_ =	shalt  }
0x4f: {  	_ =	shalt  }
0x50: {  	_ =	shalt  }
0x51: {  	_ =	shalt  }
0x52: {  	_ =	shalt  }
0x53: {  	_ =	shalt  }
0x54: {  	_ =	shalt  }
0x55: {  	_ =	shalt  }
0x56: {  	_ =	shalt  }
0x57: {  	_ =	shalt  }
0x58: {  	_ =	shalt  }
0x59: {  	_ =	shalt  }
0x5a: {  	_ =	shalt  }
0x5b: {  	_ =	shalt  }
0x5c: {  	_ =	shalt  }
0x5d: {  	_ =	shalt  }
0x5e: {  	_ =	shalt  }
0x5f: {  	_ =	shalt  }
0x60: {  	_ =	shalt  }
0x61: {  	_ =	shalt  }
0x62: {  	_ =	shalt  }
0x63: {  	_ =	shalt  }
0x64: {  	_ =	shalt  }
0x65: {  	_ =	shalt  }
0x66: {  	_ =	shalt  }
0x67: {  	_ =	shalt  }
0x68: {  	_ =	shalt  }
0x69: {  	_ =	shalt  }
0x6a: {  	_ =	shalt  }
0x6b: {  	_ =	shalt  }
0x6c: {  	_ =	shalt  }
0x6d: {  	_ =	shalt  }
0x6e: {  	_ =	shalt  }
0x6f: {  	_ =	shalt  }
0x70: {  	_ =	shalt  }
0x71: {  	_ =	shalt  }
0x72: {  	_ =	shalt  }
0x73: {  	_ =	shalt  }
0x74: {  	_ =	shalt  }
0x75: {  	_ =	shalt  }
0x76: {  	_ =	shalt  }
0x77: {  	_ =	shalt  }
0x78: {  	_ =	shalt  }
0x79: {  	_ =	shalt  }
0x7a: {  	_ =	shalt  }
0x7b: {  	_ =	shalt  }
0x7c: {  	_ =	shalt  }
0x7d: {  	_ =	shalt  }
0x7e: {  	_ =	shalt  }
0x7f: {  	_ =	shalt  }
0x80: {  	_ =	shalt  }
0x81: {  	_ =	shalt  }
0x82: {  	_ =	shalt  }
0x83: {  	_ =	shalt  }
0x84: {  	_ =	shalt  }
0x85: {  	_ =	shalt  }
0x86: {  	_ =	shalt  }
0x87: {  	_ =	shalt  }
.Lfunc_end0:
.L_simem_size_0:
called_computation.2_lowered:
.L_overlay_start_0:
0x88: {  	s2 =	sld [smem:$0x3FD9]  }
0x89: {  	s3 =	sld [smem:$0x3FFE];
	_ =	sdelay $0x1  }
0x8a: {  	s1 =	srdreg.scid  }
0x8b: {  	s0 =	sand.u32 $0x1, s1  }
0x8c: {  	s16 =	sshll.u32 s0, $0xA;
	s2 =	sadd.s32 s3, s2  }
0x8d: {  	s2 =	sadd.s32 s2, s16  }
0x8e: {  	[smem:$0x3FC2] =	sst s2  }
0x8f: {  	_ = 	snop  }
0x90: {  	(tm) =	ssettm $0x1  }
0x91: {  	s17 =	sld [smem:$0x3FFB];
	_ =	sdelay $0x3  }
0x92: {  	_ =	strace s17  }
0x93: {  	s2 =	sld [smem:$0x3FFC];
	_ =	sdelay $0x3  }
0x94: {  	_ =	strace s2  }
0x95: {  	s2 =	sld [smem:$0x3FFD];
	_ =	sdelay $0x3  }
0x96: {  	_ =	strace s2  }
0x97: {  	_ =	strace $0x8FFFFFFF  }
0x98: {  	s18 =	sld [smem:$0x3FDB];
	_ =	sdelay $0x1  }
0x99: {  	s19 =	simm.s32 $_scs_section_size  }
0x9a: {  	s4 =	simm.s32 $_size__tile_overlayer_lowered;
	s5 =	simm.s32 $_tile_overlayer_lowered  }
0x9b: {  	s22 =	simm.s32 $0x1BFF;
	s21 =	sshll.u32 s5, $0x1;
	s2 =	sadd.s32 s19, s18  }
0x9c: {  	s6 =	simm.s32 $0x0;
	s20 =	sshll.u32 s4, $0x1;
	s4 =	sadd.s32 s21, s2  }
0x9d: {  	[timem:s6], [sflag:s22] =	dma.local [hbm:s4], s20  }
0x9e: {  	_ =	swait.ge [sflag:s22], s20  }
0x9f: {  	s3 =	ssub.s32 $0x0, s20;
	[sflag:s22] =	ssyncset.done $0x0  }
0xa0: {  	[sflag:s22] =	ssyncadd.s32 s3;
	_ =	sdelay $0x1  }
0xa1: {  	s23 =	simm.s32 $0x1B8B  }
0xa2: {  	_ =	swait.ge [sflag:s23], $0x1  }
0xa3: {  	[sflag:s23] =	ssyncset.done $0x0  }
0xa4: {  	s25 =	simm.s32 $0x1B8E;
	s24 =	sld [smem:$0x3FFE];
	[sflag:s23] =	ssyncadd.s32 $0xFFFFFFFF  }
0xa5: {  	s26 =	simm.s32 $execute0_lowered;
	[smem:$0x3FD2] =	sst s25  }
0xa6: {  	s4 =	sshll.u32 s26, $0x1;
	_ =	strace $0x8000004C;
	[dreg:$0x1] =	wrdreg $0xFFFFFFFF  }
0xa7: {  	s28 =	simm.s32 $_size_execute0_lowered;
	s2 =	sadd.s32 s2, s4;
	[dreg:$0x0] =	wrdreg $0x0  }
0xa8: {  	s4 =	sshll.u32 s28, $0x1;
	[dreg:$0x2] =	wrdreg s2  }
0xa9: {  	[dreg:$0x3] =	wrdreg s4  }
0xaa: {  	[dreg:$0x4] =	wrdreg $0xC0  }
0xab: {  	_ =	task [dreg:s6], $0x5FFFF  }
0xac: {  	[dreg:$0x1] =	wrdreg $0xFFFFFFFF  }
0xad: {  	[dreg:$0x0] =	wrdreg $0x60  }
0xae: {  	[dreg:$0x2] =	wrdreg s24  }
0xaf: {  	[dreg:$0x3] =	wrdreg $0x57000  }
0xb0: {  	[dreg:$0x4] =	wrdreg $0x9  }
0xb1: {  	_ =	task.clear_ibuf [dreg:s6], $0x5FFFF;
	_ =	strace $0x9000004C  }
0xb2: {  	s29 =	simm.s32 $0x9;
	_ =	strace $0x8000004E  }
0xb3: {  	_ =	swait.ge [sflag:s29], $0x1  }
0xb4: {  	[sflag:s29] =	ssyncadd.s32 $0xFFFFFFFF  }
0xb5: {  	_ =	strace $0x9000004E  }
0xb6: {  	_ =	sfence  }
0xb7: {  	s30 =	sld [smem:$0x0];
	_ =	sdelay $0x2  }
0xb8: {  	s31 =	sshll.u32 s1, $0xD;
	s1 =	sshrl.u32 s1, $0x2  }
0xb9: {  	s3 =	sand.u32 $0x4000, s31;
	s1 =	sadd.s32 s1, s30  }
0xba: {  	s0 =	sor.u32 s3, s0;
	s1 =	sshll.u32 s1, $0x11  }
0xbb: {  	s0 =	sor.u32 s1, s0  }
0xbc: {  	s0 =	sadd.s32 $0x8F2B, s0  }
0xbd: {  	[sflag:s0] =	ssyncadd.remote.s32 $0x1  }
0xbe: {  	_ =	sfence.sel $0xFFFF  }
0xbf: {  	[dreg:$0x0] =	wrdreg $0xFFFFFFFF;
	(pc) =	sbr.abs _section_cstart, $3  }
0xc0: {  	[dreg:$0x1] =	wrdreg $0xFFFFFFFF  }
0xc1: {  	_ =	task.clear_ibuf [dreg:s6], $0x2FFFF;
	_ =	strace $0x9FFFFFFF  }
0xc2: {  	(tm) =	ssettm $0x7FFFFFFF  }
0xc3: {  	_ =	shalt  }
tec
execute0_lowered:
.L_overlay_start_1:
0x0: {  	(tag) =	ssettag $0x1  }
0x1: {  	s5 =	rddreg [dreg:$0x0]  }
0x2: {  	s0 =	srdreg.scid;
	s2 =	rddreg [dreg:$0x1]  }
0x3: {  	s1 =	rddreg [dreg:$0x2];
	s3 =	simm.s32 $0x0;
	s21 =	simm.s32 $0x80  }
0x4: {  	s22 =	simm.s32 $0x1;
	s8 =	sand.u32 $0x1, s0;
	s0 =	stileid.u32  }
0x5: {  	s23 =	simm.s32 $0x0;
	[smem:$0x7FF] =	sst s3;
	s4 =	smul.u32 $0x27800, s8  }
0x6: {  	s16 =	sadd.s32 $0x1FA00, s5;
	s6 =	smul.u32 $0x2780, s0;
	s7 =	ssub.s32 $0x2, s8  }
0x7: {  	_ =	strace $0x8000004D;
	s11 =	smul.u32 $0x2800, s0;
	s9 =	sshrl.u32 s7, $0x1  }
0x8: {  	s18 =	smul.u32 $0x28000, s8;
	s4 =	sadd.s32 s6, s4;
	s17 =	ssub.s32 s7, s9  }
0x9: {  	s7 =	sadd.s32 s11, s2;
	s12 =	sadd.s32 $0x800, s11;
	s14 =	sadd.s32 $0x1000, s11  }
0xa: {  	s15 =	sadd.s32 $0x1800, s11;
	s19 =	sadd.s32 $0x2000, s11;
	s13 =	sadd.s32 s11, s18  }
0xb: {  	s4 =	sshrl.u32 s4, $0x3;
	s8 =	sadd.s32 s12, s2;
	s9 =	sadd.s32 s14, s2  }
0xc: {  	s10 =	sadd.s32 s15, s2;
	s12 =	sadd.s32 s18, s12;
	s11 =	sadd.s32 s19, s2  }
0xd: {  	s13 =	sshrl.u32 s13, $0x3;
	s14 =	sadd.s32 s18, s14;
	s15 =	sadd.s32 s18, s15  }
0xe: {  	s18 =	sadd.s32 s18, s19;
	s17 =	smax.u32 s17, $0x1;
	s19 =	simm.s32 $0x2780  }
0xf: {  	s31 =	sadd.s32 s4, s5;
	s4 =	sadd.s32 $0xBC00, s5;
	s20 =	sshrl.u32 s12, $0x3  }
0x10: {  	s12 =	sadd.s32 s16, s13;
	s14 =	sshrl.u32 s14, $0x3;
	s15 =	sshrl.u32 s15, $0x3  }
0x11: {  	s18 =	sshrl.u32 s18, $0x3;
	s5 =	sadd.s32 $0x15C00, s31;
	s6 =	sadd.s32 $0x1E00, s31  }
0x12: {  	s13 =	sadd.s32 s16, s20;
	s14 =	sadd.s32 s16, s14;
	s15 =	sadd.s32 s16, s15  }
0x13: {  	v0 =	vimm.f32 $0.0e+00;
	s16 =	sadd.s32 s16, s18;
	s18 =	simm.s32 $0x2;
	s20 =	simm.s32 $0x4F00  }
.LBB2_1:
0x14: {  	[tilespmem:s3], [sflag:$0x2] =	stream.linear.gather [hbm4b:s5+s3], $0x2780, $0x38;
	[tilespmem:$0x7F00] =	vst v63  }
0x15: {  	_ =	swait.ge [sflag:s18], $0x2780  }
0x16: {  	[sflag:s18] =	ssyncset.done $0x0  }
0x17: {  	[sflag:s18] =	ssyncadd.s32 $0xFFFFD880  }
0x18: {  	[tilespmem:s19], [sflag:$0x2] =	stream.linear.gather [hbm4b:s6+s3], $0x2780, $0x38;
	[tilespmem:$0x7F00] =	vst v63  }
0x19: {  	_ =	swait.ge [sflag:s18], $0x2780  }
0x1a: {  	[sflag:s18] =	ssyncset.done $0x0  }
0x1b: {  	s24 =	simm.s32 $0x40;
	s25 =	simm.s32 $0x0;
	[sflag:s18] =	ssyncadd.s32 $0xFFFFD880  }
.LBB2_2:
0x1c: {  	p0 =	sne.s32 s24, $0x1FC0;
	[tilespmem:s25+$0x4F00] =	vst v0;
	s25 =	smov.u32 s24;
	s24 =	sadd.s32 $0x40, s24  }
.Ltmp0:
0x1d: {  	(pc) =	sbr.rel @p0 .LBB2_2-.Ltmp0, $2  }
0x1e: {  	_ =	sdelay $0x2  }
0x1f: {  	s25 =	sshra.s32 s25, $0x2  }
0x20: {  	[tilespmem:s25+$0x4F00] =	vst v0  }
0x21: {  	[spmem:s7] =	stream.linear.scatter [tilespmem:s20], [sflag:$0x2], $0x800, $0x38;
	[tilespmem:$0x7F00] =	vst v63  }
0x22: {  	_ =	swait.ge [sflag:s18], $0x800  }
0x23: {  	[sflag:s18] =	ssyncset.done $0x0  }
0x24: {  	[sflag:s18] =	ssyncadd.s32 $0xFFFFF800  }
0x25: {  	[spmem:s8] =	stream.linear.scatter [tilespmem:s20], [sflag:$0x2], $0x800, $0x38;
	[tilespmem:$0x7F00] =	vst v63  }
0x26: {  	_ =	swait.ge [sflag:s18], $0x800  }
0x27: {  	[sflag:s18] =	ssyncset.done $0x0  }
0x28: {  	[sflag:s18] =	ssyncadd.s32 $0xFFFFF800  }
0x29: {  	[spmem:s9] =	stream.linear.scatter [tilespmem:s20], [sflag:$0x2], $0x800, $0x38;
	[tilespmem:$0x7F00] =	vst v63  }
0x2a: {  	_ =	swait.ge [sflag:s18], $0x800  }
0x2b: {  	[sflag:s18] =	ssyncset.done $0x0  }
0x2c: {  	[sflag:s18] =	ssyncadd.s32 $0xFFFFF800  }
0x2d: {  	[spmem:s10] =	stream.linear.scatter [tilespmem:s20], [sflag:$0x2], $0x800, $0x38;
	[tilespmem:$0x7F00] =	vst v63  }
0x2e: {  	_ =	swait.ge [sflag:s18], $0x800  }
0x2f: {  	[sflag:s18] =	ssyncset.done $0x0  }
0x30: {  	[sflag:s18] =	ssyncadd.s32 $0xFFFFF800  }
0x31: {  	[spmem:s11] =	stream.linear.scatter [tilespmem:s20], [sflag:$0x2], $0x800, $0x38;
	[tilespmem:$0x7F00] =	vst v63  }
0x32: {  	_ =	swait.ge [sflag:s18], $0x800  }
0x33: {  	[sflag:s18] =	ssyncset.done $0x0  }
0x34: {  	[sflag:s18] =	ssyncadd.s32 $0xFFFFF800  }
0x35: {  	s24 =	simm.s32 $0x0;
	[bflag:$0x0] =	sbarrier.arrive $0xFFFF  }
0x36: {  	[tilespmem:s20], [sflag:$0x1] =	stream.indirect.gather [hbm4b:s4+s21], $0x10, s24, s21, $0xb8;
	[tilespmem:$0x7F00] =	vst v63  }
0x37: {  	_ =	swait.ge [sflag:s22], $0x800  }
0x38: {  	[sflag:s22] =	ssyncset.done $0x0  }
0x39: {  	s31 =	simm.s32 $0x2780;
	[sflag:s22] =	ssyncadd.s32 $0xFFFFF800  }
0x3a: {  	[spmem:s2] =	stream.indirect.scatter.add.f32 [tilespmem:s20], [sflag:$0x2], $0x10, s31, s21, $0xb8;
	[tilespmem:$0x7F00] =	vst v63  }
0x3b: {  	_ =	swait.ge [sflag:s18], $0x800  }
0x3c: {  	s25 =	simm.s32 $0x400;
	s24 =	simm.s32 $0x200;
	[sflag:s18] =	ssyncset.done $0x0  }
.LBB2_4:
0x3d: {  	s26 =	sshra.s32 s24, $0x2  }
0x3e: {  	[sflag:s18] =	ssyncadd.s32 $0xFFFFF800;
	s24 =	smov.u32 s25;
	s28 =	sadd.s32 $0x200, s25  }
0x3f: {  	[tilespmem:s20], [sflag:$0x1] =	stream.indirect.gather [hbm4b:s4+s21], $0x10, s26, s21, $0xb8;
	[tilespmem:$0x7F00] =	vst v63  }
0x40: {  	p0 =	sne.s32 s25, $0x9C00;
	_ =	swait.ge [sflag:s22], $0x800  }
.Ltmp1:
0x41: {  	[sflag:s22] =	ssyncset.done $0x0;
	(pc) =	sbr.rel @p0 .LBB2_4-.Ltmp1, $4  }
0x42: {  	s25 =	sadd.s32 $0x2780, s26;
	[sflag:s22] =	ssyncadd.s32 $0xFFFFF800  }
0x43: {  	[spmem:s2] =	stream.indirect.scatter.add.f32 [tilespmem:s20], [sflag:$0x2], $0x10, s25, s21, $0xb8;
	[tilespmem:$0x7F00] =	vst v63  }
0x44: {  	_ =	swait.ge [sflag:s18], $0x800  }
0x45: {  	s25 =	smov.u32 s28;
	[sflag:s18] =	ssyncset.done $0x0  }
0x46: {  	s24 =	sshra.s32 s24, $0x2;
	[sflag:s18] =	ssyncadd.s32 $0xFFFFF800  }
0x47: {  	[tilespmem:s20], [sflag:$0x1] =	stream.indirect.gather [hbm4b:s4+s21], $0x10, s24, s21, $0xb8;
	[tilespmem:$0x7F00] =	vst v63  }
0x48: {  	_ =	swait.ge [sflag:s22], $0x800  }
0x49: {  	[sflag:s22] =	ssyncset.done $0x0  }
0x4a: {  	s24 =	sadd.s32 $0x2780, s24;
	[sflag:s22] =	ssyncadd.s32 $0xFFFFF800  }
0x4b: {  	[spmem:s2] =	stream.indirect.scatter.add.f32 [tilespmem:s20], [sflag:$0x2], $0x10, s24, s21, $0xb8;
	[tilespmem:$0x7F00] =	vst v63  }
0x4c: {  	_ =	swait.ge [sflag:s18], $0x800  }
0x4d: {  	[sflag:s18] =	ssyncset.done $0x0  }
0x4e: {  	[sflag:s18] =	ssyncadd.s32 $0xFFFFF800  }
0x4f: {  	[bflag:$0x0] =	sbarrier.arrive $0xFFFF  }
0x50: {  	[tilespmem:s20], [sflag:$0x2] =	stream.linear.gather [spmem:s7], $0x800, $0x38;
	[tilespmem:$0x7F00] =	vst v63  }
0x51: {  	_ =	swait.ge [sflag:s18], $0x800  }
0x52: {  	[sflag:s18] =	ssyncset.done $0x0  }
0x53: {  	[sflag:s18] =	ssyncadd.s32 $0xFFFFF800  }
0x54: {  	[hbm4b:s12+s3] =	stream.linear.scatter [tilespmem:s20], [sflag:$0x2], $0x800, $0x38;
	[tilespmem:$0x7F00] =	vst v63  }
0x55: {  	_ =	swait.ge [sflag:s18], $0x800  }
0x56: {  	[sflag:s18] =	ssyncset.done $0x0  }
0x57: {  	[sflag:s18] =	ssyncadd.s32 $0xFFFFF800  }
0x58: {  	[tilespmem:s20], [sflag:$0x2] =	stream.linear.gather [spmem:s8], $0x800, $0x38;
	[tilespmem:$0x7F00] =	vst v63  }
0x59: {  	_ =	swait.ge [sflag:s18], $0x800  }
0x5a: {  	[sflag:s18] =	ssyncset.done $0x0  }
0x5b: {  	[sflag:s18] =	ssyncadd.s32 $0xFFFFF800  }
0x5c: {  	[hbm4b:s13+s3] =	stream.linear.scatter [tilespmem:s20], [sflag:$0x2], $0x800, $0x38;
	[tilespmem:$0x7F00] =	vst v63  }
0x5d: {  	_ =	swait.ge [sflag:s18], $0x800  }
0x5e: {  	[sflag:s18] =	ssyncset.done $0x0  }
0x5f: {  	[sflag:s18] =	ssyncadd.s32 $0xFFFFF800  }
0x60: {  	[tilespmem:s20], [sflag:$0x2] =	stream.linear.gather [spmem:s9], $0x800, $0x38;
	[tilespmem:$0x7F00] =	vst v63  }
0x61: {  	_ =	swait.ge [sflag:s18], $0x800  }
0x62: {  	[sflag:s18] =	ssyncset.done $0x0  }
0x63: {  	[sflag:s18] =	ssyncadd.s32 $0xFFFFF800  }
0x64: {  	[hbm4b:s14+s3] =	stream.linear.scatter [tilespmem:s20], [sflag:$0x2], $0x800, $0x38;
	[tilespmem:$0x7F00] =	vst v63  }
0x65: {  	_ =	swait.ge [sflag:s18], $0x800  }
0x66: {  	[sflag:s18] =	ssyncset.done $0x0  }
0x67: {  	[sflag:s18] =	ssyncadd.s32 $0xFFFFF800  }
0x68: {  	[tilespmem:s20], [sflag:$0x2] =	stream.linear.gather [spmem:s10], $0x800, $0x38;
	[tilespmem:$0x7F00] =	vst v63  }
0x69: {  	_ =	swait.ge [sflag:s18], $0x800  }
0x6a: {  	[sflag:s18] =	ssyncset.done $0x0  }
0x6b: {  	[sflag:s18] =	ssyncadd.s32 $0xFFFFF800  }
0x6c: {  	[hbm4b:s15+s3] =	stream.linear.scatter [tilespmem:s20], [sflag:$0x2], $0x800, $0x38;
	[tilespmem:$0x7F00] =	vst v63  }
0x6d: {  	_ =	swait.ge [sflag:s18], $0x800  }
0x6e: {  	[sflag:s18] =	ssyncset.done $0x0  }
0x6f: {  	[sflag:s18] =	ssyncadd.s32 $0xFFFFF800  }
0x70: {  	[tilespmem:s20], [sflag:$0x2] =	stream.linear.gather [spmem:s11], $0x800, $0x38;
	[tilespmem:$0x7F00] =	vst v63  }
0x71: {  	s23 =	sadd.s32 $0x1, s23;
	_ =	swait.ge [sflag:s18], $0x800  }
0x72: {  	p0 =	sne.s32 s23, s17;
	[sflag:s18] =	ssyncset.done $0x0  }
.Ltmp2:
0x73: {  	[sflag:s18] =	ssyncadd.s32 $0xFFFFF800;
	(pc) =	sbr.rel @p0 .LBB2_1-.Ltmp2, $4  }
0x74: {  	[hbm4b:s16+s3] =	stream.linear.scatter [tilespmem:s20], [sflag:$0x2], $0x800, $0x38;
	[tilespmem:$0x7F00] =	vst v63  }
0x75: {  	_ =	swait.ge [sflag:s18], $0x800  }
0x76: {  	[sflag:s18] =	ssyncset.done $0x0  }
0x77: {  	[sflag:s18] =	ssyncadd.s32 $0xFFFFF800  }
0x78: {  	_ =	sfence.sel $0x180000  }
0x79: {  	[bflag:$0x0] =	sbarrier.arrive $0xFFFF  }
0x7a: {  	p0 =	sne.s32 s0, $0x0;
	_ =	strace $0x9000004D  }
0x7b: {  	s0 =	sadd.s32 @!p0 $0x100000, s1;
	[bflag:$0x2] =	sbarrier.arrive $0xFFFF  }
0x7c: {  	[sflag:s0] =	ssyncadd.tile.s32 @!p0 $0x1;
	_ =	shalt  }
.Lfunc_end2:
_tile_overlayer_lowered:
.L_overlay_start_2:
0x7d: {  	(tag) =	ssettag $0x2  }
0x7e: {  	s0 =	rddreg [dreg:$0x0];
	s2 =	stileid.u32  }
0x7f: {  	s1 =	rddreg [dreg:$0x1];
	p0 =	sne.s32 s2, $0x0  }
0x80: {  	s3 =	rddreg [dreg:$0x2];
	[bflag:$0x3] =	sbarrier.arrive $0xFFFF;
	s2 =	simm.s32 @!p0 $0x1C02  }
0x81: {  	[timem:s3], [sflag:s2] =	dma.local @!p0 [hbm:s0], s1  }
0x82: {  	s0 =	simm.s32 @!p0 $0x2  }
0x83: {  	_ =	swait.ge @!p0 [sflag:s0], s1  }
0x84: {  	s1 =	ssub.s32 @!p0 $0x0, s1;
	[sflag:s0] =	ssyncset.done @!p0 $0x0  }
0x85: {  	[sflag:s0] =	ssyncadd.s32 @!p0 s1  }
0x86: {  	[bflag:$0x3] =	sbarrier.arrive $0xFFFF  }
0x87: {  	_ =	shalt  }

// kernel: kernel.9.cloned.1.call-start
scs
__scs_entry_jumppad:
0x0: {  	(pc) =	sbr.rel $0x88, $3  }
0x1: {  	(tag) =	ssettag $0x0;
	lr =	simm.s32 $0x1  }
0x2: {  	[smem:$0x3F9B] =	sst lr;
	_ =	strace $0xD0000000  }
0x3: {  	_ = 	snop  }
0x4: {  	_ = 	snop  }
0x5: {  	_ = 	snop  }
0x6: {  	_ = 	snop  }
0x7: {  	_ = 	snop  }
__scs_overlays_trampoline_lowered:
0x8: {  	[smem:$0x3FAA] =	sst s0  }
0x9: {  	[smem:$0x3FAB] =	sst s1  }
0xa: {  	[smem:$0x3FAC] =	sst s2  }
0xb: {  	[smem:$0x3FAD] =	sst s3  }
0xc: {  	[smem:$0x3FAE] =	sst s4  }
0xd: {  	[smem:$0x3FAF] =	sst s5  }
0xe: {  	[smem:$0x3FB0] =	sst s6  }
0xf: {  	[smem:$0x3FB1] =	sst s7  }
0x10: {  	[smem:$0x3FB2] =	sst s8  }
0x11: {  	[smem:$0x3FB3] =	sst s9;
	s0 =	simm.s32 @!p0 $0x0  }
0x12: {  	s1 =	sld [smem:$0x3F99];
	s0 =	simm.s32 @p0 $0x1  }
0x13: {  	[smem:$0x3FB4] =	sst s0;
	s0 =	simm.s32 @!p1 $0x0  }
0x14: {  	s2 =	sld [smem:$0x3F98];
	s0 =	simm.s32 @p1 $0x1  }
0x15: {  	[smem:$0x3FB5] =	sst s0;
	s0 =	simm.s32 @!p2 $0x0  }
0x16: {  	s3 =	sld [smem:$0x3FDB];
	s0 =	simm.s32 @p2 $0x1  }
0x17: {  	s4 =	simm.s32 $0x1BF5;
	[smem:$0x3FB7] =	sst s0  }
0x18: {  	s0 =	sld [smem:$0x3F9A];
	_ =	swait.ge [sflag:s4], $0x0  }
0x19: {  	s7 =	sld [smem:$0x3F9B]  }
0x1a: {  	s8 =	sadd.s32 $0xFFFFE003, lr  }
0x1b: {  	s9 =	sadd.s32 $0xFFFFFEF7, lr;
	s5 =	simm.s32 $0xFFFFFFFF;
	p2 =	slt.u32 s8, $0xFFFFF086  }
0x1c: {  	p1 =	slt.u32 s9, $0xF7A;
	s5 =	simm.s32 @!p2 $0x0  }
0x1d: {  	s5 =	simm.s32 @p1 $0x1;
	p0 =	seq.s32 s7, s2  }
0x1e: {  	s7 =	smul.u32 @!p0 $0xF7A, s2;
	p2 =	seq.s32 @!p0 s5, $0x0  }
0x1f: {  	s9 =	smul.u32 $0xF7A, s1;
	s8 =	simm.s32 @!p0 $0x1BF5;
	p2 =	por !p2, p0  }
0x20: {  	[sflag:s8] =	ssyncset.s32 @!p0 $0xFFFFF086;
	s6 =	sadd.s32 @!p0 s3, s7;
	s7 =	simm.s32 @!p0 $0x108  }
0x21: {  	s3 =	sadd.s32 s3, s9;
	s6 =	sadd.s32 @!p0 $0x88, s6;
	s7 =	simm.s32 @p2 $0x1082  }
0x22: {  	[simem:s7], [sflag:s8] =	dma.local @!p0 [hbm:s6], $0xF7A  }
0x23: {  	s9 =	sor.u32 $0xD0000000, s2;
	s6 =	simm.s32 $0x108;
	_ =	swait.ge @!p0 [sflag:s8], $0x0  }
0x24: {  	s3 =	sadd.s32 $0x88, s3;
	s6 =	simm.s32 @!p1 $0x1082;
	[sflag:s4] =	ssyncset.s32 $0xFFFFF086  }
0x25: {  	[simem:s6], [sflag:s4] =	dma.local [hbm:s3], $0xF7A  }
0x26: {  	[smem:$0x3F9B] =	sst s1;
	(tag) =	ssettag s2;
	_ =	strace s9  }
0x27: {  	s1 =	sld [smem:$0x3FAB]  }
0x28: {  	s2 =	sld [smem:$0x3FAC]  }
0x29: {  	s4 =	sld [smem:$0x3FAE]  }
0x2a: {  	p0 =	seq.s32 s5, $0x0;
	s5 =	sld [smem:$0x3FAF]  }
0x2b: {  	s6 =	sld [smem:$0x3FB0]  }
0x2c: {  	s7 =	sld [smem:$0x3FB1]  }
0x2d: {  	s3 =	simm.s32 $0x108;
	s8 =	sld [smem:$0x3FB2]  }
0x2e: {  	s3 =	simm.s32 @!p0 $0x1082;
	s9 =	sld [smem:$0x3FB3]  }
0x2f: {  	lr =	sadd.s32 s0, s3;
	s0 =	sld [smem:$0x3FAA]  }
0x30: {  	s3 =	sld [smem:$0x3FAD]  }
0x31: {  	[smem:$0x3FB6] =	sst s10  }
0x32: {  	s10 =	sld [smem:$0x3FB4];
	_ =	sdelay $0x3  }
0x33: {  	p0 =	seq.s32 s10, $0x1;
	s10 =	sld [smem:$0x3FB6];
	_ =	sdelay $0x3  }
0x34: {  	[smem:$0x3FB6] =	sst s10  }
0x35: {  	s10 =	sld [smem:$0x3FB5];
	_ =	sdelay $0x3  }
0x36: {  	p1 =	seq.s32 s10, $0x1;
	s10 =	sld [smem:$0x3FB6];
	_ =	sdelay $0x3  }
0x37: {  	[smem:$0x3FB6] =	sst s10  }
0x38: {  	s10 =	sld [smem:$0x3FB7]  }
0x39: {  	_ = 	snop;
	(pc) =	sbr.ind lr, $3  }
0x3a: {  	_ = 	snop  }
0x3b: {  	_ = 	snop  }
0x3c: {  	p2 =	seq.s32 s10, $0x1;
	s10 =	sld [smem:$0x3FB6]  }
0x3d: {  	_ =	shalt  }
0x3e: {  	_ =	shalt  }
0x3f: {  	_ =	shalt  }
0x40: {  	_ =	shalt  }
0x41: {  	_ =	shalt  }
0x42: {  	_ =	shalt  }
0x43: {  	_ =	shalt  }
0x44: {  	_ =	shalt  }
0x45: {  	_ =	shalt  }
0x46: {  	_ =	shalt  }
0x47: {  	_ =	shalt  }
0x48: {  	_ =	shalt  }
0x49: {  	_ =	shalt  }
0x4a: {  	_ =	shalt  }
0x4b: {  	_ =	shalt  }
0x4c: {  	_ =	shalt  }
0x4d: {  	_ =	shalt  }
0x4e: {  	_ =	shalt  }
0x4f: {  	_ =	shalt  }
0x50: {  	_ =	shalt  }
0x51: {  	_ =	shalt  }
0x52: {  	_ =	shalt  }
0x53: {  	_ =	shalt  }
0x54: {  	_ =	shalt  }
0x55: {  	_ =	shalt  }
0x56: {  	_ =	shalt  }
0x57: {  	_ =	shalt  }
0x58: {  	_ =	shalt  }
0x59: {  	_ =	shalt  }
0x5a: {  	_ =	shalt  }
0x5b: {  	_ =	shalt  }
0x5c: {  	_ =	shalt  }
0x5d: {  	_ =	shalt  }
0x5e: {  	_ =	shalt  }
0x5f: {  	_ =	shalt  }
0x60: {  	_ =	shalt  }
0x61: {  	_ =	shalt  }
0x62: {  	_ =	shalt  }
0x63: {  	_ =	shalt  }
0x64: {  	_ =	shalt  }
0x65: {  	_ =	shalt  }
0x66: {  	_ =	shalt  }
0x67: {  	_ =	shalt  }
0x68: {  	_ =	shalt  }
0x69: {  	_ =	shalt  }
0x6a: {  	_ =	shalt  }
0x6b: {  	_ =	shalt  }
0x6c: {  	_ =	shalt  }
0x6d: {  	_ =	shalt  }
0x6e: {  	_ =	shalt  }
0x6f: {  	_ =	shalt  }
0x70: {  	_ =	shalt  }
0x71: {  	_ =	shalt  }
0x72: {  	_ =	shalt  }
0x73: {  	_ =	shalt  }
0x74: {  	_ =	shalt  }
0x75: {  	_ =	shalt  }
0x76: {  	_ =	shalt  }
0x77: {  	_ =	shalt  }
0x78: {  	_ =	shalt  }
0x79: {  	_ =	shalt  }
0x7a: {  	_ =	shalt  }
0x7b: {  	_ =	shalt  }
0x7c: {  	_ =	shalt  }
0x7d: {  	_ =	shalt  }
0x7e: {  	_ =	shalt  }
0x7f: {  	_ =	shalt  }
0x80: {  	_ =	shalt  }
0x81: {  	_ =	shalt  }
0x82: {  	_ =	shalt  }
0x83: {  	_ =	shalt  }
0x84: {  	_ =	shalt  }
0x85: {  	_ =	shalt  }
0x86: {  	_ =	shalt  }
0x87: {  	_ =	shalt  }
.Lfunc_end0:
.L_simem_size_0:
called_computation_lowered:
.L_overlay_start_0:
0x88: {  	s2 =	sld [smem:$0x3FD9]  }
0x89: {  	s3 =	sld [smem:$0x3FFE];
	_ =	sdelay $0x1  }
0x8a: {  	s1 =	srdreg.scid  }
0x8b: {  	s0 =	sand.u32 $0x1, s1  }
0x8c: {  	s16 =	sshll.u32 s0, $0xA;
	s2 =	sadd.s32 s3, s2  }
0x8d: {  	s2 =	sadd.s32 s2, s16  }
0x8e: {  	[smem:$0x3FC2] =	sst s2  }
0x8f: {  	_ = 	snop  }
0x90: {  	(tm) =	ssettm $0x1  }
0x91: {  	s17 =	sld [smem:$0x3FFB];
	_ =	sdelay $0x3  }
0x92: {  	_ =	strace s17  }
0x93: {  	s2 =	sld [smem:$0x3FFC];
	_ =	sdelay $0x3  }
0x94: {  	_ =	strace s2  }
0x95: {  	s2 =	sld [smem:$0x3FFD];
	_ =	sdelay $0x3  }
0x96: {  	_ =	strace s2  }
0x97: {  	_ =	strace $0x8FFFFFFF  }
0x98: {  	s18 =	sld [smem:$0x3FDB];
	_ =	sdelay $0x1  }
0x99: {  	s19 =	simm.s32 $_scs_section_size  }
0x9a: {  	s4 =	simm.s32 $_size__tile_overlayer_lowered;
	s5 =	simm.s32 $_tile_overlayer_lowered  }
0x9b: {  	s22 =	simm.s32 $0x1BFF;
	s21 =	sshll.u32 s5, $0x1;
	s2 =	sadd.s32 s19, s18  }
0x9c: {  	s6 =	simm.s32 $0x0;
	s20 =	sshll.u32 s4, $0x1;
	s4 =	sadd.s32 s21, s2  }
0x9d: {  	[timem:s6], [sflag:s22] =	dma.local [hbm:s4], s20  }
0x9e: {  	_ =	swait.ge [sflag:s22], s20  }
0x9f: {  	s3 =	ssub.s32 $0x0, s20;
	[sflag:s22] =	ssyncset.done $0x0  }
0xa0: {  	[sflag:s22] =	ssyncadd.s32 s3;
	_ =	sdelay $0x1  }
0xa1: {  	s23 =	simm.s32 $0x1B8B  }
0xa2: {  	_ =	swait.ge [sflag:s23], $0x1  }
0xa3: {  	[sflag:s23] =	ssyncset.done $0x0  }
0xa4: {  	s25 =	simm.s32 $0x1B8E;
	s24 =	sld [smem:$0x3FFE];
	[sflag:s23] =	ssyncadd.s32 $0xFFFFFFFF  }
0xa5: {  	s26 =	simm.s32 $execute0_lowered;
	[smem:$0x3FD2] =	sst s25  }
0xa6: {  	s4 =	sshll.u32 s26, $0x1;
	_ =	strace $0x80000046;
	[dreg:$0x1] =	wrdreg $0xFFFFFFFF  }
0xa7: {  	s28 =	simm.s32 $_size_execute0_lowered;
	s2 =	sadd.s32 s2, s4;
	[dreg:$0x0] =	wrdreg $0x0  }
0xa8: {  	s4 =	sshll.u32 s28, $0x1;
	[dreg:$0x2] =	wrdreg s2  }
0xa9: {  	[dreg:$0x3] =	wrdreg s4  }
0xaa: {  	[dreg:$0x4] =	wrdreg $0xC0  }
0xab: {  	_ =	task [dreg:s6], $0x5FFFF  }
0xac: {  	[dreg:$0x1] =	wrdreg $0xFFFFFFFF  }
0xad: {  	[dreg:$0x0] =	wrdreg $0x60  }
0xae: {  	[dreg:$0x2] =	wrdreg s24  }
0xaf: {  	[dreg:$0x3] =	wrdreg $0x37800  }
0xb0: {  	[dreg:$0x4] =	wrdreg $0x9  }
0xb1: {  	_ =	task.clear_ibuf [dreg:s6], $0x5FFFF;
	_ =	strace $0x90000046  }
0xb2: {  	s29 =	simm.s32 $0x9;
	_ =	strace $0x80000048  }
0xb3: {  	_ =	swait.ge [sflag:s29], $0x1  }
0xb4: {  	[sflag:s29] =	ssyncadd.s32 $0xFFFFFFFF  }
0xb5: {  	_ =	strace $0x90000048  }
0xb6: {  	_ =	sfence  }
0xb7: {  	s30 =	sld [smem:$0x0];
	_ =	sdelay $0x2  }
0xb8: {  	s31 =	sshll.u32 s1, $0xD;
	s1 =	sshrl.u32 s1, $0x2  }
0xb9: {  	s3 =	sand.u32 $0x4000, s31;
	s1 =	sadd.s32 s1, s30  }
0xba: {  	s0 =	sor.u32 s3, s0;
	s1 =	sshll.u32 s1, $0x11  }
0xbb: {  	s0 =	sor.u32 s1, s0  }
0xbc: {  	s0 =	sadd.s32 $0x8F2B, s0  }
0xbd: {  	[sflag:s0] =	ssyncadd.remote.s32 $0x1  }
0xbe: {  	_ =	sfence.sel $0xFFFF  }
0xbf: {  	[dreg:$0x0] =	wrdreg $0xFFFFFFFF;
	(pc) =	sbr.abs _section_cstart, $3  }
0xc0: {  	[dreg:$0x1] =	wrdreg $0xFFFFFFFF  }
0xc1: {  	_ =	task.clear_ibuf [dreg:s6], $0x2FFFF;
	_ =	strace $0x9FFFFFFF  }
0xc2: {  	(tm) =	ssettm $0x7FFFFFFF  }
0xc3: {  	_ =	shalt  }
tec
execute0_lowered:
.L_overlay_start_1:
0x0: {  	(tag) =	ssettag $0x1  }
0x1: {  	s4 =	rddreg [dreg:$0x0]  }
0x2: {  	s0 =	srdreg.scid;
	s2 =	rddreg [dreg:$0x1]  }
0x3: {  	s1 =	stileid.u32;
	s3 =	simm.s32 $0x0;
	s19 =	simm.s32 $0x2780  }
0x4: {  	s6 =	sand.u32 $0x1, s0;
	s0 =	rddreg [dreg:$0x2];
	s7 =	smul.u32 $0x2780, s1  }
0x5: {  	s20 =	simm.s32 $0x0;
	[smem:$0x7FF] =	sst s3;
	s9 =	smul.u32 $0x2800, s1  }
0x6: {  	s14 =	sadd.s32 $0xBC00, s4;
	s5 =	smul.u32 $0x27800, s6;
	s30 =	ssub.s32 $0x2, s6  }
0x7: {  	_ =	strace $0x80000047;
	s13 =	smul.u32 $0x28000, s6;
	s31 =	sshrl.u32 s30, $0x1  }
0x8: {  	s10 =	sadd.s32 $0x800, s9;
	s12 =	sadd.s32 $0x1000, s9;
	s16 =	sadd.s32 $0x1800, s9  }
0x9: {  	s17 =	sadd.s32 $0x2000, s9;
	s5 =	sadd.s32 s7, s5;
	s15 =	ssub.s32 s30, s31  }
0xa: {  	s6 =	sadd.s32 s10, s2;
	s7 =	sadd.s32 s12, s2;
	s8 =	sadd.s32 s16, s2  }
0xb: {  	s11 =	sadd.s32 s9, s13;
	s10 =	sadd.s32 s13, s10;
	s12 =	sadd.s32 s13, s12  }
0xc: {  	s16 =	sadd.s32 s13, s16;
	s13 =	sadd.s32 s13, s17;
	s5 =	sshrl.u32 s5, $0x3  }
0xd: {  	s11 =	sshrl.u32 s11, $0x3;
	s18 =	sshrl.u32 s10, $0x3;
	s12 =	sshrl.u32 s12, $0x3  }
0xe: {  	s16 =	sshrl.u32 s16, $0x3;
	s15 =	smax.u32 s15, $0x1;
	s5 =	sadd.s32 s5, s4  }
0xf: {  	s10 =	sadd.s32 s14, s11;
	s11 =	sadd.s32 s14, s18;
	s12 =	sadd.s32 s14, s12  }
0x10: {  	s18 =	simm.s32 $0x80;
	s4 =	sadd.s32 $0x1E00, s5;
	s5 =	sadd.s32 s9, s2  }
0x11: {  	s9 =	sadd.s32 s17, s2;
	s17 =	sshrl.u32 s13, $0x3;
	s13 =	sadd.s32 s14, s16  }
0x12: {  	v0 =	vimm.f32 $1.000000000e+00;
	v1 =	vimm.f32 $0.0e+00;
	s16 =	simm.s32 $0x1;
	s14 =	sadd.s32 s14, s17;
	s17 =	simm.s32 $0x2F80  }
.LBB2_1:
0x13: {  	[tilespmem:s3], [sflag:$0x1] =	stream.linear.gather [hbm4b:s4+s3], $0x2780, $0x38;
	[tilespmem:$0x5F80] =	vst v63  }
0x14: {  	_ =	swait.ge [sflag:s16], $0x2780  }
0x15: {  	[sflag:s16] =	ssyncset.done $0x0  }
0x16: {  	s21 =	simm.s32 $0x0;
	[sflag:s16] =	ssyncadd.s32 $0xFFFFD880  }
.LBB2_2:
0x17: {  	p0 =	sne.s32 s21, $0x1FC0  }
.Ltmp0:
0x18: {  	_ = 	snop;
	(pc) =	sbr.rel @p0 .LBB2_2-.Ltmp0, $3  }
0x19: {  	_ =	sdelay $0x1  }
0x1a: {  	s22 =	sshra.s32 s21, $0x2  }
0x1b: {  	s21 =	sadd.s32 $0x40, s21;
	[tilespmem:s22+$0x2780] =	vst v0  }
0x1c: {  	s21 =	simm.s32 $0x40;
	s22 =	simm.s32 $0x0  }
.LBB2_4:
0x1d: {  	p0 =	sne.s32 s21, $0x1FC0;
	[tilespmem:s22+$0x2F80] =	vst v1;
	s22 =	smov.u32 s21;
	s21 =	sadd.s32 $0x40, s21  }
.Ltmp1:
0x1e: {  	(pc) =	sbr.rel @p0 .LBB2_4-.Ltmp1, $2  }
0x1f: {  	_ =	sdelay $0x2  }
0x20: {  	s22 =	sshra.s32 s22, $0x2  }
0x21: {  	[tilespmem:s22+$0x2F80] =	vst v1  }
0x22: {  	[spmem:s5] =	stream.linear.scatter [tilespmem:s17], [sflag:$0x1], $0x800, $0x38;
	[tilespmem:$0x5F80] =	vst v63  }
0x23: {  	_ =	swait.ge [sflag:s16], $0x800  }
0x24: {  	[sflag:s16] =	ssyncset.done $0x0  }
0x25: {  	[sflag:s16] =	ssyncadd.s32 $0xFFFFF800  }
0x26: {  	[spmem:s6] =	stream.linear.scatter [tilespmem:s17], [sflag:$0x1], $0x800, $0x38;
	[tilespmem:$0x5F80] =	vst v63  }
0x27: {  	_ =	swait.ge [sflag:s16], $0x800  }
0x28: {  	[sflag:s16] =	ssyncset.done $0x0  }
0x29: {  	[sflag:s16] =	ssyncadd.s32 $0xFFFFF800  }
0x2a: {  	[spmem:s7] =	stream.linear.scatter [tilespmem:s17], [sflag:$0x1], $0x800, $0x38;
	[tilespmem:$0x5F80] =	vst v63  }
0x2b: {  	_ =	swait.ge [sflag:s16], $0x800  }
0x2c: {  	[sflag:s16] =	ssyncset.done $0x0  }
0x2d: {  	[sflag:s16] =	ssyncadd.s32 $0xFFFFF800  }
0x2e: {  	[spmem:s8] =	stream.linear.scatter [tilespmem:s17], [sflag:$0x1], $0x800, $0x38;
	[tilespmem:$0x5F80] =	vst v63  }
0x2f: {  	_ =	swait.ge [sflag:s16], $0x800  }
0x30: {  	[sflag:s16] =	ssyncset.done $0x0  }
0x31: {  	[sflag:s16] =	ssyncadd.s32 $0xFFFFF800  }
0x32: {  	[spmem:s9] =	stream.linear.scatter [tilespmem:s17], [sflag:$0x1], $0x800, $0x38;
	[tilespmem:$0x5F80] =	vst v63  }
0x33: {  	_ =	swait.ge [sflag:s16], $0x800  }
0x34: {  	[sflag:s16] =	ssyncset.done $0x0  }
0x35: {  	[sflag:s16] =	ssyncadd.s32 $0xFFFFF800  }
0x36: {  	s21 =	simm.s32 $0x0;
	[bflag:$0x0] =	sbarrier.arrive $0xFFFF  }
0x37: {  	[spmem:s2] =	stream.indirect.scatter.add.f32 [tilespmem:s19], [sflag:$0x1], $0x10, s21, s18, $0xb8;
	[tilespmem:$0x5F80] =	vst v63  }
0x38: {  	_ =	swait.ge [sflag:s16], $0x800  }
0x39: {  	s21 =	simm.s32 $0x200;
	[sflag:s16] =	ssyncset.done $0x0  }
.LBB2_6:
0x3a: {  	s22 =	sshra.s32 s21, $0x2;
	[sflag:s16] =	ssyncadd.s32 $0xFFFFF800;
	p0 =	sne.s32 s21, $0x9C00  }
0x3b: {  	[spmem:s2] =	stream.indirect.scatter.add.f32 [tilespmem:s19], [sflag:$0x1], $0x10, s22, s18, $0xb8;
	[tilespmem:$0x5F80] =	vst v63  }
.Ltmp2:
0x3c: {  	_ = 	snop;
	(pc) =	sbr.rel @p0 .LBB2_6-.Ltmp2, $4  }
0x3d: {  	_ = 	snop  }
0x3e: {  	s21 =	sadd.s32 $0x200, s21  }
0x3f: {  	_ =	swait.ge [sflag:s16], $0x800  }
0x40: {  	[sflag:s16] =	ssyncset.done $0x0  }
0x41: {  	[sflag:s16] =	ssyncadd.s32 $0xFFFFF800  }
0x42: {  	[bflag:$0x0] =	sbarrier.arrive $0xFFFF  }
0x43: {  	[tilespmem:s17], [sflag:$0x1] =	stream.linear.gather [spmem:s5], $0x800, $0x38;
	[tilespmem:$0x5F80] =	vst v63  }
0x44: {  	_ =	swait.ge [sflag:s16], $0x800  }
0x45: {  	[sflag:s16] =	ssyncset.done $0x0  }
0x46: {  	[sflag:s16] =	ssyncadd.s32 $0xFFFFF800  }
0x47: {  	[hbm4b:s10+s3] =	stream.linear.scatter [tilespmem:s17], [sflag:$0x1], $0x800, $0x38;
	[tilespmem:$0x5F80] =	vst v63  }
0x48: {  	_ =	swait.ge [sflag:s16], $0x800  }
0x49: {  	[sflag:s16] =	ssyncset.done $0x0  }
0x4a: {  	[sflag:s16] =	ssyncadd.s32 $0xFFFFF800  }
0x4b: {  	[tilespmem:s17], [sflag:$0x1] =	stream.linear.gather [spmem:s6], $0x800, $0x38;
	[tilespmem:$0x5F80] =	vst v63  }
0x4c: {  	_ =	swait.ge [sflag:s16], $0x800  }
0x4d: {  	[sflag:s16] =	ssyncset.done $0x0  }
0x4e: {  	[sflag:s16] =	ssyncadd.s32 $0xFFFFF800  }
0x4f: {  	[hbm4b:s11+s3] =	stream.linear.scatter [tilespmem:s17], [sflag:$0x1], $0x800, $0x38;
	[tilespmem:$0x5F80] =	vst v63  }
0x50: {  	_ =	swait.ge [sflag:s16], $0x800  }
0x51: {  	[sflag:s16] =	ssyncset.done $0x0  }
0x52: {  	[sflag:s16] =	ssyncadd.s32 $0xFFFFF800  }
0x53: {  	[tilespmem:s17], [sflag:$0x1] =	stream.linear.gather [spmem:s7], $0x800, $0x38;
	[tilespmem:$0x5F80] =	vst v63  }
0x54: {  	_ =	swait.ge [sflag:s16], $0x800  }
0x55: {  	[sflag:s16] =	ssyncset.done $0x0  }
0x56: {  	[sflag:s16] =	ssyncadd.s32 $0xFFFFF800  }
0x57: {  	[hbm4b:s12+s3] =	stream.linear.scatter [tilespmem:s17], [sflag:$0x1], $0x800, $0x38;
	[tilespmem:$0x5F80] =	vst v63  }
0x58: {  	_ =	swait.ge [sflag:s16], $0x800  }
0x59: {  	[sflag:s16] =	ssyncset.done $0x0  }
0x5a: {  	[sflag:s16] =	ssyncadd.s32 $0xFFFFF800  }
0x5b: {  	[tilespmem:s17], [sflag:$0x1] =	stream.linear.gather [spmem:s8], $0x800, $0x38;
	[tilespmem:$0x5F80] =	vst v63  }
0x5c: {  	_ =	swait.ge [sflag:s16], $0x800  }
0x5d: {  	[sflag:s16] =	ssyncset.done $0x0  }
0x5e: {  	[sflag:s16] =	ssyncadd.s32 $0xFFFFF800  }
0x5f: {  	[hbm4b:s13+s3] =	stream.linear.scatter [tilespmem:s17], [sflag:$0x1], $0x800, $0x38;
	[tilespmem:$0x5F80] =	vst v63  }
0x60: {  	_ =	swait.ge [sflag:s16], $0x800  }
0x61: {  	[sflag:s16] =	ssyncset.done $0x0  }
0x62: {  	[sflag:s16] =	ssyncadd.s32 $0xFFFFF800  }
0x63: {  	[tilespmem:s17], [sflag:$0x1] =	stream.linear.gather [spmem:s9], $0x800, $0x38;
	[tilespmem:$0x5F80] =	vst v63  }
0x64: {  	s20 =	sadd.s32 $0x1, s20;
	_ =	swait.ge [sflag:s16], $0x800  }
0x65: {  	p0 =	sne.s32 s20, s15;
	[sflag:s16] =	ssyncset.done $0x0  }
.Ltmp3:
0x66: {  	[sflag:s16] =	ssyncadd.s32 $0xFFFFF800;
	(pc) =	sbr.rel @p0 .LBB2_1-.Ltmp3, $4  }
0x67: {  	[hbm4b:s14+s3] =	stream.linear.scatter [tilespmem:s17], [sflag:$0x1], $0x800, $0x38;
	[tilespmem:$0x5F80] =	vst v63  }
0x68: {  	_ =	swait.ge [sflag:s16], $0x800  }
0x69: {  	[sflag:s16] =	ssyncset.done $0x0  }
0x6a: {  	[sflag:s16] =	ssyncadd.s32 $0xFFFFF800  }
0x6b: {  	_ =	sfence.sel $0x180000  }
0x6c: {  	[bflag:$0x0] =	sbarrier.arrive $0xFFFF  }
0x6d: {  	p0 =	sne.s32 s1, $0x0;
	_ =	strace $0x90000047  }
0x6e: {  	s0 =	sadd.s32 @!p0 $0x100000, s0;
	[bflag:$0x2] =	sbarrier.arrive $0xFFFF  }
0x6f: {  	[sflag:s0] =	ssyncadd.tile.s32 @!p0 $0x1;
	_ =	shalt  }
.Lfunc_end2:
_tile_overlayer_lowered:
.L_overlay_start_2:
0x70: {  	(tag) =	ssettag $0x2  }
0x71: {  	s0 =	rddreg [dreg:$0x0];
	s2 =	stileid.u32  }
0x72: {  	s1 =	rddreg [dreg:$0x1];
	p0 =	sne.s32 s2, $0x0  }
0x73: {  	s3 =	rddreg [dreg:$0x2];
	[bflag:$0x3] =	sbarrier.arrive $0xFFFF;
	s2 =	simm.s32 @!p0 $0x1C01  }
0x74: {  	[timem:s3], [sflag:s2] =	dma.local @!p0 [hbm:s0], s1  }
0x75: {  	s0 =	simm.s32 @!p0 $0x1  }
0x76: {  	_ =	swait.ge @!p0 [sflag:s0], s1  }
0x77: {  	s1 =	ssub.s32 @!p0 $0x0, s1;
	[sflag:s0] =	ssyncset.done @!p0 $0x0  }
0x78: {  	[sflag:s0] =	ssyncadd.s32 @!p0 s1  }
0x79: {  	[bflag:$0x3] =	sbarrier.arrive $0xFFFF  }
0x7a: {  	_ =	shalt  }

</sc_bundles>
